<compile_context>
chip_gen: v7x
topology: tpu7x:2x2x1
jax: 0.10.2.dev20260603
libtpu: 0.0.44.dev20260713+nightly
codegen_flags: <defaults>
</compile_context>

<pallas_src>
import functools

import jax
import jax.numpy as jnp
from jax import lax
from jax.experimental import pallas as pl
from jax.experimental.pallas import tpu as pltpu
from jax.experimental.pallas import tpu_sc as plsc

NUM_CORES = 2
NUM_SUBCORES = 16
LANES = 16
NW = NUM_CORES * NUM_SUBCORES

BATCH = 16384
FEAT_DIM = 32
BPW = BATCH // NW
TILE_W = 128
NBUF = 20
PH = 8
NPH = BPW // PH


def _partial_sums(features_t, labels_s, centers_t):
    mesh = plsc.VectorSubcoreMesh(core_axis_name="c", subcore_axis_name="s")

    @functools.partial(
        pl.kernel,
        mesh=mesh,
        out_type=jax.ShapeDtypeStruct((NW * LANES,), jnp.float32),
        compiler_params=pltpu.CompilerParams(use_tc_tiling_on_sc=True,
                                             needs_layout_passes=False),
        scratch_types=[
            pltpu.VMEM((BPW + LANES,), jnp.int32),
            pltpu.VMEM((FEAT_DIM, BPW), jnp.float32),
            pltpu.VMEM((NBUF, FEAT_DIM, TILE_W), jnp.float32),
            pltpu.VMEM((LANES,), jnp.float32),
            pltpu.SMEM((4, PH), jnp.int32),
            pltpu.SemaphoreType.DMA,
            pltpu.SemaphoreType.DMA,
        ],
    )
    def k(feat_hbm, lab_hbm, cent_hbm, out_hbm,
          idx_v, feat_v, cbuf, acc_v, slot_sm, sem, fsem):
        cid = lax.axis_index("c")
        sid = lax.axis_index("s")
        wid = sid * NUM_CORES + cid
        base = wid * BPW
        iota = lax.iota(jnp.int32, LANES)
        rows_lo = iota
        rows_hi = iota + LANES

        pltpu.sync_copy(lab_hbm.at[pl.ds(base, BPW)], idx_v.at[pl.ds(0, BPW)])
        feat_cp = pltpu.async_copy(feat_hbm.at[:, pl.ds(base, BPW)],
                                   feat_v, fsem)

        def fire_phase(q, nf, cur_col):
            vec = idx_v[pl.ds(q * PH, LANES)]
            nf0 = nf
            for i in range(PH):
                col = pl.multiple_of((vec[i] >> 7) << 7, TILE_W)
                neq = col != cur_col
                slot = lax.rem(nf, NBUF)

                @pl.when(neq)
                def _():
                    pltpu.async_copy(cent_hbm.at[:, pl.ds(col, TILE_W)],
                                     cbuf.at[slot], sem)

                nf = jnp.where(neq, nf + 1, nf)
                cur_col = jnp.where(neq, col, cur_col)
                slot_sm[lax.rem(q, 4), i] = lax.rem(nf - 1, NBUF)
            return nf, cur_col, nf - nf0

        def waits(n):
            def wbody(j, c):
                pltpu.make_async_copy(cent_hbm.at[:, pl.ds(0, TILE_W)],
                                      cbuf.at[0], sem).wait()
                return c
            lax.fori_loop(0, n, wbody, 0)

        def consume_phase(p, acc):
            vec = idx_v[pl.ds(p * PH, LANES)]
            for i in range(PH):
                lane = jnp.full((LANES,), vec[i] & (TILE_W - 1), jnp.int32)
                slot = jnp.full((LANES,), slot_sm[lax.rem(p, 4), i], jnp.int32)
                item = jnp.full((LANES,), p * PH + i, jnp.int32)
                c_lo = plsc.load_gather(cbuf, [slot, rows_lo, lane])
                c_hi = plsc.load_gather(cbuf, [slot, rows_hi, lane])
                f_lo = plsc.load_gather(feat_v, [rows_lo, item])
                f_hi = plsc.load_gather(feat_v, [rows_hi, item])
                d_lo = f_lo - c_lo
                d_hi = f_hi - c_hi
                acc = acc + d_lo * d_lo + d_hi * d_hi
            return acc

        nf, cur_col, cnt0 = fire_phase(0, jnp.int32(0), jnp.int32(-1))
        nf, cur_col, cnt1 = fire_phase(1, nf, cur_col)
        feat_cp.wait()

        def body(p, carry):
            cur_col, nf, cnt_a, cnt_b, acc = carry
            waits(cnt_a)
            acc = consume_phase(p, acc)
            nf, cur_col, cnt_new = fire_phase(p + 2, nf, cur_col)
            return cur_col, nf, cnt_b, cnt_new, acc

        cur_col, nf, cnt_a, cnt_b, acc = lax.fori_loop(
            0, NPH - 2, body,
            (cur_col, nf, cnt0, cnt1, jnp.zeros((LANES,), jnp.float32)))

        waits(cnt_a)
        acc = consume_phase(NPH - 2, acc)
        waits(cnt_b)
        acc = consume_phase(NPH - 1, acc)

        acc_v[...] = acc
        pltpu.sync_copy(acc_v, out_hbm.at[pl.ds(wid * LANES, LANES)])

    return k(features_t, labels_s, centers_t)


def kernel(features, labels, centers):
    labels32 = labels.astype(jnp.int32)
    perm = jnp.argsort(labels32)
    labels_s = jnp.take(labels32, perm)
    features_s = jnp.take(features, perm, axis=0)
    partials = _partial_sums(features_s.T, labels_s, centers.T)
    return jnp.sum(partials) * (0.5 / BATCH)

# --- scband reference (transcript-rebuilt; emitter-appended) ---
"""Pipeline reference for scband-center-loss-63221918597264 (READ-ONLY COPY).

The authoritative reference and input builder live on the scoring server;
editing this copy changes nothing except your own understanding.
"""

import jax, jax.numpy as jnp
import numpy as np

NUM_CLASSES = 1000000
FEAT_DIM = 32
BATCH = 16384


def setup_inputs(seed: int = 0) -> dict:
    key = jax.random.key(seed)
    k1, k2, k3 = jax.random.split(key, 3)
    features = jax.random.normal(k1, (BATCH, FEAT_DIM), dtype=jnp.float32)
    labels = jax.random.randint(k2, (BATCH,), 0, NUM_CLASSES, dtype=jnp.int64 if jax.config.jax_enable_x64 else jnp.int32)
    centers = jax.random.normal(k3, (NUM_CLASSES, FEAT_DIM), dtype=jnp.float32)
    return {"features": features, "labels": labels, "centers": centers}


def reference(features, labels, centers):
    # centers_batch = self.centers.index_select(0, labels)
    centers_batch = jnp.take(centers, labels, axis=0)
    # ((features - centers_batch) ** 2).sum(dim=1).mean() * 0.5
    loss = jnp.mean(jnp.sum((features - centers_batch) ** 2, axis=1)) * 0.5
    return loss

if __name__ == "__main__":
    import jax
    _d = setup_inputs()
    print(jax.jit(kernel)(*tuple(_d.values())))

</pallas_src>

<mosaic_0001>
#map = affine_map<(d0, d1) -> (0, 0)>
#map1 = affine_map<(d0, d1) -> (0)>
module attributes {stable_mosaic.version = 14 : i64} {
  func.func @k(%arg0: i32, %arg1: i32, %arg2: memref<32x16384xf32, #tpu.memory_space<hbm>>, %arg3: memref<16384xi32, #tpu.memory_space<hbm>>, %arg4: memref<32x1000000xf32, #tpu.memory_space<hbm>>, %arg5: memref<512xf32, #tpu.memory_space<hbm>>, %arg6: memref<528xi32, #tpu.memory_space<vmem>>, %arg7: memref<32x512xf32, #tpu.memory_space<vmem>>, %arg8: memref<20x32x128xf32, #tpu.memory_space<vmem>>, %arg9: memref<16xf32, #tpu.memory_space<vmem>>, %arg10: memref<4x8xi32, #tpu.memory_space<smem>>, %arg11: memref<!tpu.dma_semaphore, #tpu.memory_space<semaphore_mem>>, %arg12: memref<!tpu.dma_semaphore, #tpu.memory_space<semaphore_mem>>) attributes {dimension_semantics = [#tpu.dimension_semantics<core_parallel>, #tpu.dimension_semantics<subcore_parallel>], iteration_bounds = array<i64: 2, 16>, scalar_prefetch = 0 : i64, scratch_operands = 7 : i64, tpu.core_type = #tpu.core_type<sc_vector_subcore>, window_params = [{transform_indices = #map}, {transform_indices = #map1}, {transform_indices = #map}, {transform_indices = #map1}]} {
    %mul3A = arith.constant 2 : i32
    %mul3A_0 = arith.muli %arg1, %mul3A : i32
    %add3A = arith.addi %mul3A_0, %arg0 : i32
    %mul3A_1 = arith.constant 512 : i32
    %mul3A_2 = arith.muli %add3A, %mul3A_1 : i32
    %iota3A = tpu.iota {dimensions = array<i32: 0>} : vector<16xi32>
    %add3A_3 = arith.constant 16 : i32
    %add3A_4 = vector.broadcast %add3A_3 : i32 to vector<16xi32>
    %add3A_5 = arith.addi %iota3A, %add3A_4 : vector<16xi32>
    "tpu.region"() ({
      %run_scoped3A = tpu.sem_alloc : memref<!tpu.dma_semaphore, #tpu.memory_space<semaphore_mem>>
      %dma_start3A_889 = arith.constant 0 : i32
      %dma_start3A_890 = tpu.memref_slice %arg6[%dma_start3A_889] : memref<528xi32, #tpu.memory_space<vmem>> -> memref<512xi32, #tpu.memory_space<vmem>>
      %dma_start3A_891 = tpu.memref_slice %arg3[%mul3A_2] : memref<16384xi32, #tpu.memory_space<hbm>> -> memref<512xi32, #tpu.memory_space<hbm>>
      %dma_start3A_892 = arith.constant 0 : i32
      %dma_start3A_893 = tpu.memref_slice %arg6[%dma_start3A_892] : memref<528xi32, #tpu.memory_space<vmem>> -> memref<512xi32, #tpu.memory_space<vmem>>
      %dma_start3A_894 = tpu.memref_slice %arg3[%mul3A_2] : memref<16384xi32, #tpu.memory_space<hbm>> -> memref<512xi32, #tpu.memory_space<hbm>>
      tpu.enqueue_dma source(%dma_start3A_894 : memref<512xi32, #tpu.memory_space<hbm>>) target(%dma_start3A_893 : memref<512xi32, #tpu.memory_space<vmem>>) target_semaphore(%run_scoped3A : memref<!tpu.dma_semaphore, #tpu.memory_space<semaphore_mem>>)
      %dma_wait3A_895 = arith.constant 0 : i32
      %dma_wait3A_896 = tpu.memref_slice %arg6[%dma_wait3A_895] : memref<528xi32, #tpu.memory_space<vmem>> -> memref<512xi32, #tpu.memory_space<vmem>>
      %dma_wait3A_897 = tpu.memref_slice %arg3[%mul3A_2] : memref<16384xi32, #tpu.memory_space<hbm>> -> memref<512xi32, #tpu.memory_space<hbm>>
      %dma_wait3A_898 = arith.constant 0 : i32
      %dma_wait3A_899 = tpu.memref_slice %arg6[%dma_wait3A_898] : memref<528xi32, #tpu.memory_space<vmem>> -> memref<512xi32, #tpu.memory_space<vmem>>
      %dma_wait3A_900 = tpu.memref_slice %arg3[%mul3A_2] : memref<16384xi32, #tpu.memory_space<hbm>> -> memref<512xi32, #tpu.memory_space<hbm>>
      tpu.wait_dma2 semaphore(%run_scoped3A : memref<!tpu.dma_semaphore, #tpu.memory_space<semaphore_mem>>) src(%dma_wait3A_900 : memref<512xi32, #tpu.memory_space<hbm>>) dst(%dma_wait3A_899 : memref<512xi32, #tpu.memory_space<vmem>>)
      tpu.yield
    }) : () -> ()
    %dma_start3A = arith.constant 0 : i32
    %dma_start3A_6 = tpu.memref_slice %arg2[%dma_start3A, %mul3A_2] : memref<32x16384xf32, #tpu.memory_space<hbm>> -> memref<32x512xf32, #tpu.memory_space<hbm>>
    %dma_start3A_7 = arith.constant 0 : i32
    %dma_start3A_8 = tpu.memref_slice %arg2[%dma_start3A_7, %mul3A_2] : memref<32x16384xf32, #tpu.memory_space<hbm>> -> memref<32x512xf32, #tpu.memory_space<hbm>>
    tpu.enqueue_dma source(%dma_start3A_8 : memref<32x512xf32, #tpu.memory_space<hbm>>) target(%arg7 : memref<32x512xf32, #tpu.memory_space<vmem>>) target_semaphore(%arg12 : memref<!tpu.dma_semaphore, #tpu.memory_space<semaphore_mem>>)
    %get3A = arith.constant 0 : index
    %get3A_9 = tpu.vector_load %arg6[%get3A] {strides = array<i32>} : memref<528xi32, #tpu.memory_space<vmem>>, vector<16xi32>,
    %slice3A = vector.extract_strided_slice %get3A_9 {offsets = [0], sizes = [1], strides = [1]} : vector<16xi32> to vector<1xi32>
    %squeeze3A = vector.extract %slice3A[0] : i32 from vector<1xi32>
    %shift_right_arithmetic3A = arith.constant 7 : i32
    %shift_right_arithmetic3A_10 = arith.shrsi %squeeze3A, %shift_right_arithmetic3A : i32
    %shift_left3A = arith.constant 7 : i32
    %shift_left3A_11 = arith.shli %shift_right_arithmetic3A_10, %shift_left3A : i32
    %multiple_of3A = tpu.assume_multiple %shift_left3A_11, 128 : i32
    %ne3A = arith.constant -1 : i32
    %ne3A_12 = arith.cmpi ne, %multiple_of3A, %ne3A : i32
    %rem3A = arith.constant 0 : i32
    %rem3A_13 = arith.constant 20 : i32
    %rem3A_14 = arith.remsi %rem3A, %rem3A_13 : i32
    %convert_element_type3A = arith.extui %ne3A_12 : i1 to i32
    %cond3A = arith.constant 0 : i32
    %cond3A_15 = arith.cmpi ne, %convert_element_type3A, %cond3A : i32
    scf.if %cond3A_15 {
      %dma_start3A_889 = arith.constant 0 : i32
      %dma_start3A_890 = arith.constant 0 : i32
      %dma_start3A_891 = tpu.memref_slice %arg8[%rem3A_14, %dma_start3A_889, %dma_start3A_890] : memref<20x32x128xf32, #tpu.memory_space<vmem>> -> memref<1x32x128xf32, #tpu.memory_space<vmem>>
      %dma_start3A_892 = tpu.memref_squeeze %dma_start3A_891 : memref<1x32x128xf32, #tpu.memory_space<vmem>> -> memref<32x128xf32, #tpu.memory_space<vmem>>
      %dma_start3A_893 = arith.constant 0 : i32
      %dma_start3A_894 = tpu.memref_slice %arg4[%dma_start3A_893, %multiple_of3A] : memref<32x1000000xf32, #tpu.memory_space<hbm>> -> memref<32x128xf32, #tpu.memory_space<hbm>>
      %dma_start3A_895 = arith.constant 0 : i32
      %dma_start3A_896 = arith.constant 0 : i32
      %dma_start3A_897 = tpu.memref_slice %arg8[%rem3A_14, %dma_start3A_895, %dma_start3A_896] : memref<20x32x128xf32, #tpu.memory_space<vmem>> -> memref<1x32x128xf32, #tpu.memory_space<vmem>>
      %dma_start3A_898 = tpu.memref_squeeze %dma_start3A_897 : memref<1x32x128xf32, #tpu.memory_space<vmem>> -> memref<32x128xf32, #tpu.memory_space<vmem>>
      %dma_start3A_899 = arith.constant 0 : i32
      %dma_start3A_900 = tpu.memref_slice %arg4[%dma_start3A_899, %multiple_of3A] : memref<32x1000000xf32, #tpu.memory_space<hbm>> -> memref<32x128xf32, #tpu.memory_space<hbm>>
      tpu.enqueue_dma source(%dma_start3A_900 : memref<32x128xf32, #tpu.memory_space<hbm>>) target(%dma_start3A_898 : memref<32x128xf32, #tpu.memory_space<vmem>>) target_semaphore(%arg11 : memref<!tpu.dma_semaphore, #tpu.memory_space<semaphore_mem>>)
    } else {
    }
    %add3A_16 = arith.constant 0 : i32
    %add3A_17 = arith.constant 1 : i32
    %add3A_18 = arith.addi %add3A_16, %add3A_17 : i32
    %jit3A = arith.constant 0 : i32
    %select_n3A = arith.select %ne3A_12, %add3A_18, %jit3A : i32
    %jit3A_19 = arith.constant -1 : i32
    %select_n3A_20 = arith.select %ne3A_12, %multiple_of3A, %jit3A_19 : i32
    %sub3A = arith.constant 1 : i32
    %sub3A_21 = arith.subi %select_n3A, %sub3A : i32
    %rem3A_22 = arith.constant 20 : i32
    %rem3A_23 = arith.remsi %sub3A_21, %rem3A_22 : i32
    %rem3A_24 = arith.constant 0 : i32
    %rem3A_25 = arith.constant 4 : i32
    %rem3A_26 = arith.remsi %rem3A_24, %rem3A_25 : i32
    %swap3A = arith.constant 0 : i32
    %swap3A_27 = arith.index_cast %rem3A_26 : i32 to index
    %swap3A_28 = arith.index_cast %swap3A : i32 to index
    %swap3A_29 = memref.load %arg10[%swap3A_27, %swap3A_28] : memref<4x8xi32, #tpu.memory_space<smem>>
    memref.store %rem3A_23, %arg10[%swap3A_27, %swap3A_28] : memref<4x8xi32, #tpu.memory_space<smem>>
    %slice3A_30 = vector.extract_strided_slice %get3A_9 {offsets = [1], sizes = [1], strides = [1]} : vector<16xi32> to vector<1xi32>
    %squeeze3A_31 = vector.extract %slice3A_30[0] : i32 from vector<1xi32>
    %shift_right_arithmetic3A_32 = arith.constant 7 : i32
    %shift_right_arithmetic3A_33 = arith.shrsi %squeeze3A_31, %shift_right_arithmetic3A_32 : i32
    %shift_left3A_34 = arith.constant 7 : i32
    %shift_left3A_35 = arith.shli %shift_right_arithmetic3A_33, %shift_left3A_34 : i32
    %multiple_of3A_36 = tpu.assume_multiple %shift_left3A_35, 128 : i32
    %ne3A_37 = arith.cmpi ne, %multiple_of3A_36, %select_n3A_20 : i32
    %rem3A_38 = arith.constant 20 : i32
    %rem3A_39 = arith.remsi %select_n3A, %rem3A_38 : i32
    %convert_element_type3A_40 = arith.extui %ne3A_37 : i1 to i32
    %cond3A_41 = arith.constant 0 : i32
    %cond3A_42 = arith.cmpi ne, %convert_element_type3A_40, %cond3A_41 : i32
    scf.if %cond3A_42 {
      %dma_start3A_889 = arith.constant 0 : i32
      %dma_start3A_890 = arith.constant 0 : i32
      %dma_start3A_891 = tpu.memref_slice %arg8[%rem3A_39, %dma_start3A_889, %dma_start3A_890] : memref<20x32x128xf32, #tpu.memory_space<vmem>> -> memref<1x32x128xf32, #tpu.memory_space<vmem>>
      %dma_start3A_892 = tpu.memref_squeeze %dma_start3A_891 : memref<1x32x128xf32, #tpu.memory_space<vmem>> -> memref<32x128xf32, #tpu.memory_space<vmem>>
      %dma_start3A_893 = arith.constant 0 : i32
      %dma_start3A_894 = tpu.memref_slice %arg4[%dma_start3A_893, %multiple_of3A_36] : memref<32x1000000xf32, #tpu.memory_space<hbm>> -> memref<32x128xf32, #tpu.memory_space<hbm>>
      %dma_start3A_895 = arith.constant 0 : i32
      %dma_start3A_896 = arith.constant 0 : i32
      %dma_start3A_897 = tpu.memref_slice %arg8[%rem3A_39, %dma_start3A_895, %dma_start3A_896] : memref<20x32x128xf32, #tpu.memory_space<vmem>> -> memref<1x32x128xf32, #tpu.memory_space<vmem>>
      %dma_start3A_898 = tpu.memref_squeeze %dma_start3A_897 : memref<1x32x128xf32, #tpu.memory_space<vmem>> -> memref<32x128xf32, #tpu.memory_space<vmem>>
      %dma_start3A_899 = arith.constant 0 : i32
      %dma_start3A_900 = tpu.memref_slice %arg4[%dma_start3A_899, %multiple_of3A_36] : memref<32x1000000xf32, #tpu.memory_space<hbm>> -> memref<32x128xf32, #tpu.memory_space<hbm>>
      tpu.enqueue_dma source(%dma_start3A_900 : memref<32x128xf32, #tpu.memory_space<hbm>>) target(%dma_start3A_898 : memref<32x128xf32, #tpu.memory_space<vmem>>) target_semaphore(%arg11 : memref<!tpu.dma_semaphore, #tpu.memory_space<semaphore_mem>>)
    } else {
    }
    %add3A_43 = arith.constant 1 : i32
    %add3A_44 = arith.addi %select_n3A, %add3A_43 : i32
    %select_n3A_45 = arith.select %ne3A_37, %add3A_44, %select_n3A : i32
    %select_n3A_46 = arith.select %ne3A_37, %multiple_of3A_36, %select_n3A_20 : i32
    %sub3A_47 = arith.constant 1 : i32
    %sub3A_48 = arith.subi %select_n3A_45, %sub3A_47 : i32
    %rem3A_49 = arith.constant 20 : i32
    %rem3A_50 = arith.remsi %sub3A_48, %rem3A_49 : i32
    %rem3A_51 = arith.constant 0 : i32
    %rem3A_52 = arith.constant 4 : i32
    %rem3A_53 = arith.remsi %rem3A_51, %rem3A_52 : i32
    %swap3A_54 = arith.constant 1 : i32
    %swap3A_55 = arith.index_cast %rem3A_53 : i32 to index
    %swap3A_56 = arith.index_cast %swap3A_54 : i32 to index
    %swap3A_57 = memref.load %arg10[%swap3A_55, %swap3A_56] : memref<4x8xi32, #tpu.memory_space<smem>>
    memref.store %rem3A_50, %arg10[%swap3A_55, %swap3A_56] : memref<4x8xi32, #tpu.memory_space<smem>>
    %slice3A_58 = vector.extract_strided_slice %get3A_9 {offsets = [2], sizes = [1], strides = [1]} : vector<16xi32> to vector<1xi32>
    %squeeze3A_59 = vector.extract %slice3A_58[0] : i32 from vector<1xi32>
    %shift_right_arithmetic3A_60 = arith.constant 7 : i32
    %shift_right_arithmetic3A_61 = arith.shrsi %squeeze3A_59, %shift_right_arithmetic3A_60 : i32
    %shift_left3A_62 = arith.constant 7 : i32
    %shift_left3A_63 = arith.shli %shift_right_arithmetic3A_61, %shift_left3A_62 : i32
    %multiple_of3A_64 = tpu.assume_multiple %shift_left3A_63, 128 : i32
    %ne3A_65 = arith.cmpi ne, %multiple_of3A_64, %select_n3A_46 : i32
    %rem3A_66 = arith.constant 20 : i32
    %rem3A_67 = arith.remsi %select_n3A_45, %rem3A_66 : i32
    %convert_element_type3A_68 = arith.extui %ne3A_65 : i1 to i32
    %cond3A_69 = arith.constant 0 : i32
    %cond3A_70 = arith.cmpi ne, %convert_element_type3A_68, %cond3A_69 : i32
    scf.if %cond3A_70 {
      %dma_start3A_889 = arith.constant 0 : i32
      %dma_start3A_890 = arith.constant 0 : i32
      %dma_start3A_891 = tpu.memref_slice %arg8[%rem3A_67, %dma_start3A_889, %dma_start3A_890] : memref<20x32x128xf32, #tpu.memory_space<vmem>> -> memref<1x32x128xf32, #tpu.memory_space<vmem>>
      %dma_start3A_892 = tpu.memref_squeeze %dma_start3A_891 : memref<1x32x128xf32, #tpu.memory_space<vmem>> -> memref<32x128xf32, #tpu.memory_space<vmem>>
      %dma_start3A_893 = arith.constant 0 : i32
      %dma_start3A_894 = tpu.memref_slice %arg4[%dma_start3A_893, %multiple_of3A_64] : memref<32x1000000xf32, #tpu.memory_space<hbm>> -> memref<32x128xf32, #tpu.memory_space<hbm>>
      %dma_start3A_895 = arith.constant 0 : i32
      %dma_start3A_896 = arith.constant 0 : i32
      %dma_start3A_897 = tpu.memref_slice %arg8[%rem3A_67, %dma_start3A_895, %dma_start3A_896] : memref<20x32x128xf32, #tpu.memory_space<vmem>> -> memref<1x32x128xf32, #tpu.memory_space<vmem>>
      %dma_start3A_898 = tpu.memref_squeeze %dma_start3A_897 : memref<1x32x128xf32, #tpu.memory_space<vmem>> -> memref<32x128xf32, #tpu.memory_space<vmem>>
      %dma_start3A_899 = arith.constant 0 : i32
      %dma_start3A_900 = tpu.memref_slice %arg4[%dma_start3A_899, %multiple_of3A_64] : memref<32x1000000xf32, #tpu.memory_space<hbm>> -> memref<32x128xf32, #tpu.memory_space<hbm>>
      tpu.enqueue_dma source(%dma_start3A_900 : memref<32x128xf32, #tpu.memory_space<hbm>>) target(%dma_start3A_898 : memref<32x128xf32, #tpu.memory_space<vmem>>) target_semaphore(%arg11 : memref<!tpu.dma_semaphore, #tpu.memory_space<semaphore_mem>>)
    } else {
    }
    %add3A_71 = arith.constant 1 : i32
    %add3A_72 = arith.addi %select_n3A_45, %add3A_71 : i32
    %select_n3A_73 = arith.select %ne3A_65, %add3A_72, %select_n3A_45 : i32
    %select_n3A_74 = arith.select %ne3A_65, %multiple_of3A_64, %select_n3A_46 : i32
    %sub3A_75 = arith.constant 1 : i32
    %sub3A_76 = arith.subi %select_n3A_73, %sub3A_75 : i32
    %rem3A_77 = arith.constant 20 : i32
    %rem3A_78 = arith.remsi %sub3A_76, %rem3A_77 : i32
    %rem3A_79 = arith.constant 0 : i32
    %rem3A_80 = arith.constant 4 : i32
    %rem3A_81 = arith.remsi %rem3A_79, %rem3A_80 : i32
    %swap3A_82 = arith.constant 2 : i32
    %swap3A_83 = arith.index_cast %rem3A_81 : i32 to index
    %swap3A_84 = arith.index_cast %swap3A_82 : i32 to index
    %swap3A_85 = memref.load %arg10[%swap3A_83, %swap3A_84] : memref<4x8xi32, #tpu.memory_space<smem>>
    memref.store %rem3A_78, %arg10[%swap3A_83, %swap3A_84] : memref<4x8xi32, #tpu.memory_space<smem>>
    %slice3A_86 = vector.extract_strided_slice %get3A_9 {offsets = [3], sizes = [1], strides = [1]} : vector<16xi32> to vector<1xi32>
    %squeeze3A_87 = vector.extract %slice3A_86[0] : i32 from vector<1xi32>
    %shift_right_arithmetic3A_88 = arith.constant 7 : i32
    %shift_right_arithmetic3A_89 = arith.shrsi %squeeze3A_87, %shift_right_arithmetic3A_88 : i32
    %shift_left3A_90 = arith.constant 7 : i32
    %shift_left3A_91 = arith.shli %shift_right_arithmetic3A_89, %shift_left3A_90 : i32
    %multiple_of3A_92 = tpu.assume_multiple %shift_left3A_91, 128 : i32
    %ne3A_93 = arith.cmpi ne, %multiple_of3A_92, %select_n3A_74 : i32
    %rem3A_94 = arith.constant 20 : i32
    %rem3A_95 = arith.remsi %select_n3A_73, %rem3A_94 : i32
    %convert_element_type3A_96 = arith.extui %ne3A_93 : i1 to i32
    %cond3A_97 = arith.constant 0 : i32
    %cond3A_98 = arith.cmpi ne, %convert_element_type3A_96, %cond3A_97 : i32
    scf.if %cond3A_98 {
      %dma_start3A_889 = arith.constant 0 : i32
      %dma_start3A_890 = arith.constant 0 : i32
      %dma_start3A_891 = tpu.memref_slice %arg8[%rem3A_95, %dma_start3A_889, %dma_start3A_890] : memref<20x32x128xf32, #tpu.memory_space<vmem>> -> memref<1x32x128xf32, #tpu.memory_space<vmem>>
      %dma_start3A_892 = tpu.memref_squeeze %dma_start3A_891 : memref<1x32x128xf32, #tpu.memory_space<vmem>> -> memref<32x128xf32, #tpu.memory_space<vmem>>
      %dma_start3A_893 = arith.constant 0 : i32
      %dma_start3A_894 = tpu.memref_slice %arg4[%dma_start3A_893, %multiple_of3A_92] : memref<32x1000000xf32, #tpu.memory_space<hbm>> -> memref<32x128xf32, #tpu.memory_space<hbm>>
      %dma_start3A_895 = arith.constant 0 : i32
      %dma_start3A_896 = arith.constant 0 : i32
      %dma_start3A_897 = tpu.memref_slice %arg8[%rem3A_95, %dma_start3A_895, %dma_start3A_896] : memref<20x32x128xf32, #tpu.memory_space<vmem>> -> memref<1x32x128xf32, #tpu.memory_space<vmem>>
      %dma_start3A_898 = tpu.memref_squeeze %dma_start3A_897 : memref<1x32x128xf32, #tpu.memory_space<vmem>> -> memref<32x128xf32, #tpu.memory_space<vmem>>
      %dma_start3A_899 = arith.constant 0 : i32
      %dma_start3A_900 = tpu.memref_slice %arg4[%dma_start3A_899, %multiple_of3A_92] : memref<32x1000000xf32, #tpu.memory_space<hbm>> -> memref<32x128xf32, #tpu.memory_space<hbm>>
      tpu.enqueue_dma source(%dma_start3A_900 : memref<32x128xf32, #tpu.memory_space<hbm>>) target(%dma_start3A_898 : memref<32x128xf32, #tpu.memory_space<vmem>>) target_semaphore(%arg11 : memref<!tpu.dma_semaphore, #tpu.memory_space<semaphore_mem>>)
    } else {
    }
    %add3A_99 = arith.constant 1 : i32
    %add3A_100 = arith.addi %select_n3A_73, %add3A_99 : i32
    %select_n3A_101 = arith.select %ne3A_93, %add3A_100, %select_n3A_73 : i32
    %select_n3A_102 = arith.select %ne3A_93, %multiple_of3A_92, %select_n3A_74 : i32
    %sub3A_103 = arith.constant 1 : i32
    %sub3A_104 = arith.subi %select_n3A_101, %sub3A_103 : i32
    %rem3A_105 = arith.constant 20 : i32
    %rem3A_106 = arith.remsi %sub3A_104, %rem3A_105 : i32
    %rem3A_107 = arith.constant 0 : i32
    %rem3A_108 = arith.constant 4 : i32
    %rem3A_109 = arith.remsi %rem3A_107, %rem3A_108 : i32
    %swap3A_110 = arith.constant 3 : i32
    %swap3A_111 = arith.index_cast %rem3A_109 : i32 to index
    %swap3A_112 = arith.index_cast %swap3A_110 : i32 to index
    %swap3A_113 = memref.load %arg10[%swap3A_111, %swap3A_112] : memref<4x8xi32, #tpu.memory_space<smem>>
    memref.store %rem3A_106, %arg10[%swap3A_111, %swap3A_112] : memref<4x8xi32, #tpu.memory_space<smem>>
    %slice3A_114 = vector.extract_strided_slice %get3A_9 {offsets = [4], sizes = [1], strides = [1]} : vector<16xi32> to vector<1xi32>
    %squeeze3A_115 = vector.extract %slice3A_114[0] : i32 from vector<1xi32>
    %shift_right_arithmetic3A_116 = arith.constant 7 : i32
    %shift_right_arithmetic3A_117 = arith.shrsi %squeeze3A_115, %shift_right_arithmetic3A_116 : i32
    %shift_left3A_118 = arith.constant 7 : i32
    %shift_left3A_119 = arith.shli %shift_right_arithmetic3A_117, %shift_left3A_118 : i32
    %multiple_of3A_120 = tpu.assume_multiple %shift_left3A_119, 128 : i32
    %ne3A_121 = arith.cmpi ne, %multiple_of3A_120, %select_n3A_102 : i32
    %rem3A_122 = arith.constant 20 : i32
    %rem3A_123 = arith.remsi %select_n3A_101, %rem3A_122 : i32
    %convert_element_type3A_124 = arith.extui %ne3A_121 : i1 to i32
    %cond3A_125 = arith.constant 0 : i32
    %cond3A_126 = arith.cmpi ne, %convert_element_type3A_124, %cond3A_125 : i32
    scf.if %cond3A_126 {
      %dma_start3A_889 = arith.constant 0 : i32
      %dma_start3A_890 = arith.constant 0 : i32
      %dma_start3A_891 = tpu.memref_slice %arg8[%rem3A_123, %dma_start3A_889, %dma_start3A_890] : memref<20x32x128xf32, #tpu.memory_space<vmem>> -> memref<1x32x128xf32, #tpu.memory_space<vmem>>
      %dma_start3A_892 = tpu.memref_squeeze %dma_start3A_891 : memref<1x32x128xf32, #tpu.memory_space<vmem>> -> memref<32x128xf32, #tpu.memory_space<vmem>>
      %dma_start3A_893 = arith.constant 0 : i32
      %dma_start3A_894 = tpu.memref_slice %arg4[%dma_start3A_893, %multiple_of3A_120] : memref<32x1000000xf32, #tpu.memory_space<hbm>> -> memref<32x128xf32, #tpu.memory_space<hbm>>
      %dma_start3A_895 = arith.constant 0 : i32
      %dma_start3A_896 = arith.constant 0 : i32
      %dma_start3A_897 = tpu.memref_slice %arg8[%rem3A_123, %dma_start3A_895, %dma_start3A_896] : memref<20x32x128xf32, #tpu.memory_space<vmem>> -> memref<1x32x128xf32, #tpu.memory_space<vmem>>
      %dma_start3A_898 = tpu.memref_squeeze %dma_start3A_897 : memref<1x32x128xf32, #tpu.memory_space<vmem>> -> memref<32x128xf32, #tpu.memory_space<vmem>>
      %dma_start3A_899 = arith.constant 0 : i32
      %dma_start3A_900 = tpu.memref_slice %arg4[%dma_start3A_899, %multiple_of3A_120] : memref<32x1000000xf32, #tpu.memory_space<hbm>> -> memref<32x128xf32, #tpu.memory_space<hbm>>
      tpu.enqueue_dma source(%dma_start3A_900 : memref<32x128xf32, #tpu.memory_space<hbm>>) target(%dma_start3A_898 : memref<32x128xf32, #tpu.memory_space<vmem>>) target_semaphore(%arg11 : memref<!tpu.dma_semaphore, #tpu.memory_space<semaphore_mem>>)
    } else {
    }
    %add3A_127 = arith.constant 1 : i32
    %add3A_128 = arith.addi %select_n3A_101, %add3A_127 : i32
    %select_n3A_129 = arith.select %ne3A_121, %add3A_128, %select_n3A_101 : i32
    %select_n3A_130 = arith.select %ne3A_121, %multiple_of3A_120, %select_n3A_102 : i32
    %sub3A_131 = arith.constant 1 : i32
    %sub3A_132 = arith.subi %select_n3A_129, %sub3A_131 : i32
    %rem3A_133 = arith.constant 20 : i32
    %rem3A_134 = arith.remsi %sub3A_132, %rem3A_133 : i32
    %rem3A_135 = arith.constant 0 : i32
    %rem3A_136 = arith.constant 4 : i32
    %rem3A_137 = arith.remsi %rem3A_135, %rem3A_136 : i32
    %swap3A_138 = arith.constant 4 : i32
    %swap3A_139 = arith.index_cast %rem3A_137 : i32 to index
    %swap3A_140 = arith.index_cast %swap3A_138 : i32 to index
    %swap3A_141 = memref.load %arg10[%swap3A_139, %swap3A_140] : memref<4x8xi32, #tpu.memory_space<smem>>
    memref.store %rem3A_134, %arg10[%swap3A_139, %swap3A_140] : memref<4x8xi32, #tpu.memory_space<smem>>
    %slice3A_142 = vector.extract_strided_slice %get3A_9 {offsets = [5], sizes = [1], strides = [1]} : vector<16xi32> to vector<1xi32>
    %squeeze3A_143 = vector.extract %slice3A_142[0] : i32 from vector<1xi32>
    %shift_right_arithmetic3A_144 = arith.constant 7 : i32
    %shift_right_arithmetic3A_145 = arith.shrsi %squeeze3A_143, %shift_right_arithmetic3A_144 : i32
    %shift_left3A_146 = arith.constant 7 : i32
    %shift_left3A_147 = arith.shli %shift_right_arithmetic3A_145, %shift_left3A_146 : i32
    %multiple_of3A_148 = tpu.assume_multiple %shift_left3A_147, 128 : i32
    %ne3A_149 = arith.cmpi ne, %multiple_of3A_148, %select_n3A_130 : i32
    %rem3A_150 = arith.constant 20 : i32
    %rem3A_151 = arith.remsi %select_n3A_129, %rem3A_150 : i32
    %convert_element_type3A_152 = arith.extui %ne3A_149 : i1 to i32
    %cond3A_153 = arith.constant 0 : i32
    %cond3A_154 = arith.cmpi ne, %convert_element_type3A_152, %cond3A_153 : i32
    scf.if %cond3A_154 {
      %dma_start3A_889 = arith.constant 0 : i32
      %dma_start3A_890 = arith.constant 0 : i32
      %dma_start3A_891 = tpu.memref_slice %arg8[%rem3A_151, %dma_start3A_889, %dma_start3A_890] : memref<20x32x128xf32, #tpu.memory_space<vmem>> -> memref<1x32x128xf32, #tpu.memory_space<vmem>>
      %dma_start3A_892 = tpu.memref_squeeze %dma_start3A_891 : memref<1x32x128xf32, #tpu.memory_space<vmem>> -> memref<32x128xf32, #tpu.memory_space<vmem>>
      %dma_start3A_893 = arith.constant 0 : i32
      %dma_start3A_894 = tpu.memref_slice %arg4[%dma_start3A_893, %multiple_of3A_148] : memref<32x1000000xf32, #tpu.memory_space<hbm>> -> memref<32x128xf32, #tpu.memory_space<hbm>>
      %dma_start3A_895 = arith.constant 0 : i32
      %dma_start3A_896 = arith.constant 0 : i32
      %dma_start3A_897 = tpu.memref_slice %arg8[%rem3A_151, %dma_start3A_895, %dma_start3A_896] : memref<20x32x128xf32, #tpu.memory_space<vmem>> -> memref<1x32x128xf32, #tpu.memory_space<vmem>>
      %dma_start3A_898 = tpu.memref_squeeze %dma_start3A_897 : memref<1x32x128xf32, #tpu.memory_space<vmem>> -> memref<32x128xf32, #tpu.memory_space<vmem>>
      %dma_start3A_899 = arith.constant 0 : i32
      %dma_start3A_900 = tpu.memref_slice %arg4[%dma_start3A_899, %multiple_of3A_148] : memref<32x1000000xf32, #tpu.memory_space<hbm>> -> memref<32x128xf32, #tpu.memory_space<hbm>>
      tpu.enqueue_dma source(%dma_start3A_900 : memref<32x128xf32, #tpu.memory_space<hbm>>) target(%dma_start3A_898 : memref<32x128xf32, #tpu.memory_space<vmem>>) target_semaphore(%arg11 : memref<!tpu.dma_semaphore, #tpu.memory_space<semaphore_mem>>)
    } else {
    }
    %add3A_155 = arith.constant 1 : i32
    %add3A_156 = arith.addi %select_n3A_129, %add3A_155 : i32
    %select_n3A_157 = arith.select %ne3A_149, %add3A_156, %select_n3A_129 : i32
    %select_n3A_158 = arith.select %ne3A_149, %multiple_of3A_148, %select_n3A_130 : i32
    %sub3A_159 = arith.constant 1 : i32
    %sub3A_160 = arith.subi %select_n3A_157, %sub3A_159 : i32
    %rem3A_161 = arith.constant 20 : i32
    %rem3A_162 = arith.remsi %sub3A_160, %rem3A_161 : i32
    %rem3A_163 = arith.constant 0 : i32
    %rem3A_164 = arith.constant 4 : i32
    %rem3A_165 = arith.remsi %rem3A_163, %rem3A_164 : i32
    %swap3A_166 = arith.constant 5 : i32
    %swap3A_167 = arith.index_cast %rem3A_165 : i32 to index
    %swap3A_168 = arith.index_cast %swap3A_166 : i32 to index
    %swap3A_169 = memref.load %arg10[%swap3A_167, %swap3A_168] : memref<4x8xi32, #tpu.memory_space<smem>>
    memref.store %rem3A_162, %arg10[%swap3A_167, %swap3A_168] : memref<4x8xi32, #tpu.memory_space<smem>>
    %slice3A_170 = vector.extract_strided_slice %get3A_9 {offsets = [6], sizes = [1], strides = [1]} : vector<16xi32> to vector<1xi32>
    %squeeze3A_171 = vector.extract %slice3A_170[0] : i32 from vector<1xi32>
    %shift_right_arithmetic3A_172 = arith.constant 7 : i32
    %shift_right_arithmetic3A_173 = arith.shrsi %squeeze3A_171, %shift_right_arithmetic3A_172 : i32
    %shift_left3A_174 = arith.constant 7 : i32
    %shift_left3A_175 = arith.shli %shift_right_arithmetic3A_173, %shift_left3A_174 : i32
    %multiple_of3A_176 = tpu.assume_multiple %shift_left3A_175, 128 : i32
    %ne3A_177 = arith.cmpi ne, %multiple_of3A_176, %select_n3A_158 : i32
    %rem3A_178 = arith.constant 20 : i32
    %rem3A_179 = arith.remsi %select_n3A_157, %rem3A_178 : i32
    %convert_element_type3A_180 = arith.extui %ne3A_177 : i1 to i32
    %cond3A_181 = arith.constant 0 : i32
    %cond3A_182 = arith.cmpi ne, %convert_element_type3A_180, %cond3A_181 : i32
    scf.if %cond3A_182 {
      %dma_start3A_889 = arith.constant 0 : i32
      %dma_start3A_890 = arith.constant 0 : i32
      %dma_start3A_891 = tpu.memref_slice %arg8[%rem3A_179, %dma_start3A_889, %dma_start3A_890] : memref<20x32x128xf32, #tpu.memory_space<vmem>> -> memref<1x32x128xf32, #tpu.memory_space<vmem>>
      %dma_start3A_892 = tpu.memref_squeeze %dma_start3A_891 : memref<1x32x128xf32, #tpu.memory_space<vmem>> -> memref<32x128xf32, #tpu.memory_space<vmem>>
      %dma_start3A_893 = arith.constant 0 : i32
      %dma_start3A_894 = tpu.memref_slice %arg4[%dma_start3A_893, %multiple_of3A_176] : memref<32x1000000xf32, #tpu.memory_space<hbm>> -> memref<32x128xf32, #tpu.memory_space<hbm>>
      %dma_start3A_895 = arith.constant 0 : i32
      %dma_start3A_896 = arith.constant 0 : i32
      %dma_start3A_897 = tpu.memref_slice %arg8[%rem3A_179, %dma_start3A_895, %dma_start3A_896] : memref<20x32x128xf32, #tpu.memory_space<vmem>> -> memref<1x32x128xf32, #tpu.memory_space<vmem>>
      %dma_start3A_898 = tpu.memref_squeeze %dma_start3A_897 : memref<1x32x128xf32, #tpu.memory_space<vmem>> -> memref<32x128xf32, #tpu.memory_space<vmem>>
      %dma_start3A_899 = arith.constant 0 : i32
      %dma_start3A_900 = tpu.memref_slice %arg4[%dma_start3A_899, %multiple_of3A_176] : memref<32x1000000xf32, #tpu.memory_space<hbm>> -> memref<32x128xf32, #tpu.memory_space<hbm>>
      tpu.enqueue_dma source(%dma_start3A_900 : memref<32x128xf32, #tpu.memory_space<hbm>>) target(%dma_start3A_898 : memref<32x128xf32, #tpu.memory_space<vmem>>) target_semaphore(%arg11 : memref<!tpu.dma_semaphore, #tpu.memory_space<semaphore_mem>>)
    } else {
    }
    %add3A_183 = arith.constant 1 : i32
    %add3A_184 = arith.addi %select_n3A_157, %add3A_183 : i32
    %select_n3A_185 = arith.select %ne3A_177, %add3A_184, %select_n3A_157 : i32
    %select_n3A_186 = arith.select %ne3A_177, %multiple_of3A_176, %select_n3A_158 : i32
    %sub3A_187 = arith.constant 1 : i32
    %sub3A_188 = arith.subi %select_n3A_185, %sub3A_187 : i32
    %rem3A_189 = arith.constant 20 : i32
    %rem3A_190 = arith.remsi %sub3A_188, %rem3A_189 : i32
    %rem3A_191 = arith.constant 0 : i32
    %rem3A_192 = arith.constant 4 : i32
    %rem3A_193 = arith.remsi %rem3A_191, %rem3A_192 : i32
    %swap3A_194 = arith.constant 6 : i32
    %swap3A_195 = arith.index_cast %rem3A_193 : i32 to index
    %swap3A_196 = arith.index_cast %swap3A_194 : i32 to index
    %swap3A_197 = memref.load %arg10[%swap3A_195, %swap3A_196] : memref<4x8xi32, #tpu.memory_space<smem>>
    memref.store %rem3A_190, %arg10[%swap3A_195, %swap3A_196] : memref<4x8xi32, #tpu.memory_space<smem>>
    %slice3A_198 = vector.extract_strided_slice %get3A_9 {offsets = [7], sizes = [1], strides = [1]} : vector<16xi32> to vector<1xi32>
    %squeeze3A_199 = vector.extract %slice3A_198[0] : i32 from vector<1xi32>
    %shift_right_arithmetic3A_200 = arith.constant 7 : i32
    %shift_right_arithmetic3A_201 = arith.shrsi %squeeze3A_199, %shift_right_arithmetic3A_200 : i32
    %shift_left3A_202 = arith.constant 7 : i32
    %shift_left3A_203 = arith.shli %shift_right_arithmetic3A_201, %shift_left3A_202 : i32
    %multiple_of3A_204 = tpu.assume_multiple %shift_left3A_203, 128 : i32
    %ne3A_205 = arith.cmpi ne, %multiple_of3A_204, %select_n3A_186 : i32
    %rem3A_206 = arith.constant 20 : i32
    %rem3A_207 = arith.remsi %select_n3A_185, %rem3A_206 : i32
    %convert_element_type3A_208 = arith.extui %ne3A_205 : i1 to i32
    %cond3A_209 = arith.constant 0 : i32
    %cond3A_210 = arith.cmpi ne, %convert_element_type3A_208, %cond3A_209 : i32
    scf.if %cond3A_210 {
      %dma_start3A_889 = arith.constant 0 : i32
      %dma_start3A_890 = arith.constant 0 : i32
      %dma_start3A_891 = tpu.memref_slice %arg8[%rem3A_207, %dma_start3A_889, %dma_start3A_890] : memref<20x32x128xf32, #tpu.memory_space<vmem>> -> memref<1x32x128xf32, #tpu.memory_space<vmem>>
      %dma_start3A_892 = tpu.memref_squeeze %dma_start3A_891 : memref<1x32x128xf32, #tpu.memory_space<vmem>> -> memref<32x128xf32, #tpu.memory_space<vmem>>
      %dma_start3A_893 = arith.constant 0 : i32
      %dma_start3A_894 = tpu.memref_slice %arg4[%dma_start3A_893, %multiple_of3A_204] : memref<32x1000000xf32, #tpu.memory_space<hbm>> -> memref<32x128xf32, #tpu.memory_space<hbm>>
      %dma_start3A_895 = arith.constant 0 : i32
      %dma_start3A_896 = arith.constant 0 : i32
      %dma_start3A_897 = tpu.memref_slice %arg8[%rem3A_207, %dma_start3A_895, %dma_start3A_896] : memref<20x32x128xf32, #tpu.memory_space<vmem>> -> memref<1x32x128xf32, #tpu.memory_space<vmem>>
      %dma_start3A_898 = tpu.memref_squeeze %dma_start3A_897 : memref<1x32x128xf32, #tpu.memory_space<vmem>> -> memref<32x128xf32, #tpu.memory_space<vmem>>
      %dma_start3A_899 = arith.constant 0 : i32
      %dma_start3A_900 = tpu.memref_slice %arg4[%dma_start3A_899, %multiple_of3A_204] : memref<32x1000000xf32, #tpu.memory_space<hbm>> -> memref<32x128xf32, #tpu.memory_space<hbm>>
      tpu.enqueue_dma source(%dma_start3A_900 : memref<32x128xf32, #tpu.memory_space<hbm>>) target(%dma_start3A_898 : memref<32x128xf32, #tpu.memory_space<vmem>>) target_semaphore(%arg11 : memref<!tpu.dma_semaphore, #tpu.memory_space<semaphore_mem>>)
    } else {
    }
    %add3A_211 = arith.constant 1 : i32
    %add3A_212 = arith.addi %select_n3A_185, %add3A_211 : i32
    %select_n3A_213 = arith.select %ne3A_205, %add3A_212, %select_n3A_185 : i32
    %select_n3A_214 = arith.select %ne3A_205, %multiple_of3A_204, %select_n3A_186 : i32
    %sub3A_215 = arith.constant 1 : i32
    %sub3A_216 = arith.subi %select_n3A_213, %sub3A_215 : i32
    %rem3A_217 = arith.constant 20 : i32
    %rem3A_218 = arith.remsi %sub3A_216, %rem3A_217 : i32
    %rem3A_219 = arith.constant 0 : i32
    %rem3A_220 = arith.constant 4 : i32
    %rem3A_221 = arith.remsi %rem3A_219, %rem3A_220 : i32
    %swap3A_222 = arith.constant 7 : i32
    %swap3A_223 = arith.index_cast %rem3A_221 : i32 to index
    %swap3A_224 = arith.index_cast %swap3A_222 : i32 to index
    %swap3A_225 = memref.load %arg10[%swap3A_223, %swap3A_224] : memref<4x8xi32, #tpu.memory_space<smem>>
    memref.store %rem3A_218, %arg10[%swap3A_223, %swap3A_224] : memref<4x8xi32, #tpu.memory_space<smem>>
    %sub3A_226 = arith.constant 0 : i32
    %sub3A_227 = arith.subi %select_n3A_213, %sub3A_226 : i32
    %get3A_228 = arith.constant 8 : index
    %get3A_229 = tpu.vector_load %arg6[%get3A_228] {strides = array<i32>} : memref<528xi32, #tpu.memory_space<vmem>>, vector<16xi32>,
    %slice3A_230 = vector.extract_strided_slice %get3A_229 {offsets = [0], sizes = [1], strides = [1]} : vector<16xi32> to vector<1xi32>
    %squeeze3A_231 = vector.extract %slice3A_230[0] : i32 from vector<1xi32>
    %shift_right_arithmetic3A_232 = arith.constant 7 : i32
    %shift_right_arithmetic3A_233 = arith.shrsi %squeeze3A_231, %shift_right_arithmetic3A_232 : i32
    %shift_left3A_234 = arith.constant 7 : i32
    %shift_left3A_235 = arith.shli %shift_right_arithmetic3A_233, %shift_left3A_234 : i32
    %multiple_of3A_236 = tpu.assume_multiple %shift_left3A_235, 128 : i32
    %ne3A_237 = arith.cmpi ne, %multiple_of3A_236, %select_n3A_214 : i32
    %rem3A_238 = arith.constant 20 : i32
    %rem3A_239 = arith.remsi %select_n3A_213, %rem3A_238 : i32
    %convert_element_type3A_240 = arith.extui %ne3A_237 : i1 to i32
    %cond3A_241 = arith.constant 0 : i32
    %cond3A_242 = arith.cmpi ne, %convert_element_type3A_240, %cond3A_241 : i32
    scf.if %cond3A_242 {
      %dma_start3A_889 = arith.constant 0 : i32
      %dma_start3A_890 = arith.constant 0 : i32
      %dma_start3A_891 = tpu.memref_slice %arg8[%rem3A_239, %dma_start3A_889, %dma_start3A_890] : memref<20x32x128xf32, #tpu.memory_space<vmem>> -> memref<1x32x128xf32, #tpu.memory_space<vmem>>
      %dma_start3A_892 = tpu.memref_squeeze %dma_start3A_891 : memref<1x32x128xf32, #tpu.memory_space<vmem>> -> memref<32x128xf32, #tpu.memory_space<vmem>>
      %dma_start3A_893 = arith.constant 0 : i32
      %dma_start3A_894 = tpu.memref_slice %arg4[%dma_start3A_893, %multiple_of3A_236] : memref<32x1000000xf32, #tpu.memory_space<hbm>> -> memref<32x128xf32, #tpu.memory_space<hbm>>
      %dma_start3A_895 = arith.constant 0 : i32
      %dma_start3A_896 = arith.constant 0 : i32
      %dma_start3A_897 = tpu.memref_slice %arg8[%rem3A_239, %dma_start3A_895, %dma_start3A_896] : memref<20x32x128xf32, #tpu.memory_space<vmem>> -> memref<1x32x128xf32, #tpu.memory_space<vmem>>
      %dma_start3A_898 = tpu.memref_squeeze %dma_start3A_897 : memref<1x32x128xf32, #tpu.memory_space<vmem>> -> memref<32x128xf32, #tpu.memory_space<vmem>>
      %dma_start3A_899 = arith.constant 0 : i32
      %dma_start3A_900 = tpu.memref_slice %arg4[%dma_start3A_899, %multiple_of3A_236] : memref<32x1000000xf32, #tpu.memory_space<hbm>> -> memref<32x128xf32, #tpu.memory_space<hbm>>
      tpu.enqueue_dma source(%dma_start3A_900 : memref<32x128xf32, #tpu.memory_space<hbm>>) target(%dma_start3A_898 : memref<32x128xf32, #tpu.memory_space<vmem>>) target_semaphore(%arg11 : memref<!tpu.dma_semaphore, #tpu.memory_space<semaphore_mem>>)
    } else {
    }
    %add3A_243 = arith.constant 1 : i32
    %add3A_244 = arith.addi %select_n3A_213, %add3A_243 : i32
    %select_n3A_245 = arith.select %ne3A_237, %add3A_244, %select_n3A_213 : i32
    %select_n3A_246 = arith.select %ne3A_237, %multiple_of3A_236, %select_n3A_214 : i32
    %sub3A_247 = arith.constant 1 : i32
    %sub3A_248 = arith.subi %select_n3A_245, %sub3A_247 : i32
    %rem3A_249 = arith.constant 20 : i32
    %rem3A_250 = arith.remsi %sub3A_248, %rem3A_249 : i32
    %rem3A_251 = arith.constant 1 : i32
    %rem3A_252 = arith.constant 4 : i32
    %rem3A_253 = arith.remsi %rem3A_251, %rem3A_252 : i32
    %swap3A_254 = arith.constant 0 : i32
    %swap3A_255 = arith.index_cast %rem3A_253 : i32 to index
    %swap3A_256 = arith.index_cast %swap3A_254 : i32 to index
    %swap3A_257 = memref.load %arg10[%swap3A_255, %swap3A_256] : memref<4x8xi32, #tpu.memory_space<smem>>
    memref.store %rem3A_250, %arg10[%swap3A_255, %swap3A_256] : memref<4x8xi32, #tpu.memory_space<smem>>
    %slice3A_258 = vector.extract_strided_slice %get3A_229 {offsets = [1], sizes = [1], strides = [1]} : vector<16xi32> to vector<1xi32>
    %squeeze3A_259 = vector.extract %slice3A_258[0] : i32 from vector<1xi32>
    %shift_right_arithmetic3A_260 = arith.constant 7 : i32
    %shift_right_arithmetic3A_261 = arith.shrsi %squeeze3A_259, %shift_right_arithmetic3A_260 : i32
    %shift_left3A_262 = arith.constant 7 : i32
    %shift_left3A_263 = arith.shli %shift_right_arithmetic3A_261, %shift_left3A_262 : i32
    %multiple_of3A_264 = tpu.assume_multiple %shift_left3A_263, 128 : i32
    %ne3A_265 = arith.cmpi ne, %multiple_of3A_264, %select_n3A_246 : i32
    %rem3A_266 = arith.constant 20 : i32
    %rem3A_267 = arith.remsi %select_n3A_245, %rem3A_266 : i32
    %convert_element_type3A_268 = arith.extui %ne3A_265 : i1 to i32
    %cond3A_269 = arith.constant 0 : i32
    %cond3A_270 = arith.cmpi ne, %convert_element_type3A_268, %cond3A_269 : i32
    scf.if %cond3A_270 {
      %dma_start3A_889 = arith.constant 0 : i32
      %dma_start3A_890 = arith.constant 0 : i32
      %dma_start3A_891 = tpu.memref_slice %arg8[%rem3A_267, %dma_start3A_889, %dma_start3A_890] : memref<20x32x128xf32, #tpu.memory_space<vmem>> -> memref<1x32x128xf32, #tpu.memory_space<vmem>>
      %dma_start3A_892 = tpu.memref_squeeze %dma_start3A_891 : memref<1x32x128xf32, #tpu.memory_space<vmem>> -> memref<32x128xf32, #tpu.memory_space<vmem>>
      %dma_start3A_893 = arith.constant 0 : i32
      %dma_start3A_894 = tpu.memref_slice %arg4[%dma_start3A_893, %multiple_of3A_264] : memref<32x1000000xf32, #tpu.memory_space<hbm>> -> memref<32x128xf32, #tpu.memory_space<hbm>>
      %dma_start3A_895 = arith.constant 0 : i32
      %dma_start3A_896 = arith.constant 0 : i32
      %dma_start3A_897 = tpu.memref_slice %arg8[%rem3A_267, %dma_start3A_895, %dma_start3A_896] : memref<20x32x128xf32, #tpu.memory_space<vmem>> -> memref<1x32x128xf32, #tpu.memory_space<vmem>>
      %dma_start3A_898 = tpu.memref_squeeze %dma_start3A_897 : memref<1x32x128xf32, #tpu.memory_space<vmem>> -> memref<32x128xf32, #tpu.memory_space<vmem>>
      %dma_start3A_899 = arith.constant 0 : i32
      %dma_start3A_900 = tpu.memref_slice %arg4[%dma_start3A_899, %multiple_of3A_264] : memref<32x1000000xf32, #tpu.memory_space<hbm>> -> memref<32x128xf32, #tpu.memory_space<hbm>>
      tpu.enqueue_dma source(%dma_start3A_900 : memref<32x128xf32, #tpu.memory_space<hbm>>) target(%dma_start3A_898 : memref<32x128xf32, #tpu.memory_space<vmem>>) target_semaphore(%arg11 : memref<!tpu.dma_semaphore, #tpu.memory_space<semaphore_mem>>)
    } else {
    }
    %add3A_271 = arith.constant 1 : i32
    %add3A_272 = arith.addi %select_n3A_245, %add3A_271 : i32
    %select_n3A_273 = arith.select %ne3A_265, %add3A_272, %select_n3A_245 : i32
    %select_n3A_274 = arith.select %ne3A_265, %multiple_of3A_264, %select_n3A_246 : i32
    %sub3A_275 = arith.constant 1 : i32
    %sub3A_276 = arith.subi %select_n3A_273, %sub3A_275 : i32
    %rem3A_277 = arith.constant 20 : i32
    %rem3A_278 = arith.remsi %sub3A_276, %rem3A_277 : i32
    %rem3A_279 = arith.constant 1 : i32
    %rem3A_280 = arith.constant 4 : i32
    %rem3A_281 = arith.remsi %rem3A_279, %rem3A_280 : i32
    %swap3A_282 = arith.constant 1 : i32
    %swap3A_283 = arith.index_cast %rem3A_281 : i32 to index
    %swap3A_284 = arith.index_cast %swap3A_282 : i32 to index
    %swap3A_285 = memref.load %arg10[%swap3A_283, %swap3A_284] : memref<4x8xi32, #tpu.memory_space<smem>>
    memref.store %rem3A_278, %arg10[%swap3A_283, %swap3A_284] : memref<4x8xi32, #tpu.memory_space<smem>>
    %slice3A_286 = vector.extract_strided_slice %get3A_229 {offsets = [2], sizes = [1], strides = [1]} : vector<16xi32> to vector<1xi32>
    %squeeze3A_287 = vector.extract %slice3A_286[0] : i32 from vector<1xi32>
    %shift_right_arithmetic3A_288 = arith.constant 7 : i32
    %shift_right_arithmetic3A_289 = arith.shrsi %squeeze3A_287, %shift_right_arithmetic3A_288 : i32
    %shift_left3A_290 = arith.constant 7 : i32
    %shift_left3A_291 = arith.shli %shift_right_arithmetic3A_289, %shift_left3A_290 : i32
    %multiple_of3A_292 = tpu.assume_multiple %shift_left3A_291, 128 : i32
    %ne3A_293 = arith.cmpi ne, %multiple_of3A_292, %select_n3A_274 : i32
    %rem3A_294 = arith.constant 20 : i32
    %rem3A_295 = arith.remsi %select_n3A_273, %rem3A_294 : i32
    %convert_element_type3A_296 = arith.extui %ne3A_293 : i1 to i32
    %cond3A_297 = arith.constant 0 : i32
    %cond3A_298 = arith.cmpi ne, %convert_element_type3A_296, %cond3A_297 : i32
    scf.if %cond3A_298 {
      %dma_start3A_889 = arith.constant 0 : i32
      %dma_start3A_890 = arith.constant 0 : i32
      %dma_start3A_891 = tpu.memref_slice %arg8[%rem3A_295, %dma_start3A_889, %dma_start3A_890] : memref<20x32x128xf32, #tpu.memory_space<vmem>> -> memref<1x32x128xf32, #tpu.memory_space<vmem>>
      %dma_start3A_892 = tpu.memref_squeeze %dma_start3A_891 : memref<1x32x128xf32, #tpu.memory_space<vmem>> -> memref<32x128xf32, #tpu.memory_space<vmem>>
      %dma_start3A_893 = arith.constant 0 : i32
      %dma_start3A_894 = tpu.memref_slice %arg4[%dma_start3A_893, %multiple_of3A_292] : memref<32x1000000xf32, #tpu.memory_space<hbm>> -> memref<32x128xf32, #tpu.memory_space<hbm>>
      %dma_start3A_895 = arith.constant 0 : i32
      %dma_start3A_896 = arith.constant 0 : i32
      %dma_start3A_897 = tpu.memref_slice %arg8[%rem3A_295, %dma_start3A_895, %dma_start3A_896] : memref<20x32x128xf32, #tpu.memory_space<vmem>> -> memref<1x32x128xf32, #tpu.memory_space<vmem>>
      %dma_start3A_898 = tpu.memref_squeeze %dma_start3A_897 : memref<1x32x128xf32, #tpu.memory_space<vmem>> -> memref<32x128xf32, #tpu.memory_space<vmem>>
      %dma_start3A_899 = arith.constant 0 : i32
      %dma_start3A_900 = tpu.memref_slice %arg4[%dma_start3A_899, %multiple_of3A_292] : memref<32x1000000xf32, #tpu.memory_space<hbm>> -> memref<32x128xf32, #tpu.memory_space<hbm>>
      tpu.enqueue_dma source(%dma_start3A_900 : memref<32x128xf32, #tpu.memory_space<hbm>>) target(%dma_start3A_898 : memref<32x128xf32, #tpu.memory_space<vmem>>) target_semaphore(%arg11 : memref<!tpu.dma_semaphore, #tpu.memory_space<semaphore_mem>>)
    } else {
    }
    %add3A_299 = arith.constant 1 : i32
    %add3A_300 = arith.addi %select_n3A_273, %add3A_299 : i32
    %select_n3A_301 = arith.select %ne3A_293, %add3A_300, %select_n3A_273 : i32
    %select_n3A_302 = arith.select %ne3A_293, %multiple_of3A_292, %select_n3A_274 : i32
    %sub3A_303 = arith.constant 1 : i32
    %sub3A_304 = arith.subi %select_n3A_301, %sub3A_303 : i32
    %rem3A_305 = arith.constant 20 : i32
    %rem3A_306 = arith.remsi %sub3A_304, %rem3A_305 : i32
    %rem3A_307 = arith.constant 1 : i32
    %rem3A_308 = arith.constant 4 : i32
    %rem3A_309 = arith.remsi %rem3A_307, %rem3A_308 : i32
    %swap3A_310 = arith.constant 2 : i32
    %swap3A_311 = arith.index_cast %rem3A_309 : i32 to index
    %swap3A_312 = arith.index_cast %swap3A_310 : i32 to index
    %swap3A_313 = memref.load %arg10[%swap3A_311, %swap3A_312] : memref<4x8xi32, #tpu.memory_space<smem>>
    memref.store %rem3A_306, %arg10[%swap3A_311, %swap3A_312] : memref<4x8xi32, #tpu.memory_space<smem>>
    %slice3A_314 = vector.extract_strided_slice %get3A_229 {offsets = [3], sizes = [1], strides = [1]} : vector<16xi32> to vector<1xi32>
    %squeeze3A_315 = vector.extract %slice3A_314[0] : i32 from vector<1xi32>
    %shift_right_arithmetic3A_316 = arith.constant 7 : i32
    %shift_right_arithmetic3A_317 = arith.shrsi %squeeze3A_315, %shift_right_arithmetic3A_316 : i32
    %shift_left3A_318 = arith.constant 7 : i32
    %shift_left3A_319 = arith.shli %shift_right_arithmetic3A_317, %shift_left3A_318 : i32
    %multiple_of3A_320 = tpu.assume_multiple %shift_left3A_319, 128 : i32
    %ne3A_321 = arith.cmpi ne, %multiple_of3A_320, %select_n3A_302 : i32
    %rem3A_322 = arith.constant 20 : i32
    %rem3A_323 = arith.remsi %select_n3A_301, %rem3A_322 : i32
    %convert_element_type3A_324 = arith.extui %ne3A_321 : i1 to i32
    %cond3A_325 = arith.constant 0 : i32
    %cond3A_326 = arith.cmpi ne, %convert_element_type3A_324, %cond3A_325 : i32
    scf.if %cond3A_326 {
      %dma_start3A_889 = arith.constant 0 : i32
      %dma_start3A_890 = arith.constant 0 : i32
      %dma_start3A_891 = tpu.memref_slice %arg8[%rem3A_323, %dma_start3A_889, %dma_start3A_890] : memref<20x32x128xf32, #tpu.memory_space<vmem>> -> memref<1x32x128xf32, #tpu.memory_space<vmem>>
      %dma_start3A_892 = tpu.memref_squeeze %dma_start3A_891 : memref<1x32x128xf32, #tpu.memory_space<vmem>> -> memref<32x128xf32, #tpu.memory_space<vmem>>
      %dma_start3A_893 = arith.constant 0 : i32
      %dma_start3A_894 = tpu.memref_slice %arg4[%dma_start3A_893, %multiple_of3A_320] : memref<32x1000000xf32, #tpu.memory_space<hbm>> -> memref<32x128xf32, #tpu.memory_space<hbm>>
      %dma_start3A_895 = arith.constant 0 : i32
      %dma_start3A_896 = arith.constant 0 : i32
      %dma_start3A_897 = tpu.memref_slice %arg8[%rem3A_323, %dma_start3A_895, %dma_start3A_896] : memref<20x32x128xf32, #tpu.memory_space<vmem>> -> memref<1x32x128xf32, #tpu.memory_space<vmem>>
      %dma_start3A_898 = tpu.memref_squeeze %dma_start3A_897 : memref<1x32x128xf32, #tpu.memory_space<vmem>> -> memref<32x128xf32, #tpu.memory_space<vmem>>
      %dma_start3A_899 = arith.constant 0 : i32
      %dma_start3A_900 = tpu.memref_slice %arg4[%dma_start3A_899, %multiple_of3A_320] : memref<32x1000000xf32, #tpu.memory_space<hbm>> -> memref<32x128xf32, #tpu.memory_space<hbm>>
      tpu.enqueue_dma source(%dma_start3A_900 : memref<32x128xf32, #tpu.memory_space<hbm>>) target(%dma_start3A_898 : memref<32x128xf32, #tpu.memory_space<vmem>>) target_semaphore(%arg11 : memref<!tpu.dma_semaphore, #tpu.memory_space<semaphore_mem>>)
    } else {
    }
    %add3A_327 = arith.constant 1 : i32
    %add3A_328 = arith.addi %select_n3A_301, %add3A_327 : i32
    %select_n3A_329 = arith.select %ne3A_321, %add3A_328, %select_n3A_301 : i32
    %select_n3A_330 = arith.select %ne3A_321, %multiple_of3A_320, %select_n3A_302 : i32
    %sub3A_331 = arith.constant 1 : i32
    %sub3A_332 = arith.subi %select_n3A_329, %sub3A_331 : i32
    %rem3A_333 = arith.constant 20 : i32
    %rem3A_334 = arith.remsi %sub3A_332, %rem3A_333 : i32
    %rem3A_335 = arith.constant 1 : i32
    %rem3A_336 = arith.constant 4 : i32
    %rem3A_337 = arith.remsi %rem3A_335, %rem3A_336 : i32
    %swap3A_338 = arith.constant 3 : i32
    %swap3A_339 = arith.index_cast %rem3A_337 : i32 to index
    %swap3A_340 = arith.index_cast %swap3A_338 : i32 to index
    %swap3A_341 = memref.load %arg10[%swap3A_339, %swap3A_340] : memref<4x8xi32, #tpu.memory_space<smem>>
    memref.store %rem3A_334, %arg10[%swap3A_339, %swap3A_340] : memref<4x8xi32, #tpu.memory_space<smem>>
    %slice3A_342 = vector.extract_strided_slice %get3A_229 {offsets = [4], sizes = [1], strides = [1]} : vector<16xi32> to vector<1xi32>
    %squeeze3A_343 = vector.extract %slice3A_342[0] : i32 from vector<1xi32>
    %shift_right_arithmetic3A_344 = arith.constant 7 : i32
    %shift_right_arithmetic3A_345 = arith.shrsi %squeeze3A_343, %shift_right_arithmetic3A_344 : i32
    %shift_left3A_346 = arith.constant 7 : i32
    %shift_left3A_347 = arith.shli %shift_right_arithmetic3A_345, %shift_left3A_346 : i32
    %multiple_of3A_348 = tpu.assume_multiple %shift_left3A_347, 128 : i32
    %ne3A_349 = arith.cmpi ne, %multiple_of3A_348, %select_n3A_330 : i32
    %rem3A_350 = arith.constant 20 : i32
    %rem3A_351 = arith.remsi %select_n3A_329, %rem3A_350 : i32
    %convert_element_type3A_352 = arith.extui %ne3A_349 : i1 to i32
    %cond3A_353 = arith.constant 0 : i32
    %cond3A_354 = arith.cmpi ne, %convert_element_type3A_352, %cond3A_353 : i32
    scf.if %cond3A_354 {
      %dma_start3A_889 = arith.constant 0 : i32
      %dma_start3A_890 = arith.constant 0 : i32
      %dma_start3A_891 = tpu.memref_slice %arg8[%rem3A_351, %dma_start3A_889, %dma_start3A_890] : memref<20x32x128xf32, #tpu.memory_space<vmem>> -> memref<1x32x128xf32, #tpu.memory_space<vmem>>
      %dma_start3A_892 = tpu.memref_squeeze %dma_start3A_891 : memref<1x32x128xf32, #tpu.memory_space<vmem>> -> memref<32x128xf32, #tpu.memory_space<vmem>>
      %dma_start3A_893 = arith.constant 0 : i32
      %dma_start3A_894 = tpu.memref_slice %arg4[%dma_start3A_893, %multiple_of3A_348] : memref<32x1000000xf32, #tpu.memory_space<hbm>> -> memref<32x128xf32, #tpu.memory_space<hbm>>
      %dma_start3A_895 = arith.constant 0 : i32
      %dma_start3A_896 = arith.constant 0 : i32
      %dma_start3A_897 = tpu.memref_slice %arg8[%rem3A_351, %dma_start3A_895, %dma_start3A_896] : memref<20x32x128xf32, #tpu.memory_space<vmem>> -> memref<1x32x128xf32, #tpu.memory_space<vmem>>
      %dma_start3A_898 = tpu.memref_squeeze %dma_start3A_897 : memref<1x32x128xf32, #tpu.memory_space<vmem>> -> memref<32x128xf32, #tpu.memory_space<vmem>>
      %dma_start3A_899 = arith.constant 0 : i32
      %dma_start3A_900 = tpu.memref_slice %arg4[%dma_start3A_899, %multiple_of3A_348] : memref<32x1000000xf32, #tpu.memory_space<hbm>> -> memref<32x128xf32, #tpu.memory_space<hbm>>
      tpu.enqueue_dma source(%dma_start3A_900 : memref<32x128xf32, #tpu.memory_space<hbm>>) target(%dma_start3A_898 : memref<32x128xf32, #tpu.memory_space<vmem>>) target_semaphore(%arg11 : memref<!tpu.dma_semaphore, #tpu.memory_space<semaphore_mem>>)
    } else {
    }
    %add3A_355 = arith.constant 1 : i32
    %add3A_356 = arith.addi %select_n3A_329, %add3A_355 : i32
    %select_n3A_357 = arith.select %ne3A_349, %add3A_356, %select_n3A_329 : i32
    %select_n3A_358 = arith.select %ne3A_349, %multiple_of3A_348, %select_n3A_330 : i32
    %sub3A_359 = arith.constant 1 : i32
    %sub3A_360 = arith.subi %select_n3A_357, %sub3A_359 : i32
    %rem3A_361 = arith.constant 20 : i32
    %rem3A_362 = arith.remsi %sub3A_360, %rem3A_361 : i32
    %rem3A_363 = arith.constant 1 : i32
    %rem3A_364 = arith.constant 4 : i32
    %rem3A_365 = arith.remsi %rem3A_363, %rem3A_364 : i32
    %swap3A_366 = arith.constant 4 : i32
    %swap3A_367 = arith.index_cast %rem3A_365 : i32 to index
    %swap3A_368 = arith.index_cast %swap3A_366 : i32 to index
    %swap3A_369 = memref.load %arg10[%swap3A_367, %swap3A_368] : memref<4x8xi32, #tpu.memory_space<smem>>
    memref.store %rem3A_362, %arg10[%swap3A_367, %swap3A_368] : memref<4x8xi32, #tpu.memory_space<smem>>
    %slice3A_370 = vector.extract_strided_slice %get3A_229 {offsets = [5], sizes = [1], strides = [1]} : vector<16xi32> to vector<1xi32>
    %squeeze3A_371 = vector.extract %slice3A_370[0] : i32 from vector<1xi32>
    %shift_right_arithmetic3A_372 = arith.constant 7 : i32
    %shift_right_arithmetic3A_373 = arith.shrsi %squeeze3A_371, %shift_right_arithmetic3A_372 : i32
    %shift_left3A_374 = arith.constant 7 : i32
    %shift_left3A_375 = arith.shli %shift_right_arithmetic3A_373, %shift_left3A_374 : i32
    %multiple_of3A_376 = tpu.assume_multiple %shift_left3A_375, 128 : i32
    %ne3A_377 = arith.cmpi ne, %multiple_of3A_376, %select_n3A_358 : i32
    %rem3A_378 = arith.constant 20 : i32
    %rem3A_379 = arith.remsi %select_n3A_357, %rem3A_378 : i32
    %convert_element_type3A_380 = arith.extui %ne3A_377 : i1 to i32
    %cond3A_381 = arith.constant 0 : i32
    %cond3A_382 = arith.cmpi ne, %convert_element_type3A_380, %cond3A_381 : i32
    scf.if %cond3A_382 {
      %dma_start3A_889 = arith.constant 0 : i32
      %dma_start3A_890 = arith.constant 0 : i32
      %dma_start3A_891 = tpu.memref_slice %arg8[%rem3A_379, %dma_start3A_889, %dma_start3A_890] : memref<20x32x128xf32, #tpu.memory_space<vmem>> -> memref<1x32x128xf32, #tpu.memory_space<vmem>>
      %dma_start3A_892 = tpu.memref_squeeze %dma_start3A_891 : memref<1x32x128xf32, #tpu.memory_space<vmem>> -> memref<32x128xf32, #tpu.memory_space<vmem>>
      %dma_start3A_893 = arith.constant 0 : i32
      %dma_start3A_894 = tpu.memref_slice %arg4[%dma_start3A_893, %multiple_of3A_376] : memref<32x1000000xf32, #tpu.memory_space<hbm>> -> memref<32x128xf32, #tpu.memory_space<hbm>>
      %dma_start3A_895 = arith.constant 0 : i32
      %dma_start3A_896 = arith.constant 0 : i32
      %dma_start3A_897 = tpu.memref_slice %arg8[%rem3A_379, %dma_start3A_895, %dma_start3A_896] : memref<20x32x128xf32, #tpu.memory_space<vmem>> -> memref<1x32x128xf32, #tpu.memory_space<vmem>>
      %dma_start3A_898 = tpu.memref_squeeze %dma_start3A_897 : memref<1x32x128xf32, #tpu.memory_space<vmem>> -> memref<32x128xf32, #tpu.memory_space<vmem>>
      %dma_start3A_899 = arith.constant 0 : i32
      %dma_start3A_900 = tpu.memref_slice %arg4[%dma_start3A_899, %multiple_of3A_376] : memref<32x1000000xf32, #tpu.memory_space<hbm>> -> memref<32x128xf32, #tpu.memory_space<hbm>>
      tpu.enqueue_dma source(%dma_start3A_900 : memref<32x128xf32, #tpu.memory_space<hbm>>) target(%dma_start3A_898 : memref<32x128xf32, #tpu.memory_space<vmem>>) target_semaphore(%arg11 : memref<!tpu.dma_semaphore, #tpu.memory_space<semaphore_mem>>)
    } else {
    }
    %add3A_383 = arith.constant 1 : i32
    %add3A_384 = arith.addi %select_n3A_357, %add3A_383 : i32
    %select_n3A_385 = arith.select %ne3A_377, %add3A_384, %select_n3A_357 : i32
    %select_n3A_386 = arith.select %ne3A_377, %multiple_of3A_376, %select_n3A_358 : i32
    %sub3A_387 = arith.constant 1 : i32
    %sub3A_388 = arith.subi %select_n3A_385, %sub3A_387 : i32
    %rem3A_389 = arith.constant 20 : i32
    %rem3A_390 = arith.remsi %sub3A_388, %rem3A_389 : i32
    %rem3A_391 = arith.constant 1 : i32
    %rem3A_392 = arith.constant 4 : i32
    %rem3A_393 = arith.remsi %rem3A_391, %rem3A_392 : i32
    %swap3A_394 = arith.constant 5 : i32
    %swap3A_395 = arith.index_cast %rem3A_393 : i32 to index
    %swap3A_396 = arith.index_cast %swap3A_394 : i32 to index
    %swap3A_397 = memref.load %arg10[%swap3A_395, %swap3A_396] : memref<4x8xi32, #tpu.memory_space<smem>>
    memref.store %rem3A_390, %arg10[%swap3A_395, %swap3A_396] : memref<4x8xi32, #tpu.memory_space<smem>>
    %slice3A_398 = vector.extract_strided_slice %get3A_229 {offsets = [6], sizes = [1], strides = [1]} : vector<16xi32> to vector<1xi32>
    %squeeze3A_399 = vector.extract %slice3A_398[0] : i32 from vector<1xi32>
    %shift_right_arithmetic3A_400 = arith.constant 7 : i32
    %shift_right_arithmetic3A_401 = arith.shrsi %squeeze3A_399, %shift_right_arithmetic3A_400 : i32
    %shift_left3A_402 = arith.constant 7 : i32
    %shift_left3A_403 = arith.shli %shift_right_arithmetic3A_401, %shift_left3A_402 : i32
    %multiple_of3A_404 = tpu.assume_multiple %shift_left3A_403, 128 : i32
    %ne3A_405 = arith.cmpi ne, %multiple_of3A_404, %select_n3A_386 : i32
    %rem3A_406 = arith.constant 20 : i32
    %rem3A_407 = arith.remsi %select_n3A_385, %rem3A_406 : i32
    %convert_element_type3A_408 = arith.extui %ne3A_405 : i1 to i32
    %cond3A_409 = arith.constant 0 : i32
    %cond3A_410 = arith.cmpi ne, %convert_element_type3A_408, %cond3A_409 : i32
    scf.if %cond3A_410 {
      %dma_start3A_889 = arith.constant 0 : i32
      %dma_start3A_890 = arith.constant 0 : i32
      %dma_start3A_891 = tpu.memref_slice %arg8[%rem3A_407, %dma_start3A_889, %dma_start3A_890] : memref<20x32x128xf32, #tpu.memory_space<vmem>> -> memref<1x32x128xf32, #tpu.memory_space<vmem>>
      %dma_start3A_892 = tpu.memref_squeeze %dma_start3A_891 : memref<1x32x128xf32, #tpu.memory_space<vmem>> -> memref<32x128xf32, #tpu.memory_space<vmem>>
      %dma_start3A_893 = arith.constant 0 : i32
      %dma_start3A_894 = tpu.memref_slice %arg4[%dma_start3A_893, %multiple_of3A_404] : memref<32x1000000xf32, #tpu.memory_space<hbm>> -> memref<32x128xf32, #tpu.memory_space<hbm>>
      %dma_start3A_895 = arith.constant 0 : i32
      %dma_start3A_896 = arith.constant 0 : i32
      %dma_start3A_897 = tpu.memref_slice %arg8[%rem3A_407, %dma_start3A_895, %dma_start3A_896] : memref<20x32x128xf32, #tpu.memory_space<vmem>> -> memref<1x32x128xf32, #tpu.memory_space<vmem>>
      %dma_start3A_898 = tpu.memref_squeeze %dma_start3A_897 : memref<1x32x128xf32, #tpu.memory_space<vmem>> -> memref<32x128xf32, #tpu.memory_space<vmem>>
      %dma_start3A_899 = arith.constant 0 : i32
      %dma_start3A_900 = tpu.memref_slice %arg4[%dma_start3A_899, %multiple_of3A_404] : memref<32x1000000xf32, #tpu.memory_space<hbm>> -> memref<32x128xf32, #tpu.memory_space<hbm>>
      tpu.enqueue_dma source(%dma_start3A_900 : memref<32x128xf32, #tpu.memory_space<hbm>>) target(%dma_start3A_898 : memref<32x128xf32, #tpu.memory_space<vmem>>) target_semaphore(%arg11 : memref<!tpu.dma_semaphore, #tpu.memory_space<semaphore_mem>>)
    } else {
    }
    %add3A_411 = arith.constant 1 : i32
    %add3A_412 = arith.addi %select_n3A_385, %add3A_411 : i32
    %select_n3A_413 = arith.select %ne3A_405, %add3A_412, %select_n3A_385 : i32
    %select_n3A_414 = arith.select %ne3A_405, %multiple_of3A_404, %select_n3A_386 : i32
    %sub3A_415 = arith.constant 1 : i32
    %sub3A_416 = arith.subi %select_n3A_413, %sub3A_415 : i32
    %rem3A_417 = arith.constant 20 : i32
    %rem3A_418 = arith.remsi %sub3A_416, %rem3A_417 : i32
    %rem3A_419 = arith.constant 1 : i32
    %rem3A_420 = arith.constant 4 : i32
    %rem3A_421 = arith.remsi %rem3A_419, %rem3A_420 : i32
    %swap3A_422 = arith.constant 6 : i32
    %swap3A_423 = arith.index_cast %rem3A_421 : i32 to index
    %swap3A_424 = arith.index_cast %swap3A_422 : i32 to index
    %swap3A_425 = memref.load %arg10[%swap3A_423, %swap3A_424] : memref<4x8xi32, #tpu.memory_space<smem>>
    memref.store %rem3A_418, %arg10[%swap3A_423, %swap3A_424] : memref<4x8xi32, #tpu.memory_space<smem>>
    %slice3A_426 = vector.extract_strided_slice %get3A_229 {offsets = [7], sizes = [1], strides = [1]} : vector<16xi32> to vector<1xi32>
    %squeeze3A_427 = vector.extract %slice3A_426[0] : i32 from vector<1xi32>
    %shift_right_arithmetic3A_428 = arith.constant 7 : i32
    %shift_right_arithmetic3A_429 = arith.shrsi %squeeze3A_427, %shift_right_arithmetic3A_428 : i32
    %shift_left3A_430 = arith.constant 7 : i32
    %shift_left3A_431 = arith.shli %shift_right_arithmetic3A_429, %shift_left3A_430 : i32
    %multiple_of3A_432 = tpu.assume_multiple %shift_left3A_431, 128 : i32
    %ne3A_433 = arith.cmpi ne, %multiple_of3A_432, %select_n3A_414 : i32
    %rem3A_434 = arith.constant 20 : i32
    %rem3A_435 = arith.remsi %select_n3A_413, %rem3A_434 : i32
    %convert_element_type3A_436 = arith.extui %ne3A_433 : i1 to i32
    %cond3A_437 = arith.constant 0 : i32
    %cond3A_438 = arith.cmpi ne, %convert_element_type3A_436, %cond3A_437 : i32
    scf.if %cond3A_438 {
      %dma_start3A_889 = arith.constant 0 : i32
      %dma_start3A_890 = arith.constant 0 : i32
      %dma_start3A_891 = tpu.memref_slice %arg8[%rem3A_435, %dma_start3A_889, %dma_start3A_890] : memref<20x32x128xf32, #tpu.memory_space<vmem>> -> memref<1x32x128xf32, #tpu.memory_space<vmem>>
      %dma_start3A_892 = tpu.memref_squeeze %dma_start3A_891 : memref<1x32x128xf32, #tpu.memory_space<vmem>> -> memref<32x128xf32, #tpu.memory_space<vmem>>
      %dma_start3A_893 = arith.constant 0 : i32
      %dma_start3A_894 = tpu.memref_slice %arg4[%dma_start3A_893, %multiple_of3A_432] : memref<32x1000000xf32, #tpu.memory_space<hbm>> -> memref<32x128xf32, #tpu.memory_space<hbm>>
      %dma_start3A_895 = arith.constant 0 : i32
      %dma_start3A_896 = arith.constant 0 : i32
      %dma_start3A_897 = tpu.memref_slice %arg8[%rem3A_435, %dma_start3A_895, %dma_start3A_896] : memref<20x32x128xf32, #tpu.memory_space<vmem>> -> memref<1x32x128xf32, #tpu.memory_space<vmem>>
      %dma_start3A_898 = tpu.memref_squeeze %dma_start3A_897 : memref<1x32x128xf32, #tpu.memory_space<vmem>> -> memref<32x128xf32, #tpu.memory_space<vmem>>
      %dma_start3A_899 = arith.constant 0 : i32
      %dma_start3A_900 = tpu.memref_slice %arg4[%dma_start3A_899, %multiple_of3A_432] : memref<32x1000000xf32, #tpu.memory_space<hbm>> -> memref<32x128xf32, #tpu.memory_space<hbm>>
      tpu.enqueue_dma source(%dma_start3A_900 : memref<32x128xf32, #tpu.memory_space<hbm>>) target(%dma_start3A_898 : memref<32x128xf32, #tpu.memory_space<vmem>>) target_semaphore(%arg11 : memref<!tpu.dma_semaphore, #tpu.memory_space<semaphore_mem>>)
    } else {
    }
    %add3A_439 = arith.constant 1 : i32
    %add3A_440 = arith.addi %select_n3A_413, %add3A_439 : i32
    %select_n3A_441 = arith.select %ne3A_433, %add3A_440, %select_n3A_413 : i32
    %select_n3A_442 = arith.select %ne3A_433, %multiple_of3A_432, %select_n3A_414 : i32
    %sub3A_443 = arith.constant 1 : i32
    %sub3A_444 = arith.subi %select_n3A_441, %sub3A_443 : i32
    %rem3A_445 = arith.constant 20 : i32
    %rem3A_446 = arith.remsi %sub3A_444, %rem3A_445 : i32
    %rem3A_447 = arith.constant 1 : i32
    %rem3A_448 = arith.constant 4 : i32
    %rem3A_449 = arith.remsi %rem3A_447, %rem3A_448 : i32
    %swap3A_450 = arith.constant 7 : i32
    %swap3A_451 = arith.index_cast %rem3A_449 : i32 to index
    %swap3A_452 = arith.index_cast %swap3A_450 : i32 to index
    %swap3A_453 = memref.load %arg10[%swap3A_451, %swap3A_452] : memref<4x8xi32, #tpu.memory_space<smem>>
    memref.store %rem3A_446, %arg10[%swap3A_451, %swap3A_452] : memref<4x8xi32, #tpu.memory_space<smem>>
    %sub3A_454 = arith.subi %select_n3A_441, %select_n3A_213 : i32
    %dma_wait3A = arith.constant 0 : i32
    %dma_wait3A_455 = tpu.memref_slice %arg2[%dma_wait3A, %mul3A_2] : memref<32x16384xf32, #tpu.memory_space<hbm>> -> memref<32x512xf32, #tpu.memory_space<hbm>>
    %dma_wait3A_456 = arith.constant 0 : i32
    %dma_wait3A_457 = tpu.memref_slice %arg2[%dma_wait3A_456, %mul3A_2] : memref<32x16384xf32, #tpu.memory_space<hbm>> -> memref<32x512xf32, #tpu.memory_space<hbm>>
    tpu.wait_dma2 semaphore(%arg12 : memref<!tpu.dma_semaphore, #tpu.memory_space<semaphore_mem>>) src(%dma_wait3A_457 : memref<32x512xf32, #tpu.memory_space<hbm>>) dst(%arg7 : memref<32x512xf32, #tpu.memory_space<vmem>>)
    %broadcast_in_dim3A = arith.constant 0.000000e+00 : f32
    %broadcast_in_dim3A_458 = vector.broadcast %broadcast_in_dim3A : f32 to vector<16xf32>
    %scan3A = arith.constant 0 : i32
    %scan3A_459 = arith.constant 62 : i32
    %scan3A_460 = arith.addi %scan3A, %scan3A_459 : i32
    %scan3A_461 = arith.constant 1 : i32
    %scan3A_462:5 = scf.for %scan3A_889 = %scan3A to %scan3A_460 step %scan3A_461 iter_args(%scan3A_890 = %select_n3A_442, %scan3A_891 = %select_n3A_441, %scan3A_892 = %sub3A_227, %scan3A_893 = %sub3A_454, %scan3A_894 = %broadcast_in_dim3A_458) -> (i32, i32, i32, i32, vector<16xf32>)  : i32 {
      %while3A_895 = arith.constant 0 : i32
      %while3A_896 = arith.constant 0 : i32
      %while3A_897 = arith.subi %scan3A_892, %while3A_896 : i32
      %while3A_898 = arith.addi %while3A_896, %while3A_897 : i32
      %while3A_899 = arith.constant 1 : i32
      %while3A_900 = arith.divsi %while3A_897, %while3A_899 : i32
      %while3A_901 = arith.muli %while3A_900, %while3A_899 : i32
      %while3A_902 = arith.addi %while3A_896, %while3A_901 : i32
      %while3A_903 = arith.constant 1 : i32
      scf.for %while3A_1348 = %while3A_896 to %while3A_902 step %while3A_903  : i32 {
        %dma_wait3A_1349 = arith.constant 0 : i32
        %dma_wait3A_1350 = arith.constant 0 : i32
        %dma_wait3A_1351 = arith.constant 0 : i32
        %dma_wait3A_1352 = tpu.memref_slice %arg8[%dma_wait3A_1349, %dma_wait3A_1350, %dma_wait3A_1351] : memref<20x32x128xf32, #tpu.memory_space<vmem>> -> memref<1x32x128xf32, #tpu.memory_space<vmem>>
        %dma_wait3A_1353 = tpu.memref_squeeze %dma_wait3A_1352 : memref<1x32x128xf32, #tpu.memory_space<vmem>> -> memref<32x128xf32, #tpu.memory_space<vmem>>
        %dma_wait3A_1354 = arith.constant 0 : i32
        %dma_wait3A_1355 = arith.constant 0 : i32
        %dma_wait3A_1356 = tpu.memref_slice %arg4[%dma_wait3A_1354, %dma_wait3A_1355] : memref<32x1000000xf32, #tpu.memory_space<hbm>> -> memref<32x128xf32, #tpu.memory_space<hbm>>
        %dma_wait3A_1357 = arith.constant 0 : i32
        %dma_wait3A_1358 = arith.constant 0 : i32
        %dma_wait3A_1359 = tpu.memref_slice %arg8[%dma_wait3A_1349, %dma_wait3A_1357, %dma_wait3A_1358] : memref<20x32x128xf32, #tpu.memory_space<vmem>> -> memref<1x32x128xf32, #tpu.memory_space<vmem>>
        %dma_wait3A_1360 = tpu.memref_squeeze %dma_wait3A_1359 : memref<1x32x128xf32, #tpu.memory_space<vmem>> -> memref<32x128xf32, #tpu.memory_space<vmem>>
        %dma_wait3A_1361 = arith.constant 0 : i32
        %dma_wait3A_1362 = arith.constant 0 : i32
        %dma_wait3A_1363 = tpu.memref_slice %arg4[%dma_wait3A_1361, %dma_wait3A_1362] : memref<32x1000000xf32, #tpu.memory_space<hbm>> -> memref<32x128xf32, #tpu.memory_space<hbm>>
        tpu.wait_dma2 semaphore(%arg11 : memref<!tpu.dma_semaphore, #tpu.memory_space<semaphore_mem>>) src(%dma_wait3A_1363 : memref<32x128xf32, #tpu.memory_space<hbm>>) dst(%dma_wait3A_1360 : memref<32x128xf32, #tpu.memory_space<vmem>>)
      }
      %while3A_904 = arith.constant 1 : i32
      scf.for %while3A_1348 = %while3A_902 to %while3A_898 step %while3A_904  : i32 {
        %dma_wait3A_1349 = arith.constant 0 : i32
        %dma_wait3A_1350 = arith.constant 0 : i32
        %dma_wait3A_1351 = arith.constant 0 : i32
        %dma_wait3A_1352 = tpu.memref_slice %arg8[%dma_wait3A_1349, %dma_wait3A_1350, %dma_wait3A_1351] : memref<20x32x128xf32, #tpu.memory_space<vmem>> -> memref<1x32x128xf32, #tpu.memory_space<vmem>>
        %dma_wait3A_1353 = tpu.memref_squeeze %dma_wait3A_1352 : memref<1x32x128xf32, #tpu.memory_space<vmem>> -> memref<32x128xf32, #tpu.memory_space<vmem>>
        %dma_wait3A_1354 = arith.constant 0 : i32
        %dma_wait3A_1355 = arith.constant 0 : i32
        %dma_wait3A_1356 = tpu.memref_slice %arg4[%dma_wait3A_1354, %dma_wait3A_1355] : memref<32x1000000xf32, #tpu.memory_space<hbm>> -> memref<32x128xf32, #tpu.memory_space<hbm>>
        %dma_wait3A_1357 = arith.constant 0 : i32
        %dma_wait3A_1358 = arith.constant 0 : i32
        %dma_wait3A_1359 = tpu.memref_slice %arg8[%dma_wait3A_1349, %dma_wait3A_1357, %dma_wait3A_1358] : memref<20x32x128xf32, #tpu.memory_space<vmem>> -> memref<1x32x128xf32, #tpu.memory_space<vmem>>
        %dma_wait3A_1360 = tpu.memref_squeeze %dma_wait3A_1359 : memref<1x32x128xf32, #tpu.memory_space<vmem>> -> memref<32x128xf32, #tpu.memory_space<vmem>>
        %dma_wait3A_1361 = arith.constant 0 : i32
        %dma_wait3A_1362 = arith.constant 0 : i32
        %dma_wait3A_1363 = tpu.memref_slice %arg4[%dma_wait3A_1361, %dma_wait3A_1362] : memref<32x1000000xf32, #tpu.memory_space<hbm>> -> memref<32x128xf32, #tpu.memory_space<hbm>>
        tpu.wait_dma2 semaphore(%arg11 : memref<!tpu.dma_semaphore, #tpu.memory_space<semaphore_mem>>) src(%dma_wait3A_1363 : memref<32x128xf32, #tpu.memory_space<hbm>>) dst(%dma_wait3A_1360 : memref<32x128xf32, #tpu.memory_space<vmem>>)
      }
      %mul3A_905 = arith.constant 8 : i32
      %mul3A_906 = arith.muli %scan3A_889, %mul3A_905 : i32
      %get3A_907 = arith.index_cast %mul3A_906 : i32 to index
      %get3A_908 = tpu.vector_load %arg6[%get3A_907] {strides = array<i32>} : memref<528xi32, #tpu.memory_space<vmem>>, vector<16xi32>,
      %slice3A_909 = vector.extract_strided_slice %get3A_908 {offsets = [0], sizes = [1], strides = [1]} : vector<16xi32> to vector<1xi32>
      %squeeze3A_910 = vector.extract %slice3A_909[0] : i32 from vector<1xi32>
      %and3A_911 = arith.constant 127 : i32
      %and3A_912 = arith.andi %squeeze3A_910, %and3A_911 : i32
      %broadcast_in_dim3A_913 = vector.broadcast %and3A_912 : i32 to vector<16xi32>
      %rem3A_914 = arith.constant 4 : i32
      %rem3A_915 = arith.remsi %scan3A_889, %rem3A_914 : i32
      %get3A_916 = arith.constant 0 : i32
      %get3A_917 = arith.index_cast %rem3A_915 : i32 to index
      %get3A_918 = arith.index_cast %get3A_916 : i32 to index
      %get3A_919 = memref.load %arg10[%get3A_917, %get3A_918] : memref<4x8xi32, #tpu.memory_space<smem>>
      %broadcast_in_dim3A_920 = vector.broadcast %get3A_919 : i32 to vector<16xi32>
      %mul3A_921 = arith.constant 8 : i32
      %mul3A_922 = arith.muli %scan3A_889, %mul3A_921 : i32
      %add3A_923 = arith.constant 0 : i32
      %add3A_924 = arith.addi %mul3A_922, %add3A_923 : i32
      %broadcast_in_dim3A_925 = vector.broadcast %add3A_924 : i32 to vector<16xi32>
      %gather3A_926 = tpu.vector_load_idx %arg8[%broadcast_in_dim3A_920, %iota3A, %broadcast_in_dim3A_913] : memref<20x32x128xf32, #tpu.memory_space<vmem>>[vector<16xi32>, vector<16xi32>, vector<16xi32>], vector<16xf32>,
      %gather3A_927 = tpu.vector_load_idx %arg8[%broadcast_in_dim3A_920, %add3A_5, %broadcast_in_dim3A_913] : memref<20x32x128xf32, #tpu.memory_space<vmem>>[vector<16xi32>, vector<16xi32>, vector<16xi32>], vector<16xf32>,
      %gather3A_928 = tpu.vector_load_idx %arg7[%iota3A, %broadcast_in_dim3A_925] : memref<32x512xf32, #tpu.memory_space<vmem>>[vector<16xi32>, vector<16xi32>], vector<16xf32>,
      %gather3A_929 = tpu.vector_load_idx %arg7[%add3A_5, %broadcast_in_dim3A_925] : memref<32x512xf32, #tpu.memory_space<vmem>>[vector<16xi32>, vector<16xi32>], vector<16xf32>,
      %sub3A_930 = arith.subf %gather3A_928, %gather3A_926 : vector<16xf32>
      %sub3A_931 = arith.subf %gather3A_929, %gather3A_927 : vector<16xf32>
      %mul3A_932 = arith.mulf %sub3A_930, %sub3A_930 : vector<16xf32>
      %add3A_933 = arith.addf %scan3A_894, %mul3A_932 : vector<16xf32>
      %mul3A_934 = arith.mulf %sub3A_931, %sub3A_931 : vector<16xf32>
      %add3A_935 = arith.addf %add3A_933, %mul3A_934 : vector<16xf32>
      %slice3A_936 = vector.extract_strided_slice %get3A_908 {offsets = [1], sizes = [1], strides = [1]} : vector<16xi32> to vector<1xi32>
      %squeeze3A_937 = vector.extract %slice3A_936[0] : i32 from vector<1xi32>
      %and3A_938 = arith.constant 127 : i32
      %and3A_939 = arith.andi %squeeze3A_937, %and3A_938 : i32
      %broadcast_in_dim3A_940 = vector.broadcast %and3A_939 : i32 to vector<16xi32>
      %rem3A_941 = arith.constant 4 : i32
      %rem3A_942 = arith.remsi %scan3A_889, %rem3A_941 : i32
      %get3A_943 = arith.constant 1 : i32
      %get3A_944 = arith.index_cast %rem3A_942 : i32 to index
      %get3A_945 = arith.index_cast %get3A_943 : i32 to index
      %get3A_946 = memref.load %arg10[%get3A_944, %get3A_945] : memref<4x8xi32, #tpu.memory_space<smem>>
      %broadcast_in_dim3A_947 = vector.broadcast %get3A_946 : i32 to vector<16xi32>
      %mul3A_948 = arith.constant 8 : i32
      %mul3A_949 = arith.muli %scan3A_889, %mul3A_948 : i32
      %add3A_950 = arith.constant 1 : i32
      %add3A_951 = arith.addi %mul3A_949, %add3A_950 : i32
      %broadcast_in_dim3A_952 = vector.broadcast %add3A_951 : i32 to vector<16xi32>
      %gather3A_953 = tpu.vector_load_idx %arg8[%broadcast_in_dim3A_947, %iota3A, %broadcast_in_dim3A_940] : memref<20x32x128xf32, #tpu.memory_space<vmem>>[vector<16xi32>, vector<16xi32>, vector<16xi32>], vector<16xf32>,
      %gather3A_954 = tpu.vector_load_idx %arg8[%broadcast_in_dim3A_947, %add3A_5, %broadcast_in_dim3A_940] : memref<20x32x128xf32, #tpu.memory_space<vmem>>[vector<16xi32>, vector<16xi32>, vector<16xi32>], vector<16xf32>,
      %gather3A_955 = tpu.vector_load_idx %arg7[%iota3A, %broadcast_in_dim3A_952] : memref<32x512xf32, #tpu.memory_space<vmem>>[vector<16xi32>, vector<16xi32>], vector<16xf32>,
      %gather3A_956 = tpu.vector_load_idx %arg7[%add3A_5, %broadcast_in_dim3A_952] : memref<32x512xf32, #tpu.memory_space<vmem>>[vector<16xi32>, vector<16xi32>], vector<16xf32>,
      %sub3A_957 = arith.subf %gather3A_955, %gather3A_953 : vector<16xf32>
      %sub3A_958 = arith.subf %gather3A_956, %gather3A_954 : vector<16xf32>
      %mul3A_959 = arith.mulf %sub3A_957, %sub3A_957 : vector<16xf32>
      %add3A_960 = arith.addf %add3A_935, %mul3A_959 : vector<16xf32>
      %mul3A_961 = arith.mulf %sub3A_958, %sub3A_958 : vector<16xf32>
      %add3A_962 = arith.addf %add3A_960, %mul3A_961 : vector<16xf32>
      %slice3A_963 = vector.extract_strided_slice %get3A_908 {offsets = [2], sizes = [1], strides = [1]} : vector<16xi32> to vector<1xi32>
      %squeeze3A_964 = vector.extract %slice3A_963[0] : i32 from vector<1xi32>
      %and3A_965 = arith.constant 127 : i32
      %and3A_966 = arith.andi %squeeze3A_964, %and3A_965 : i32
      %broadcast_in_dim3A_967 = vector.broadcast %and3A_966 : i32 to vector<16xi32>
      %rem3A_968 = arith.constant 4 : i32
      %rem3A_969 = arith.remsi %scan3A_889, %rem3A_968 : i32
      %get3A_970 = arith.constant 2 : i32
      %get3A_971 = arith.index_cast %rem3A_969 : i32 to index
      %get3A_972 = arith.index_cast %get3A_970 : i32 to index
      %get3A_973 = memref.load %arg10[%get3A_971, %get3A_972] : memref<4x8xi32, #tpu.memory_space<smem>>
      %broadcast_in_dim3A_974 = vector.broadcast %get3A_973 : i32 to vector<16xi32>
      %mul3A_975 = arith.constant 8 : i32
      %mul3A_976 = arith.muli %scan3A_889, %mul3A_975 : i32
      %add3A_977 = arith.constant 2 : i32
      %add3A_978 = arith.addi %mul3A_976, %add3A_977 : i32
      %broadcast_in_dim3A_979 = vector.broadcast %add3A_978 : i32 to vector<16xi32>
      %gather3A_980 = tpu.vector_load_idx %arg8[%broadcast_in_dim3A_974, %iota3A, %broadcast_in_dim3A_967] : memref<20x32x128xf32, #tpu.memory_space<vmem>>[vector<16xi32>, vector<16xi32>, vector<16xi32>], vector<16xf32>,
      %gather3A_981 = tpu.vector_load_idx %arg8[%broadcast_in_dim3A_974, %add3A_5, %broadcast_in_dim3A_967] : memref<20x32x128xf32, #tpu.memory_space<vmem>>[vector<16xi32>, vector<16xi32>, vector<16xi32>], vector<16xf32>,
      %gather3A_982 = tpu.vector_load_idx %arg7[%iota3A, %broadcast_in_dim3A_979] : memref<32x512xf32, #tpu.memory_space<vmem>>[vector<16xi32>, vector<16xi32>], vector<16xf32>,
      %gather3A_983 = tpu.vector_load_idx %arg7[%add3A_5, %broadcast_in_dim3A_979] : memref<32x512xf32, #tpu.memory_space<vmem>>[vector<16xi32>, vector<16xi32>], vector<16xf32>,
      %sub3A_984 = arith.subf %gather3A_982, %gather3A_980 : vector<16xf32>
      %sub3A_985 = arith.subf %gather3A_983, %gather3A_981 : vector<16xf32>
      %mul3A_986 = arith.mulf %sub3A_984, %sub3A_984 : vector<16xf32>
      %add3A_987 = arith.addf %add3A_962, %mul3A_986 : vector<16xf32>
      %mul3A_988 = arith.mulf %sub3A_985, %sub3A_985 : vector<16xf32>
      %add3A_989 = arith.addf %add3A_987, %mul3A_988 : vector<16xf32>
      %slice3A_990 = vector.extract_strided_slice %get3A_908 {offsets = [3], sizes = [1], strides = [1]} : vector<16xi32> to vector<1xi32>
      %squeeze3A_991 = vector.extract %slice3A_990[0] : i32 from vector<1xi32>
      %and3A_992 = arith.constant 127 : i32
      %and3A_993 = arith.andi %squeeze3A_991, %and3A_992 : i32
      %broadcast_in_dim3A_994 = vector.broadcast %and3A_993 : i32 to vector<16xi32>
      %rem3A_995 = arith.constant 4 : i32
      %rem3A_996 = arith.remsi %scan3A_889, %rem3A_995 : i32
      %get3A_997 = arith.constant 3 : i32
      %get3A_998 = arith.index_cast %rem3A_996 : i32 to index
      %get3A_999 = arith.index_cast %get3A_997 : i32 to index
      %get3A_1000 = memref.load %arg10[%get3A_998, %get3A_999] : memref<4x8xi32, #tpu.memory_space<smem>>
      %broadcast_in_dim3A_1001 = vector.broadcast %get3A_1000 : i32 to vector<16xi32>
      %mul3A_1002 = arith.constant 8 : i32
      %mul3A_1003 = arith.muli %scan3A_889, %mul3A_1002 : i32
      %add3A_1004 = arith.constant 3 : i32
      %add3A_1005 = arith.addi %mul3A_1003, %add3A_1004 : i32
      %broadcast_in_dim3A_1006 = vector.broadcast %add3A_1005 : i32 to vector<16xi32>
      %gather3A_1007 = tpu.vector_load_idx %arg8[%broadcast_in_dim3A_1001, %iota3A, %broadcast_in_dim3A_994] : memref<20x32x128xf32, #tpu.memory_space<vmem>>[vector<16xi32>, vector<16xi32>, vector<16xi32>], vector<16xf32>,
      %gather3A_1008 = tpu.vector_load_idx %arg8[%broadcast_in_dim3A_1001, %add3A_5, %broadcast_in_dim3A_994] : memref<20x32x128xf32, #tpu.memory_space<vmem>>[vector<16xi32>, vector<16xi32>, vector<16xi32>], vector<16xf32>,
      %gather3A_1009 = tpu.vector_load_idx %arg7[%iota3A, %broadcast_in_dim3A_1006] : memref<32x512xf32, #tpu.memory_space<vmem>>[vector<16xi32>, vector<16xi32>], vector<16xf32>,
      %gather3A_1010 = tpu.vector_load_idx %arg7[%add3A_5, %broadcast_in_dim3A_1006] : memref<32x512xf32, #tpu.memory_space<vmem>>[vector<16xi32>, vector<16xi32>], vector<16xf32>,
      %sub3A_1011 = arith.subf %gather3A_1009, %gather3A_1007 : vector<16xf32>
      %sub3A_1012 = arith.subf %gather3A_1010, %gather3A_1008 : vector<16xf32>
      %mul3A_1013 = arith.mulf %sub3A_1011, %sub3A_1011 : vector<16xf32>
      %add3A_1014 = arith.addf %add3A_989, %mul3A_1013 : vector<16xf32>
      %mul3A_1015 = arith.mulf %sub3A_1012, %sub3A_1012 : vector<16xf32>
      %add3A_1016 = arith.addf %add3A_1014, %mul3A_1015 : vector<16xf32>
      %slice3A_1017 = vector.extract_strided_slice %get3A_908 {offsets = [4], sizes = [1], strides = [1]} : vector<16xi32> to vector<1xi32>
      %squeeze3A_1018 = vector.extract %slice3A_1017[0] : i32 from vector<1xi32>
      %and3A_1019 = arith.constant 127 : i32
      %and3A_1020 = arith.andi %squeeze3A_1018, %and3A_1019 : i32
      %broadcast_in_dim3A_1021 = vector.broadcast %and3A_1020 : i32 to vector<16xi32>
      %rem3A_1022 = arith.constant 4 : i32
      %rem3A_1023 = arith.remsi %scan3A_889, %rem3A_1022 : i32
      %get3A_1024 = arith.constant 4 : i32
      %get3A_1025 = arith.index_cast %rem3A_1023 : i32 to index
      %get3A_1026 = arith.index_cast %get3A_1024 : i32 to index
      %get3A_1027 = memref.load %arg10[%get3A_1025, %get3A_1026] : memref<4x8xi32, #tpu.memory_space<smem>>
      %broadcast_in_dim3A_1028 = vector.broadcast %get3A_1027 : i32 to vector<16xi32>
      %mul3A_1029 = arith.constant 8 : i32
      %mul3A_1030 = arith.muli %scan3A_889, %mul3A_1029 : i32
      %add3A_1031 = arith.constant 4 : i32
      %add3A_1032 = arith.addi %mul3A_1030, %add3A_1031 : i32
      %broadcast_in_dim3A_1033 = vector.broadcast %add3A_1032 : i32 to vector<16xi32>
      %gather3A_1034 = tpu.vector_load_idx %arg8[%broadcast_in_dim3A_1028, %iota3A, %broadcast_in_dim3A_1021] : memref<20x32x128xf32, #tpu.memory_space<vmem>>[vector<16xi32>, vector<16xi32>, vector<16xi32>], vector<16xf32>,
      %gather3A_1035 = tpu.vector_load_idx %arg8[%broadcast_in_dim3A_1028, %add3A_5, %broadcast_in_dim3A_1021] : memref<20x32x128xf32, #tpu.memory_space<vmem>>[vector<16xi32>, vector<16xi32>, vector<16xi32>], vector<16xf32>,
      %gather3A_1036 = tpu.vector_load_idx %arg7[%iota3A, %broadcast_in_dim3A_1033] : memref<32x512xf32, #tpu.memory_space<vmem>>[vector<16xi32>, vector<16xi32>], vector<16xf32>,
      %gather3A_1037 = tpu.vector_load_idx %arg7[%add3A_5, %broadcast_in_dim3A_1033] : memref<32x512xf32, #tpu.memory_space<vmem>>[vector<16xi32>, vector<16xi32>], vector<16xf32>,
      %sub3A_1038 = arith.subf %gather3A_1036, %gather3A_1034 : vector<16xf32>
      %sub3A_1039 = arith.subf %gather3A_1037, %gather3A_1035 : vector<16xf32>
      %mul3A_1040 = arith.mulf %sub3A_1038, %sub3A_1038 : vector<16xf32>
      %add3A_1041 = arith.addf %add3A_1016, %mul3A_1040 : vector<16xf32>
      %mul3A_1042 = arith.mulf %sub3A_1039, %sub3A_1039 : vector<16xf32>
      %add3A_1043 = arith.addf %add3A_1041, %mul3A_1042 : vector<16xf32>
      %slice3A_1044 = vector.extract_strided_slice %get3A_908 {offsets = [5], sizes = [1], strides = [1]} : vector<16xi32> to vector<1xi32>
      %squeeze3A_1045 = vector.extract %slice3A_1044[0] : i32 from vector<1xi32>
      %and3A_1046 = arith.constant 127 : i32
      %and3A_1047 = arith.andi %squeeze3A_1045, %and3A_1046 : i32
      %broadcast_in_dim3A_1048 = vector.broadcast %and3A_1047 : i32 to vector<16xi32>
      %rem3A_1049 = arith.constant 4 : i32
      %rem3A_1050 = arith.remsi %scan3A_889, %rem3A_1049 : i32
      %get3A_1051 = arith.constant 5 : i32
      %get3A_1052 = arith.index_cast %rem3A_1050 : i32 to index
      %get3A_1053 = arith.index_cast %get3A_1051 : i32 to index
      %get3A_1054 = memref.load %arg10[%get3A_1052, %get3A_1053] : memref<4x8xi32, #tpu.memory_space<smem>>
      %broadcast_in_dim3A_1055 = vector.broadcast %get3A_1054 : i32 to vector<16xi32>
      %mul3A_1056 = arith.constant 8 : i32
      %mul3A_1057 = arith.muli %scan3A_889, %mul3A_1056 : i32
      %add3A_1058 = arith.constant 5 : i32
      %add3A_1059 = arith.addi %mul3A_1057, %add3A_1058 : i32
      %broadcast_in_dim3A_1060 = vector.broadcast %add3A_1059 : i32 to vector<16xi32>
      %gather3A_1061 = tpu.vector_load_idx %arg8[%broadcast_in_dim3A_1055, %iota3A, %broadcast_in_dim3A_1048] : memref<20x32x128xf32, #tpu.memory_space<vmem>>[vector<16xi32>, vector<16xi32>, vector<16xi32>], vector<16xf32>,
      %gather3A_1062 = tpu.vector_load_idx %arg8[%broadcast_in_dim3A_1055, %add3A_5, %broadcast_in_dim3A_1048] : memref<20x32x128xf32, #tpu.memory_space<vmem>>[vector<16xi32>, vector<16xi32>, vector<16xi32>], vector<16xf32>,
      %gather3A_1063 = tpu.vector_load_idx %arg7[%iota3A, %broadcast_in_dim3A_1060] : memref<32x512xf32, #tpu.memory_space<vmem>>[vector<16xi32>, vector<16xi32>], vector<16xf32>,
      %gather3A_1064 = tpu.vector_load_idx %arg7[%add3A_5, %broadcast_in_dim3A_1060] : memref<32x512xf32, #tpu.memory_space<vmem>>[vector<16xi32>, vector<16xi32>], vector<16xf32>,
      %sub3A_1065 = arith.subf %gather3A_1063, %gather3A_1061 : vector<16xf32>
      %sub3A_1066 = arith.subf %gather3A_1064, %gather3A_1062 : vector<16xf32>
      %mul3A_1067 = arith.mulf %sub3A_1065, %sub3A_1065 : vector<16xf32>
      %add3A_1068 = arith.addf %add3A_1043, %mul3A_1067 : vector<16xf32>
      %mul3A_1069 = arith.mulf %sub3A_1066, %sub3A_1066 : vector<16xf32>
      %add3A_1070 = arith.addf %add3A_1068, %mul3A_1069 : vector<16xf32>
      %slice3A_1071 = vector.extract_strided_slice %get3A_908 {offsets = [6], sizes = [1], strides = [1]} : vector<16xi32> to vector<1xi32>
      %squeeze3A_1072 = vector.extract %slice3A_1071[0] : i32 from vector<1xi32>
      %and3A_1073 = arith.constant 127 : i32
      %and3A_1074 = arith.andi %squeeze3A_1072, %and3A_1073 : i32
      %broadcast_in_dim3A_1075 = vector.broadcast %and3A_1074 : i32 to vector<16xi32>
      %rem3A_1076 = arith.constant 4 : i32
      %rem3A_1077 = arith.remsi %scan3A_889, %rem3A_1076 : i32
      %get3A_1078 = arith.constant 6 : i32
      %get3A_1079 = arith.index_cast %rem3A_1077 : i32 to index
      %get3A_1080 = arith.index_cast %get3A_1078 : i32 to index
      %get3A_1081 = memref.load %arg10[%get3A_1079, %get3A_1080] : memref<4x8xi32, #tpu.memory_space<smem>>
      %broadcast_in_dim3A_1082 = vector.broadcast %get3A_1081 : i32 to vector<16xi32>
      %mul3A_1083 = arith.constant 8 : i32
      %mul3A_1084 = arith.muli %scan3A_889, %mul3A_1083 : i32
      %add3A_1085 = arith.constant 6 : i32
      %add3A_1086 = arith.addi %mul3A_1084, %add3A_1085 : i32
      %broadcast_in_dim3A_1087 = vector.broadcast %add3A_1086 : i32 to vector<16xi32>
      %gather3A_1088 = tpu.vector_load_idx %arg8[%broadcast_in_dim3A_1082, %iota3A, %broadcast_in_dim3A_1075] : memref<20x32x128xf32, #tpu.memory_space<vmem>>[vector<16xi32>, vector<16xi32>, vector<16xi32>], vector<16xf32>,
      %gather3A_1089 = tpu.vector_load_idx %arg8[%broadcast_in_dim3A_1082, %add3A_5, %broadcast_in_dim3A_1075] : memref<20x32x128xf32, #tpu.memory_space<vmem>>[vector<16xi32>, vector<16xi32>, vector<16xi32>], vector<16xf32>,
      %gather3A_1090 = tpu.vector_load_idx %arg7[%iota3A, %broadcast_in_dim3A_1087] : memref<32x512xf32, #tpu.memory_space<vmem>>[vector<16xi32>, vector<16xi32>], vector<16xf32>,
      %gather3A_1091 = tpu.vector_load_idx %arg7[%add3A_5, %broadcast_in_dim3A_1087] : memref<32x512xf32, #tpu.memory_space<vmem>>[vector<16xi32>, vector<16xi32>], vector<16xf32>,
      %sub3A_1092 = arith.subf %gather3A_1090, %gather3A_1088 : vector<16xf32>
      %sub3A_1093 = arith.subf %gather3A_1091, %gather3A_1089 : vector<16xf32>
      %mul3A_1094 = arith.mulf %sub3A_1092, %sub3A_1092 : vector<16xf32>
      %add3A_1095 = arith.addf %add3A_1070, %mul3A_1094 : vector<16xf32>
      %mul3A_1096 = arith.mulf %sub3A_1093, %sub3A_1093 : vector<16xf32>
      %add3A_1097 = arith.addf %add3A_1095, %mul3A_1096 : vector<16xf32>
      %slice3A_1098 = vector.extract_strided_slice %get3A_908 {offsets = [7], sizes = [1], strides = [1]} : vector<16xi32> to vector<1xi32>
      %squeeze3A_1099 = vector.extract %slice3A_1098[0] : i32 from vector<1xi32>
      %and3A_1100 = arith.constant 127 : i32
      %and3A_1101 = arith.andi %squeeze3A_1099, %and3A_1100 : i32
      %broadcast_in_dim3A_1102 = vector.broadcast %and3A_1101 : i32 to vector<16xi32>
      %rem3A_1103 = arith.constant 4 : i32
      %rem3A_1104 = arith.remsi %scan3A_889, %rem3A_1103 : i32
      %get3A_1105 = arith.constant 7 : i32
      %get3A_1106 = arith.index_cast %rem3A_1104 : i32 to index
      %get3A_1107 = arith.index_cast %get3A_1105 : i32 to index
      %get3A_1108 = memref.load %arg10[%get3A_1106, %get3A_1107] : memref<4x8xi32, #tpu.memory_space<smem>>
      %broadcast_in_dim3A_1109 = vector.broadcast %get3A_1108 : i32 to vector<16xi32>
      %mul3A_1110 = arith.constant 8 : i32
      %mul3A_1111 = arith.muli %scan3A_889, %mul3A_1110 : i32
      %add3A_1112 = arith.constant 7 : i32
      %add3A_1113 = arith.addi %mul3A_1111, %add3A_1112 : i32
      %broadcast_in_dim3A_1114 = vector.broadcast %add3A_1113 : i32 to vector<16xi32>
      %gather3A_1115 = tpu.vector_load_idx %arg8[%broadcast_in_dim3A_1109, %iota3A, %broadcast_in_dim3A_1102] : memref<20x32x128xf32, #tpu.memory_space<vmem>>[vector<16xi32>, vector<16xi32>, vector<16xi32>], vector<16xf32>,
      %gather3A_1116 = tpu.vector_load_idx %arg8[%broadcast_in_dim3A_1109, %add3A_5, %broadcast_in_dim3A_1102] : memref<20x32x128xf32, #tpu.memory_space<vmem>>[vector<16xi32>, vector<16xi32>, vector<16xi32>], vector<16xf32>,
      %gather3A_1117 = tpu.vector_load_idx %arg7[%iota3A, %broadcast_in_dim3A_1114] : memref<32x512xf32, #tpu.memory_space<vmem>>[vector<16xi32>, vector<16xi32>], vector<16xf32>,
      %gather3A_1118 = tpu.vector_load_idx %arg7[%add3A_5, %broadcast_in_dim3A_1114] : memref<32x512xf32, #tpu.memory_space<vmem>>[vector<16xi32>, vector<16xi32>], vector<16xf32>,
      %sub3A_1119 = arith.subf %gather3A_1117, %gather3A_1115 : vector<16xf32>
      %sub3A_1120 = arith.subf %gather3A_1118, %gather3A_1116 : vector<16xf32>
      %mul3A_1121 = arith.mulf %sub3A_1119, %sub3A_1119 : vector<16xf32>
      %add3A_1122 = arith.addf %add3A_1097, %mul3A_1121 : vector<16xf32>
      %mul3A_1123 = arith.mulf %sub3A_1120, %sub3A_1120 : vector<16xf32>
      %add3A_1124 = arith.addf %add3A_1122, %mul3A_1123 : vector<16xf32>
      %add3A_1125 = arith.constant 2 : i32
      %add3A_1126 = arith.addi %scan3A_889, %add3A_1125 : i32
      %mul3A_1127 = arith.constant 8 : i32
      %mul3A_1128 = arith.muli %add3A_1126, %mul3A_1127 : i32
      %get3A_1129 = arith.index_cast %mul3A_1128 : i32 to index
      %get3A_1130 = tpu.vector_load %arg6[%get3A_1129] {strides = array<i32>} : memref<528xi32, #tpu.memory_space<vmem>>, vector<16xi32>,
      %slice3A_1131 = vector.extract_strided_slice %get3A_1130 {offsets = [0], sizes = [1], strides = [1]} : vector<16xi32> to vector<1xi32>
      %squeeze3A_1132 = vector.extract %slice3A_1131[0] : i32 from vector<1xi32>
      %shift_right_arithmetic3A_1133 = arith.constant 7 : i32
      %shift_right_arithmetic3A_1134 = arith.shrsi %squeeze3A_1132, %shift_right_arithmetic3A_1133 : i32
      %shift_left3A_1135 = arith.constant 7 : i32
      %shift_left3A_1136 = arith.shli %shift_right_arithmetic3A_1134, %shift_left3A_1135 : i32
      %multiple_of3A_1137 = tpu.assume_multiple %shift_left3A_1136, 128 : i32
      %ne3A_1138 = arith.cmpi ne, %multiple_of3A_1137, %scan3A_890 : i32
      %rem3A_1139 = arith.constant 20 : i32
      %rem3A_1140 = arith.remsi %scan3A_891, %rem3A_1139 : i32
      %convert_element_type3A_1141 = arith.extui %ne3A_1138 : i1 to i32
      %cond3A_1142 = arith.constant 0 : i32
      %cond3A_1143 = arith.cmpi ne, %convert_element_type3A_1141, %cond3A_1142 : i32
      scf.if %cond3A_1143 {
        %dma_start3A_1348 = arith.constant 0 : i32
        %dma_start3A_1349 = arith.constant 0 : i32
        %dma_start3A_1350 = tpu.memref_slice %arg8[%rem3A_1140, %dma_start3A_1348, %dma_start3A_1349] : memref<20x32x128xf32, #tpu.memory_space<vmem>> -> memref<1x32x128xf32, #tpu.memory_space<vmem>>
        %dma_start3A_1351 = tpu.memref_squeeze %dma_start3A_1350 : memref<1x32x128xf32, #tpu.memory_space<vmem>> -> memref<32x128xf32, #tpu.memory_space<vmem>>
        %dma_start3A_1352 = arith.constant 0 : i32
        %dma_start3A_1353 = tpu.memref_slice %arg4[%dma_start3A_1352, %multiple_of3A_1137] : memref<32x1000000xf32, #tpu.memory_space<hbm>> -> memref<32x128xf32, #tpu.memory_space<hbm>>
        %dma_start3A_1354 = arith.constant 0 : i32
        %dma_start3A_1355 = arith.constant 0 : i32
        %dma_start3A_1356 = tpu.memref_slice %arg8[%rem3A_1140, %dma_start3A_1354, %dma_start3A_1355] : memref<20x32x128xf32, #tpu.memory_space<vmem>> -> memref<1x32x128xf32, #tpu.memory_space<vmem>>
        %dma_start3A_1357 = tpu.memref_squeeze %dma_start3A_1356 : memref<1x32x128xf32, #tpu.memory_space<vmem>> -> memref<32x128xf32, #tpu.memory_space<vmem>>
        %dma_start3A_1358 = arith.constant 0 : i32
        %dma_start3A_1359 = tpu.memref_slice %arg4[%dma_start3A_1358, %multiple_of3A_1137] : memref<32x1000000xf32, #tpu.memory_space<hbm>> -> memref<32x128xf32, #tpu.memory_space<hbm>>
        tpu.enqueue_dma source(%dma_start3A_1359 : memref<32x128xf32, #tpu.memory_space<hbm>>) target(%dma_start3A_1357 : memref<32x128xf32, #tpu.memory_space<vmem>>) target_semaphore(%arg11 : memref<!tpu.dma_semaphore, #tpu.memory_space<semaphore_mem>>)
      } else {
      }
      %add3A_1144 = arith.constant 1 : i32
      %add3A_1145 = arith.addi %scan3A_891, %add3A_1144 : i32
      %select_n3A_1146 = arith.select %ne3A_1138, %add3A_1145, %scan3A_891 : i32
      %select_n3A_1147 = arith.select %ne3A_1138, %multiple_of3A_1137, %scan3A_890 : i32
      %sub3A_1148 = arith.constant 1 : i32
      %sub3A_1149 = arith.subi %select_n3A_1146, %sub3A_1148 : i32
      %rem3A_1150 = arith.constant 20 : i32
      %rem3A_1151 = arith.remsi %sub3A_1149, %rem3A_1150 : i32
      %rem3A_1152 = arith.constant 4 : i32
      %rem3A_1153 = arith.remsi %add3A_1126, %rem3A_1152 : i32
      %swap3A_1154 = arith.constant 0 : i32
      %swap3A_1155 = arith.index_cast %rem3A_1153 : i32 to index
      %swap3A_1156 = arith.index_cast %swap3A_1154 : i32 to index
      %swap3A_1157 = memref.load %arg10[%swap3A_1155, %swap3A_1156] : memref<4x8xi32, #tpu.memory_space<smem>>
      memref.store %rem3A_1151, %arg10[%swap3A_1155, %swap3A_1156] : memref<4x8xi32, #tpu.memory_space<smem>>
      %slice3A_1158 = vector.extract_strided_slice %get3A_1130 {offsets = [1], sizes = [1], strides = [1]} : vector<16xi32> to vector<1xi32>
      %squeeze3A_1159 = vector.extract %slice3A_1158[0] : i32 from vector<1xi32>
      %shift_right_arithmetic3A_1160 = arith.constant 7 : i32
      %shift_right_arithmetic3A_1161 = arith.shrsi %squeeze3A_1159, %shift_right_arithmetic3A_1160 : i32
      %shift_left3A_1162 = arith.constant 7 : i32
      %shift_left3A_1163 = arith.shli %shift_right_arithmetic3A_1161, %shift_left3A_1162 : i32
      %multiple_of3A_1164 = tpu.assume_multiple %shift_left3A_1163, 128 : i32
      %ne3A_1165 = arith.cmpi ne, %multiple_of3A_1164, %select_n3A_1147 : i32
      %rem3A_1166 = arith.constant 20 : i32
      %rem3A_1167 = arith.remsi %select_n3A_1146, %rem3A_1166 : i32
      %convert_element_type3A_1168 = arith.extui %ne3A_1165 : i1 to i32
      %cond3A_1169 = arith.constant 0 : i32
      %cond3A_1170 = arith.cmpi ne, %convert_element_type3A_1168, %cond3A_1169 : i32
      scf.if %cond3A_1170 {
        %dma_start3A_1348 = arith.constant 0 : i32
        %dma_start3A_1349 = arith.constant 0 : i32
        %dma_start3A_1350 = tpu.memref_slice %arg8[%rem3A_1167, %dma_start3A_1348, %dma_start3A_1349] : memref<20x32x128xf32, #tpu.memory_space<vmem>> -> memref<1x32x128xf32, #tpu.memory_space<vmem>>
        %dma_start3A_1351 = tpu.memref_squeeze %dma_start3A_1350 : memref<1x32x128xf32, #tpu.memory_space<vmem>> -> memref<32x128xf32, #tpu.memory_space<vmem>>
        %dma_start3A_1352 = arith.constant 0 : i32
        %dma_start3A_1353 = tpu.memref_slice %arg4[%dma_start3A_1352, %multiple_of3A_1164] : memref<32x1000000xf32, #tpu.memory_space<hbm>> -> memref<32x128xf32, #tpu.memory_space<hbm>>
        %dma_start3A_1354 = arith.constant 0 : i32
        %dma_start3A_1355 = arith.constant 0 : i32
        %dma_start3A_1356 = tpu.memref_slice %arg8[%rem3A_1167, %dma_start3A_1354, %dma_start3A_1355] : memref<20x32x128xf32, #tpu.memory_space<vmem>> -> memref<1x32x128xf32, #tpu.memory_space<vmem>>
        %dma_start3A_1357 = tpu.memref_squeeze %dma_start3A_1356 : memref<1x32x128xf32, #tpu.memory_space<vmem>> -> memref<32x128xf32, #tpu.memory_space<vmem>>
        %dma_start3A_1358 = arith.constant 0 : i32
        %dma_start3A_1359 = tpu.memref_slice %arg4[%dma_start3A_1358, %multiple_of3A_1164] : memref<32x1000000xf32, #tpu.memory_space<hbm>> -> memref<32x128xf32, #tpu.memory_space<hbm>>
        tpu.enqueue_dma source(%dma_start3A_1359 : memref<32x128xf32, #tpu.memory_space<hbm>>) target(%dma_start3A_1357 : memref<32x128xf32, #tpu.memory_space<vmem>>) target_semaphore(%arg11 : memref<!tpu.dma_semaphore, #tpu.memory_space<semaphore_mem>>)
      } else {
      }
      %add3A_1171 = arith.constant 1 : i32
      %add3A_1172 = arith.addi %select_n3A_1146, %add3A_1171 : i32
      %select_n3A_1173 = arith.select %ne3A_1165, %add3A_1172, %select_n3A_1146 : i32
      %select_n3A_1174 = arith.select %ne3A_1165, %multiple_of3A_1164, %select_n3A_1147 : i32
      %sub3A_1175 = arith.constant 1 : i32
      %sub3A_1176 = arith.subi %select_n3A_1173, %sub3A_1175 : i32
      %rem3A_1177 = arith.constant 20 : i32
      %rem3A_1178 = arith.remsi %sub3A_1176, %rem3A_1177 : i32
      %rem3A_1179 = arith.constant 4 : i32
      %rem3A_1180 = arith.remsi %add3A_1126, %rem3A_1179 : i32
      %swap3A_1181 = arith.constant 1 : i32
      %swap3A_1182 = arith.index_cast %rem3A_1180 : i32 to index
      %swap3A_1183 = arith.index_cast %swap3A_1181 : i32 to index
      %swap3A_1184 = memref.load %arg10[%swap3A_1182, %swap3A_1183] : memref<4x8xi32, #tpu.memory_space<smem>>
      memref.store %rem3A_1178, %arg10[%swap3A_1182, %swap3A_1183] : memref<4x8xi32, #tpu.memory_space<smem>>
      %slice3A_1185 = vector.extract_strided_slice %get3A_1130 {offsets = [2], sizes = [1], strides = [1]} : vector<16xi32> to vector<1xi32>
      %squeeze3A_1186 = vector.extract %slice3A_1185[0] : i32 from vector<1xi32>
      %shift_right_arithmetic3A_1187 = arith.constant 7 : i32
      %shift_right_arithmetic3A_1188 = arith.shrsi %squeeze3A_1186, %shift_right_arithmetic3A_1187 : i32
      %shift_left3A_1189 = arith.constant 7 : i32
      %shift_left3A_1190 = arith.shli %shift_right_arithmetic3A_1188, %shift_left3A_1189 : i32
      %multiple_of3A_1191 = tpu.assume_multiple %shift_left3A_1190, 128 : i32
      %ne3A_1192 = arith.cmpi ne, %multiple_of3A_1191, %select_n3A_1174 : i32
      %rem3A_1193 = arith.constant 20 : i32
      %rem3A_1194 = arith.remsi %select_n3A_1173, %rem3A_1193 : i32
      %convert_element_type3A_1195 = arith.extui %ne3A_1192 : i1 to i32
      %cond3A_1196 = arith.constant 0 : i32
      %cond3A_1197 = arith.cmpi ne, %convert_element_type3A_1195, %cond3A_1196 : i32
      scf.if %cond3A_1197 {
        %dma_start3A_1348 = arith.constant 0 : i32
        %dma_start3A_1349 = arith.constant 0 : i32
        %dma_start3A_1350 = tpu.memref_slice %arg8[%rem3A_1194, %dma_start3A_1348, %dma_start3A_1349] : memref<20x32x128xf32, #tpu.memory_space<vmem>> -> memref<1x32x128xf32, #tpu.memory_space<vmem>>
        %dma_start3A_1351 = tpu.memref_squeeze %dma_start3A_1350 : memref<1x32x128xf32, #tpu.memory_space<vmem>> -> memref<32x128xf32, #tpu.memory_space<vmem>>
        %dma_start3A_1352 = arith.constant 0 : i32
        %dma_start3A_1353 = tpu.memref_slice %arg4[%dma_start3A_1352, %multiple_of3A_1191] : memref<32x1000000xf32, #tpu.memory_space<hbm>> -> memref<32x128xf32, #tpu.memory_space<hbm>>
        %dma_start3A_1354 = arith.constant 0 : i32
        %dma_start3A_1355 = arith.constant 0 : i32
        %dma_start3A_1356 = tpu.memref_slice %arg8[%rem3A_1194, %dma_start3A_1354, %dma_start3A_1355] : memref<20x32x128xf32, #tpu.memory_space<vmem>> -> memref<1x32x128xf32, #tpu.memory_space<vmem>>
        %dma_start3A_1357 = tpu.memref_squeeze %dma_start3A_1356 : memref<1x32x128xf32, #tpu.memory_space<vmem>> -> memref<32x128xf32, #tpu.memory_space<vmem>>
        %dma_start3A_1358 = arith.constant 0 : i32
        %dma_start3A_1359 = tpu.memref_slice %arg4[%dma_start3A_1358, %multiple_of3A_1191] : memref<32x1000000xf32, #tpu.memory_space<hbm>> -> memref<32x128xf32, #tpu.memory_space<hbm>>
        tpu.enqueue_dma source(%dma_start3A_1359 : memref<32x128xf32, #tpu.memory_space<hbm>>) target(%dma_start3A_1357 : memref<32x128xf32, #tpu.memory_space<vmem>>) target_semaphore(%arg11 : memref<!tpu.dma_semaphore, #tpu.memory_space<semaphore_mem>>)
      } else {
      }
      %add3A_1198 = arith.constant 1 : i32
      %add3A_1199 = arith.addi %select_n3A_1173, %add3A_1198 : i32
      %select_n3A_1200 = arith.select %ne3A_1192, %add3A_1199, %select_n3A_1173 : i32
      %select_n3A_1201 = arith.select %ne3A_1192, %multiple_of3A_1191, %select_n3A_1174 : i32
      %sub3A_1202 = arith.constant 1 : i32
      %sub3A_1203 = arith.subi %select_n3A_1200, %sub3A_1202 : i32
      %rem3A_1204 = arith.constant 20 : i32
      %rem3A_1205 = arith.remsi %sub3A_1203, %rem3A_1204 : i32
      %rem3A_1206 = arith.constant 4 : i32
      %rem3A_1207 = arith.remsi %add3A_1126, %rem3A_1206 : i32
      %swap3A_1208 = arith.constant 2 : i32
      %swap3A_1209 = arith.index_cast %rem3A_1207 : i32 to index
      %swap3A_1210 = arith.index_cast %swap3A_1208 : i32 to index
      %swap3A_1211 = memref.load %arg10[%swap3A_1209, %swap3A_1210] : memref<4x8xi32, #tpu.memory_space<smem>>
      memref.store %rem3A_1205, %arg10[%swap3A_1209, %swap3A_1210] : memref<4x8xi32, #tpu.memory_space<smem>>
      %slice3A_1212 = vector.extract_strided_slice %get3A_1130 {offsets = [3], sizes = [1], strides = [1]} : vector<16xi32> to vector<1xi32>
      %squeeze3A_1213 = vector.extract %slice3A_1212[0] : i32 from vector<1xi32>
      %shift_right_arithmetic3A_1214 = arith.constant 7 : i32
      %shift_right_arithmetic3A_1215 = arith.shrsi %squeeze3A_1213, %shift_right_arithmetic3A_1214 : i32
      %shift_left3A_1216 = arith.constant 7 : i32
      %shift_left3A_1217 = arith.shli %shift_right_arithmetic3A_1215, %shift_left3A_1216 : i32
      %multiple_of3A_1218 = tpu.assume_multiple %shift_left3A_1217, 128 : i32
      %ne3A_1219 = arith.cmpi ne, %multiple_of3A_1218, %select_n3A_1201 : i32
      %rem3A_1220 = arith.constant 20 : i32
      %rem3A_1221 = arith.remsi %select_n3A_1200, %rem3A_1220 : i32
      %convert_element_type3A_1222 = arith.extui %ne3A_1219 : i1 to i32
      %cond3A_1223 = arith.constant 0 : i32
      %cond3A_1224 = arith.cmpi ne, %convert_element_type3A_1222, %cond3A_1223 : i32
      scf.if %cond3A_1224 {
        %dma_start3A_1348 = arith.constant 0 : i32
        %dma_start3A_1349 = arith.constant 0 : i32
        %dma_start3A_1350 = tpu.memref_slice %arg8[%rem3A_1221, %dma_start3A_1348, %dma_start3A_1349] : memref<20x32x128xf32, #tpu.memory_space<vmem>> -> memref<1x32x128xf32, #tpu.memory_space<vmem>>
        %dma_start3A_1351 = tpu.memref_squeeze %dma_start3A_1350 : memref<1x32x128xf32, #tpu.memory_space<vmem>> -> memref<32x128xf32, #tpu.memory_space<vmem>>
        %dma_start3A_1352 = arith.constant 0 : i32
        %dma_start3A_1353 = tpu.memref_slice %arg4[%dma_start3A_1352, %multiple_of3A_1218] : memref<32x1000000xf32, #tpu.memory_space<hbm>> -> memref<32x128xf32, #tpu.memory_space<hbm>>
        %dma_start3A_1354 = arith.constant 0 : i32
        %dma_start3A_1355 = arith.constant 0 : i32
        %dma_start3A_1356 = tpu.memref_slice %arg8[%rem3A_1221, %dma_start3A_1354, %dma_start3A_1355] : memref<20x32x128xf32, #tpu.memory_space<vmem>> -> memref<1x32x128xf32, #tpu.memory_space<vmem>>
        %dma_start3A_1357 = tpu.memref_squeeze %dma_start3A_1356 : memref<1x32x128xf32, #tpu.memory_space<vmem>> -> memref<32x128xf32, #tpu.memory_space<vmem>>
        %dma_start3A_1358 = arith.constant 0 : i32
        %dma_start3A_1359 = tpu.memref_slice %arg4[%dma_start3A_1358, %multiple_of3A_1218] : memref<32x1000000xf32, #tpu.memory_space<hbm>> -> memref<32x128xf32, #tpu.memory_space<hbm>>
        tpu.enqueue_dma source(%dma_start3A_1359 : memref<32x128xf32, #tpu.memory_space<hbm>>) target(%dma_start3A_1357 : memref<32x128xf32, #tpu.memory_space<vmem>>) target_semaphore(%arg11 : memref<!tpu.dma_semaphore, #tpu.memory_space<semaphore_mem>>)
      } else {
      }
      %add3A_1225 = arith.constant 1 : i32
      %add3A_1226 = arith.addi %select_n3A_1200, %add3A_1225 : i32
      %select_n3A_1227 = arith.select %ne3A_1219, %add3A_1226, %select_n3A_1200 : i32
      %select_n3A_1228 = arith.select %ne3A_1219, %multiple_of3A_1218, %select_n3A_1201 : i32
      %sub3A_1229 = arith.constant 1 : i32
      %sub3A_1230 = arith.subi %select_n3A_1227, %sub3A_1229 : i32
      %rem3A_1231 = arith.constant 20 : i32
      %rem3A_1232 = arith.remsi %sub3A_1230, %rem3A_1231 : i32
      %rem3A_1233 = arith.constant 4 : i32
      %rem3A_1234 = arith.remsi %add3A_1126, %rem3A_1233 : i32
      %swap3A_1235 = arith.constant 3 : i32
      %swap3A_1236 = arith.index_cast %rem3A_1234 : i32 to index
      %swap3A_1237 = arith.index_cast %swap3A_1235 : i32 to index
      %swap3A_1238 = memref.load %arg10[%swap3A_1236, %swap3A_1237] : memref<4x8xi32, #tpu.memory_space<smem>>
      memref.store %rem3A_1232, %arg10[%swap3A_1236, %swap3A_1237] : memref<4x8xi32, #tpu.memory_space<smem>>
      %slice3A_1239 = vector.extract_strided_slice %get3A_1130 {offsets = [4], sizes = [1], strides = [1]} : vector<16xi32> to vector<1xi32>
      %squeeze3A_1240 = vector.extract %slice3A_1239[0] : i32 from vector<1xi32>
      %shift_right_arithmetic3A_1241 = arith.constant 7 : i32
      %shift_right_arithmetic3A_1242 = arith.shrsi %squeeze3A_1240, %shift_right_arithmetic3A_1241 : i32
      %shift_left3A_1243 = arith.constant 7 : i32
      %shift_left3A_1244 = arith.shli %shift_right_arithmetic3A_1242, %shift_left3A_1243 : i32
      %multiple_of3A_1245 = tpu.assume_multiple %shift_left3A_1244, 128 : i32
      %ne3A_1246 = arith.cmpi ne, %multiple_of3A_1245, %select_n3A_1228 : i32
      %rem3A_1247 = arith.constant 20 : i32
      %rem3A_1248 = arith.remsi %select_n3A_1227, %rem3A_1247 : i32
      %convert_element_type3A_1249 = arith.extui %ne3A_1246 : i1 to i32
      %cond3A_1250 = arith.constant 0 : i32
      %cond3A_1251 = arith.cmpi ne, %convert_element_type3A_1249, %cond3A_1250 : i32
      scf.if %cond3A_1251 {
        %dma_start3A_1348 = arith.constant 0 : i32
        %dma_start3A_1349 = arith.constant 0 : i32
        %dma_start3A_1350 = tpu.memref_slice %arg8[%rem3A_1248, %dma_start3A_1348, %dma_start3A_1349] : memref<20x32x128xf32, #tpu.memory_space<vmem>> -> memref<1x32x128xf32, #tpu.memory_space<vmem>>
        %dma_start3A_1351 = tpu.memref_squeeze %dma_start3A_1350 : memref<1x32x128xf32, #tpu.memory_space<vmem>> -> memref<32x128xf32, #tpu.memory_space<vmem>>
        %dma_start3A_1352 = arith.constant 0 : i32
        %dma_start3A_1353 = tpu.memref_slice %arg4[%dma_start3A_1352, %multiple_of3A_1245] : memref<32x1000000xf32, #tpu.memory_space<hbm>> -> memref<32x128xf32, #tpu.memory_space<hbm>>
        %dma_start3A_1354 = arith.constant 0 : i32
        %dma_start3A_1355 = arith.constant 0 : i32
        %dma_start3A_1356 = tpu.memref_slice %arg8[%rem3A_1248, %dma_start3A_1354, %dma_start3A_1355] : memref<20x32x128xf32, #tpu.memory_space<vmem>> -> memref<1x32x128xf32, #tpu.memory_space<vmem>>
        %dma_start3A_1357 = tpu.memref_squeeze %dma_start3A_1356 : memref<1x32x128xf32, #tpu.memory_space<vmem>> -> memref<32x128xf32, #tpu.memory_space<vmem>>
        %dma_start3A_1358 = arith.constant 0 : i32
        %dma_start3A_1359 = tpu.memref_slice %arg4[%dma_start3A_1358, %multiple_of3A_1245] : memref<32x1000000xf32, #tpu.memory_space<hbm>> -> memref<32x128xf32, #tpu.memory_space<hbm>>
        tpu.enqueue_dma source(%dma_start3A_1359 : memref<32x128xf32, #tpu.memory_space<hbm>>) target(%dma_start3A_1357 : memref<32x128xf32, #tpu.memory_space<vmem>>) target_semaphore(%arg11 : memref<!tpu.dma_semaphore, #tpu.memory_space<semaphore_mem>>)
      } else {
      }
      %add3A_1252 = arith.constant 1 : i32
      %add3A_1253 = arith.addi %select_n3A_1227, %add3A_1252 : i32
      %select_n3A_1254 = arith.select %ne3A_1246, %add3A_1253, %select_n3A_1227 : i32
      %select_n3A_1255 = arith.select %ne3A_1246, %multiple_of3A_1245, %select_n3A_1228 : i32
      %sub3A_1256 = arith.constant 1 : i32
      %sub3A_1257 = arith.subi %select_n3A_1254, %sub3A_1256 : i32
      %rem3A_1258 = arith.constant 20 : i32
      %rem3A_1259 = arith.remsi %sub3A_1257, %rem3A_1258 : i32
      %rem3A_1260 = arith.constant 4 : i32
      %rem3A_1261 = arith.remsi %add3A_1126, %rem3A_1260 : i32
      %swap3A_1262 = arith.constant 4 : i32
      %swap3A_1263 = arith.index_cast %rem3A_1261 : i32 to index
      %swap3A_1264 = arith.index_cast %swap3A_1262 : i32 to index
      %swap3A_1265 = memref.load %arg10[%swap3A_1263, %swap3A_1264] : memref<4x8xi32, #tpu.memory_space<smem>>
      memref.store %rem3A_1259, %arg10[%swap3A_1263, %swap3A_1264] : memref<4x8xi32, #tpu.memory_space<smem>>
      %slice3A_1266 = vector.extract_strided_slice %get3A_1130 {offsets = [5], sizes = [1], strides = [1]} : vector<16xi32> to vector<1xi32>
      %squeeze3A_1267 = vector.extract %slice3A_1266[0] : i32 from vector<1xi32>
      %shift_right_arithmetic3A_1268 = arith.constant 7 : i32
      %shift_right_arithmetic3A_1269 = arith.shrsi %squeeze3A_1267, %shift_right_arithmetic3A_1268 : i32
      %shift_left3A_1270 = arith.constant 7 : i32
      %shift_left3A_1271 = arith.shli %shift_right_arithmetic3A_1269, %shift_left3A_1270 : i32
      %multiple_of3A_1272 = tpu.assume_multiple %shift_left3A_1271, 128 : i32
      %ne3A_1273 = arith.cmpi ne, %multiple_of3A_1272, %select_n3A_1255 : i32
      %rem3A_1274 = arith.constant 20 : i32
      %rem3A_1275 = arith.remsi %select_n3A_1254, %rem3A_1274 : i32
      %convert_element_type3A_1276 = arith.extui %ne3A_1273 : i1 to i32
      %cond3A_1277 = arith.constant 0 : i32
      %cond3A_1278 = arith.cmpi ne, %convert_element_type3A_1276, %cond3A_1277 : i32
      scf.if %cond3A_1278 {
        %dma_start3A_1348 = arith.constant 0 : i32
        %dma_start3A_1349 = arith.constant 0 : i32
        %dma_start3A_1350 = tpu.memref_slice %arg8[%rem3A_1275, %dma_start3A_1348, %dma_start3A_1349] : memref<20x32x128xf32, #tpu.memory_space<vmem>> -> memref<1x32x128xf32, #tpu.memory_space<vmem>>
        %dma_start3A_1351 = tpu.memref_squeeze %dma_start3A_1350 : memref<1x32x128xf32, #tpu.memory_space<vmem>> -> memref<32x128xf32, #tpu.memory_space<vmem>>
        %dma_start3A_1352 = arith.constant 0 : i32
        %dma_start3A_1353 = tpu.memref_slice %arg4[%dma_start3A_1352, %multiple_of3A_1272] : memref<32x1000000xf32, #tpu.memory_space<hbm>> -> memref<32x128xf32, #tpu.memory_space<hbm>>
        %dma_start3A_1354 = arith.constant 0 : i32
        %dma_start3A_1355 = arith.constant 0 : i32
        %dma_start3A_1356 = tpu.memref_slice %arg8[%rem3A_1275, %dma_start3A_1354, %dma_start3A_1355] : memref<20x32x128xf32, #tpu.memory_space<vmem>> -> memref<1x32x128xf32, #tpu.memory_space<vmem>>
        %dma_start3A_1357 = tpu.memref_squeeze %dma_start3A_1356 : memref<1x32x128xf32, #tpu.memory_space<vmem>> -> memref<32x128xf32, #tpu.memory_space<vmem>>
        %dma_start3A_1358 = arith.constant 0 : i32
        %dma_start3A_1359 = tpu.memref_slice %arg4[%dma_start3A_1358, %multiple_of3A_1272] : memref<32x1000000xf32, #tpu.memory_space<hbm>> -> memref<32x128xf32, #tpu.memory_space<hbm>>
        tpu.enqueue_dma source(%dma_start3A_1359 : memref<32x128xf32, #tpu.memory_space<hbm>>) target(%dma_start3A_1357 : memref<32x128xf32, #tpu.memory_space<vmem>>) target_semaphore(%arg11 : memref<!tpu.dma_semaphore, #tpu.memory_space<semaphore_mem>>)
      } else {
      }
      %add3A_1279 = arith.constant 1 : i32
      %add3A_1280 = arith.addi %select_n3A_1254, %add3A_1279 : i32
      %select_n3A_1281 = arith.select %ne3A_1273, %add3A_1280, %select_n3A_1254 : i32
      %select_n3A_1282 = arith.select %ne3A_1273, %multiple_of3A_1272, %select_n3A_1255 : i32
      %sub3A_1283 = arith.constant 1 : i32
      %sub3A_1284 = arith.subi %select_n3A_1281, %sub3A_1283 : i32
      %rem3A_1285 = arith.constant 20 : i32
      %rem3A_1286 = arith.remsi %sub3A_1284, %rem3A_1285 : i32
      %rem3A_1287 = arith.constant 4 : i32
      %rem3A_1288 = arith.remsi %add3A_1126, %rem3A_1287 : i32
      %swap3A_1289 = arith.constant 5 : i32
      %swap3A_1290 = arith.index_cast %rem3A_1288 : i32 to index
      %swap3A_1291 = arith.index_cast %swap3A_1289 : i32 to index
      %swap3A_1292 = memref.load %arg10[%swap3A_1290, %swap3A_1291] : memref<4x8xi32, #tpu.memory_space<smem>>
      memref.store %rem3A_1286, %arg10[%swap3A_1290, %swap3A_1291] : memref<4x8xi32, #tpu.memory_space<smem>>
      %slice3A_1293 = vector.extract_strided_slice %get3A_1130 {offsets = [6], sizes = [1], strides = [1]} : vector<16xi32> to vector<1xi32>
      %squeeze3A_1294 = vector.extract %slice3A_1293[0] : i32 from vector<1xi32>
      %shift_right_arithmetic3A_1295 = arith.constant 7 : i32
      %shift_right_arithmetic3A_1296 = arith.shrsi %squeeze3A_1294, %shift_right_arithmetic3A_1295 : i32
      %shift_left3A_1297 = arith.constant 7 : i32
      %shift_left3A_1298 = arith.shli %shift_right_arithmetic3A_1296, %shift_left3A_1297 : i32
      %multiple_of3A_1299 = tpu.assume_multiple %shift_left3A_1298, 128 : i32
      %ne3A_1300 = arith.cmpi ne, %multiple_of3A_1299, %select_n3A_1282 : i32
      %rem3A_1301 = arith.constant 20 : i32
      %rem3A_1302 = arith.remsi %select_n3A_1281, %rem3A_1301 : i32
      %convert_element_type3A_1303 = arith.extui %ne3A_1300 : i1 to i32
      %cond3A_1304 = arith.constant 0 : i32
      %cond3A_1305 = arith.cmpi ne, %convert_element_type3A_1303, %cond3A_1304 : i32
      scf.if %cond3A_1305 {
        %dma_start3A_1348 = arith.constant 0 : i32
        %dma_start3A_1349 = arith.constant 0 : i32
        %dma_start3A_1350 = tpu.memref_slice %arg8[%rem3A_1302, %dma_start3A_1348, %dma_start3A_1349] : memref<20x32x128xf32, #tpu.memory_space<vmem>> -> memref<1x32x128xf32, #tpu.memory_space<vmem>>
        %dma_start3A_1351 = tpu.memref_squeeze %dma_start3A_1350 : memref<1x32x128xf32, #tpu.memory_space<vmem>> -> memref<32x128xf32, #tpu.memory_space<vmem>>
        %dma_start3A_1352 = arith.constant 0 : i32
        %dma_start3A_1353 = tpu.memref_slice %arg4[%dma_start3A_1352, %multiple_of3A_1299] : memref<32x1000000xf32, #tpu.memory_space<hbm>> -> memref<32x128xf32, #tpu.memory_space<hbm>>
        %dma_start3A_1354 = arith.constant 0 : i32
        %dma_start3A_1355 = arith.constant 0 : i32
        %dma_start3A_1356 = tpu.memref_slice %arg8[%rem3A_1302, %dma_start3A_1354, %dma_start3A_1355] : memref<20x32x128xf32, #tpu.memory_space<vmem>> -> memref<1x32x128xf32, #tpu.memory_space<vmem>>
        %dma_start3A_1357 = tpu.memref_squeeze %dma_start3A_1356 : memref<1x32x128xf32, #tpu.memory_space<vmem>> -> memref<32x128xf32, #tpu.memory_space<vmem>>
        %dma_start3A_1358 = arith.constant 0 : i32
        %dma_start3A_1359 = tpu.memref_slice %arg4[%dma_start3A_1358, %multiple_of3A_1299] : memref<32x1000000xf32, #tpu.memory_space<hbm>> -> memref<32x128xf32, #tpu.memory_space<hbm>>
        tpu.enqueue_dma source(%dma_start3A_1359 : memref<32x128xf32, #tpu.memory_space<hbm>>) target(%dma_start3A_1357 : memref<32x128xf32, #tpu.memory_space<vmem>>) target_semaphore(%arg11 : memref<!tpu.dma_semaphore, #tpu.memory_space<semaphore_mem>>)
      } else {
      }
      %add3A_1306 = arith.constant 1 : i32
      %add3A_1307 = arith.addi %select_n3A_1281, %add3A_1306 : i32
      %select_n3A_1308 = arith.select %ne3A_1300, %add3A_1307, %select_n3A_1281 : i32
      %select_n3A_1309 = arith.select %ne3A_1300, %multiple_of3A_1299, %select_n3A_1282 : i32
      %sub3A_1310 = arith.constant 1 : i32
      %sub3A_1311 = arith.subi %select_n3A_1308, %sub3A_1310 : i32
      %rem3A_1312 = arith.constant 20 : i32
      %rem3A_1313 = arith.remsi %sub3A_1311, %rem3A_1312 : i32
      %rem3A_1314 = arith.constant 4 : i32
      %rem3A_1315 = arith.remsi %add3A_1126, %rem3A_1314 : i32
      %swap3A_1316 = arith.constant 6 : i32
      %swap3A_1317 = arith.index_cast %rem3A_1315 : i32 to index
      %swap3A_1318 = arith.index_cast %swap3A_1316 : i32 to index
      %swap3A_1319 = memref.load %arg10[%swap3A_1317, %swap3A_1318] : memref<4x8xi32, #tpu.memory_space<smem>>
      memref.store %rem3A_1313, %arg10[%swap3A_1317, %swap3A_1318] : memref<4x8xi32, #tpu.memory_space<smem>>
      %slice3A_1320 = vector.extract_strided_slice %get3A_1130 {offsets = [7], sizes = [1], strides = [1]} : vector<16xi32> to vector<1xi32>
      %squeeze3A_1321 = vector.extract %slice3A_1320[0] : i32 from vector<1xi32>
      %shift_right_arithmetic3A_1322 = arith.constant 7 : i32
      %shift_right_arithmetic3A_1323 = arith.shrsi %squeeze3A_1321, %shift_right_arithmetic3A_1322 : i32
      %shift_left3A_1324 = arith.constant 7 : i32
      %shift_left3A_1325 = arith.shli %shift_right_arithmetic3A_1323, %shift_left3A_1324 : i32
      %multiple_of3A_1326 = tpu.assume_multiple %shift_left3A_1325, 128 : i32
      %ne3A_1327 = arith.cmpi ne, %multiple_of3A_1326, %select_n3A_1309 : i32
      %rem3A_1328 = arith.constant 20 : i32
      %rem3A_1329 = arith.remsi %select_n3A_1308, %rem3A_1328 : i32
      %convert_element_type3A_1330 = arith.extui %ne3A_1327 : i1 to i32
      %cond3A_1331 = arith.constant 0 : i32
      %cond3A_1332 = arith.cmpi ne, %convert_element_type3A_1330, %cond3A_1331 : i32
      scf.if %cond3A_1332 {
        %dma_start3A_1348 = arith.constant 0 : i32
        %dma_start3A_1349 = arith.constant 0 : i32
        %dma_start3A_1350 = tpu.memref_slice %arg8[%rem3A_1329, %dma_start3A_1348, %dma_start3A_1349] : memref<20x32x128xf32, #tpu.memory_space<vmem>> -> memref<1x32x128xf32, #tpu.memory_space<vmem>>
        %dma_start3A_1351 = tpu.memref_squeeze %dma_start3A_1350 : memref<1x32x128xf32, #tpu.memory_space<vmem>> -> memref<32x128xf32, #tpu.memory_space<vmem>>
        %dma_start3A_1352 = arith.constant 0 : i32
        %dma_start3A_1353 = tpu.memref_slice %arg4[%dma_start3A_1352, %multiple_of3A_1326] : memref<32x1000000xf32, #tpu.memory_space<hbm>> -> memref<32x128xf32, #tpu.memory_space<hbm>>
        %dma_start3A_1354 = arith.constant 0 : i32
        %dma_start3A_1355 = arith.constant 0 : i32
        %dma_start3A_1356 = tpu.memref_slice %arg8[%rem3A_1329, %dma_start3A_1354, %dma_start3A_1355] : memref<20x32x128xf32, #tpu.memory_space<vmem>> -> memref<1x32x128xf32, #tpu.memory_space<vmem>>
        %dma_start3A_1357 = tpu.memref_squeeze %dma_start3A_1356 : memref<1x32x128xf32, #tpu.memory_space<vmem>> -> memref<32x128xf32, #tpu.memory_space<vmem>>
        %dma_start3A_1358 = arith.constant 0 : i32
        %dma_start3A_1359 = tpu.memref_slice %arg4[%dma_start3A_1358, %multiple_of3A_1326] : memref<32x1000000xf32, #tpu.memory_space<hbm>> -> memref<32x128xf32, #tpu.memory_space<hbm>>
        tpu.enqueue_dma source(%dma_start3A_1359 : memref<32x128xf32, #tpu.memory_space<hbm>>) target(%dma_start3A_1357 : memref<32x128xf32, #tpu.memory_space<vmem>>) target_semaphore(%arg11 : memref<!tpu.dma_semaphore, #tpu.memory_space<semaphore_mem>>)
      } else {
      }
      %add3A_1333 = arith.constant 1 : i32
      %add3A_1334 = arith.addi %select_n3A_1308, %add3A_1333 : i32
      %select_n3A_1335 = arith.select %ne3A_1327, %add3A_1334, %select_n3A_1308 : i32
      %select_n3A_1336 = arith.select %ne3A_1327, %multiple_of3A_1326, %select_n3A_1309 : i32
      %sub3A_1337 = arith.constant 1 : i32
      %sub3A_1338 = arith.subi %select_n3A_1335, %sub3A_1337 : i32
      %rem3A_1339 = arith.constant 20 : i32
      %rem3A_1340 = arith.remsi %sub3A_1338, %rem3A_1339 : i32
      %rem3A_1341 = arith.constant 4 : i32
      %rem3A_1342 = arith.remsi %add3A_1126, %rem3A_1341 : i32
      %swap3A_1343 = arith.constant 7 : i32
      %swap3A_1344 = arith.index_cast %rem3A_1342 : i32 to index
      %swap3A_1345 = arith.index_cast %swap3A_1343 : i32 to index
      %swap3A_1346 = memref.load %arg10[%swap3A_1344, %swap3A_1345] : memref<4x8xi32, #tpu.memory_space<smem>>
      memref.store %rem3A_1340, %arg10[%swap3A_1344, %swap3A_1345] : memref<4x8xi32, #tpu.memory_space<smem>>
      %sub3A_1347 = arith.subi %select_n3A_1335, %scan3A_891 : i32
      scf.yield %select_n3A_1336, %select_n3A_1335, %scan3A_893, %sub3A_1347, %add3A_1124 : i32, i32, i32, i32, vector<16xf32>
    }
    %scan3A_463 = arith.constant 62 : i32
    %while3A = arith.constant 0 : i32
    %while3A_464 = arith.constant 0 : i32
    %while3A_465 = arith.subi %scan3A_462#2, %while3A_464 : i32
    %while3A_466 = arith.addi %while3A_464, %while3A_465 : i32
    %while3A_467 = arith.constant 1 : i32
    %while3A_468 = arith.divsi %while3A_465, %while3A_467 : i32
    %while3A_469 = arith.muli %while3A_468, %while3A_467 : i32
    %while3A_470 = arith.addi %while3A_464, %while3A_469 : i32
    %while3A_471 = arith.constant 1 : i32
    scf.for %while3A_889 = %while3A_464 to %while3A_470 step %while3A_471  : i32 {
      %dma_wait3A_890 = arith.constant 0 : i32
      %dma_wait3A_891 = arith.constant 0 : i32
      %dma_wait3A_892 = arith.constant 0 : i32
      %dma_wait3A_893 = tpu.memref_slice %arg8[%dma_wait3A_890, %dma_wait3A_891, %dma_wait3A_892] : memref<20x32x128xf32, #tpu.memory_space<vmem>> -> memref<1x32x128xf32, #tpu.memory_space<vmem>>
      %dma_wait3A_894 = tpu.memref_squeeze %dma_wait3A_893 : memref<1x32x128xf32, #tpu.memory_space<vmem>> -> memref<32x128xf32, #tpu.memory_space<vmem>>
      %dma_wait3A_895 = arith.constant 0 : i32
      %dma_wait3A_896 = arith.constant 0 : i32
      %dma_wait3A_897 = tpu.memref_slice %arg4[%dma_wait3A_895, %dma_wait3A_896] : memref<32x1000000xf32, #tpu.memory_space<hbm>> -> memref<32x128xf32, #tpu.memory_space<hbm>>
      %dma_wait3A_898 = arith.constant 0 : i32
      %dma_wait3A_899 = arith.constant 0 : i32
      %dma_wait3A_900 = tpu.memref_slice %arg8[%dma_wait3A_890, %dma_wait3A_898, %dma_wait3A_899] : memref<20x32x128xf32, #tpu.memory_space<vmem>> -> memref<1x32x128xf32, #tpu.memory_space<vmem>>
      %dma_wait3A_901 = tpu.memref_squeeze %dma_wait3A_900 : memref<1x32x128xf32, #tpu.memory_space<vmem>> -> memref<32x128xf32, #tpu.memory_space<vmem>>
      %dma_wait3A_902 = arith.constant 0 : i32
      %dma_wait3A_903 = arith.constant 0 : i32
      %dma_wait3A_904 = tpu.memref_slice %arg4[%dma_wait3A_902, %dma_wait3A_903] : memref<32x1000000xf32, #tpu.memory_space<hbm>> -> memref<32x128xf32, #tpu.memory_space<hbm>>
      tpu.wait_dma2 semaphore(%arg11 : memref<!tpu.dma_semaphore, #tpu.memory_space<semaphore_mem>>) src(%dma_wait3A_904 : memref<32x128xf32, #tpu.memory_space<hbm>>) dst(%dma_wait3A_901 : memref<32x128xf32, #tpu.memory_space<vmem>>)
    }
    %while3A_472 = arith.constant 1 : i32
    scf.for %while3A_889 = %while3A_470 to %while3A_466 step %while3A_472  : i32 {
      %dma_wait3A_890 = arith.constant 0 : i32
      %dma_wait3A_891 = arith.constant 0 : i32
      %dma_wait3A_892 = arith.constant 0 : i32
      %dma_wait3A_893 = tpu.memref_slice %arg8[%dma_wait3A_890, %dma_wait3A_891, %dma_wait3A_892] : memref<20x32x128xf32, #tpu.memory_space<vmem>> -> memref<1x32x128xf32, #tpu.memory_space<vmem>>
      %dma_wait3A_894 = tpu.memref_squeeze %dma_wait3A_893 : memref<1x32x128xf32, #tpu.memory_space<vmem>> -> memref<32x128xf32, #tpu.memory_space<vmem>>
      %dma_wait3A_895 = arith.constant 0 : i32
      %dma_wait3A_896 = arith.constant 0 : i32
      %dma_wait3A_897 = tpu.memref_slice %arg4[%dma_wait3A_895, %dma_wait3A_896] : memref<32x1000000xf32, #tpu.memory_space<hbm>> -> memref<32x128xf32, #tpu.memory_space<hbm>>
      %dma_wait3A_898 = arith.constant 0 : i32
      %dma_wait3A_899 = arith.constant 0 : i32
      %dma_wait3A_900 = tpu.memref_slice %arg8[%dma_wait3A_890, %dma_wait3A_898, %dma_wait3A_899] : memref<20x32x128xf32, #tpu.memory_space<vmem>> -> memref<1x32x128xf32, #tpu.memory_space<vmem>>
      %dma_wait3A_901 = tpu.memref_squeeze %dma_wait3A_900 : memref<1x32x128xf32, #tpu.memory_space<vmem>> -> memref<32x128xf32, #tpu.memory_space<vmem>>
      %dma_wait3A_902 = arith.constant 0 : i32
      %dma_wait3A_903 = arith.constant 0 : i32
      %dma_wait3A_904 = tpu.memref_slice %arg4[%dma_wait3A_902, %dma_wait3A_903] : memref<32x1000000xf32, #tpu.memory_space<hbm>> -> memref<32x128xf32, #tpu.memory_space<hbm>>
      tpu.wait_dma2 semaphore(%arg11 : memref<!tpu.dma_semaphore, #tpu.memory_space<semaphore_mem>>) src(%dma_wait3A_904 : memref<32x128xf32, #tpu.memory_space<hbm>>) dst(%dma_wait3A_901 : memref<32x128xf32, #tpu.memory_space<vmem>>)
    }
    %get3A_473 = arith.constant 496 : index
    %get3A_474 = tpu.vector_load %arg6[%get3A_473] {strides = array<i32>} : memref<528xi32, #tpu.memory_space<vmem>>, vector<16xi32>,
    %slice3A_475 = vector.extract_strided_slice %get3A_474 {offsets = [0], sizes = [1], strides = [1]} : vector<16xi32> to vector<1xi32>
    %squeeze3A_476 = vector.extract %slice3A_475[0] : i32 from vector<1xi32>
    %and3A = arith.constant 127 : i32
    %and3A_477 = arith.andi %squeeze3A_476, %and3A : i32
    %broadcast_in_dim3A_478 = vector.broadcast %and3A_477 : i32 to vector<16xi32>
    %rem3A_479 = arith.constant 62 : i32
    %rem3A_480 = arith.constant 4 : i32
    %rem3A_481 = arith.remsi %rem3A_479, %rem3A_480 : i32
    %get3A_482 = arith.constant 0 : i32
    %get3A_483 = arith.index_cast %rem3A_481 : i32 to index
    %get3A_484 = arith.index_cast %get3A_482 : i32 to index
    %get3A_485 = memref.load %arg10[%get3A_483, %get3A_484] : memref<4x8xi32, #tpu.memory_space<smem>>
    %broadcast_in_dim3A_486 = vector.broadcast %get3A_485 : i32 to vector<16xi32>
    %broadcast_in_dim3A_487 = arith.constant 496 : i32
    %broadcast_in_dim3A_488 = vector.broadcast %broadcast_in_dim3A_487 : i32 to vector<16xi32>
    %gather3A = tpu.vector_load_idx %arg8[%broadcast_in_dim3A_486, %iota3A, %broadcast_in_dim3A_478] : memref<20x32x128xf32, #tpu.memory_space<vmem>>[vector<16xi32>, vector<16xi32>, vector<16xi32>], vector<16xf32>,
    %gather3A_489 = tpu.vector_load_idx %arg8[%broadcast_in_dim3A_486, %add3A_5, %broadcast_in_dim3A_478] : memref<20x32x128xf32, #tpu.memory_space<vmem>>[vector<16xi32>, vector<16xi32>, vector<16xi32>], vector<16xf32>,
    %gather3A_490 = tpu.vector_load_idx %arg7[%iota3A, %broadcast_in_dim3A_488] : memref<32x512xf32, #tpu.memory_space<vmem>>[vector<16xi32>, vector<16xi32>], vector<16xf32>,
    %gather3A_491 = tpu.vector_load_idx %arg7[%add3A_5, %broadcast_in_dim3A_488] : memref<32x512xf32, #tpu.memory_space<vmem>>[vector<16xi32>, vector<16xi32>], vector<16xf32>,
    %sub3A_492 = arith.subf %gather3A_490, %gather3A : vector<16xf32>
    %sub3A_493 = arith.subf %gather3A_491, %gather3A_489 : vector<16xf32>
    %mul3A_494 = arith.mulf %sub3A_492, %sub3A_492 : vector<16xf32>
    %add3A_495 = arith.addf %scan3A_462#4, %mul3A_494 : vector<16xf32>
    %mul3A_496 = arith.mulf %sub3A_493, %sub3A_493 : vector<16xf32>
    %add3A_497 = arith.addf %add3A_495, %mul3A_496 : vector<16xf32>
    %slice3A_498 = vector.extract_strided_slice %get3A_474 {offsets = [1], sizes = [1], strides = [1]} : vector<16xi32> to vector<1xi32>
    %squeeze3A_499 = vector.extract %slice3A_498[0] : i32 from vector<1xi32>
    %and3A_500 = arith.constant 127 : i32
    %and3A_501 = arith.andi %squeeze3A_499, %and3A_500 : i32
    %broadcast_in_dim3A_502 = vector.broadcast %and3A_501 : i32 to vector<16xi32>
    %rem3A_503 = arith.constant 62 : i32
    %rem3A_504 = arith.constant 4 : i32
    %rem3A_505 = arith.remsi %rem3A_503, %rem3A_504 : i32
    %get3A_506 = arith.constant 1 : i32
    %get3A_507 = arith.index_cast %rem3A_505 : i32 to index
    %get3A_508 = arith.index_cast %get3A_506 : i32 to index
    %get3A_509 = memref.load %arg10[%get3A_507, %get3A_508] : memref<4x8xi32, #tpu.memory_space<smem>>
    %broadcast_in_dim3A_510 = vector.broadcast %get3A_509 : i32 to vector<16xi32>
    %broadcast_in_dim3A_511 = arith.constant 497 : i32
    %broadcast_in_dim3A_512 = vector.broadcast %broadcast_in_dim3A_511 : i32 to vector<16xi32>
    %gather3A_513 = tpu.vector_load_idx %arg8[%broadcast_in_dim3A_510, %iota3A, %broadcast_in_dim3A_502] : memref<20x32x128xf32, #tpu.memory_space<vmem>>[vector<16xi32>, vector<16xi32>, vector<16xi32>], vector<16xf32>,
    %gather3A_514 = tpu.vector_load_idx %arg8[%broadcast_in_dim3A_510, %add3A_5, %broadcast_in_dim3A_502] : memref<20x32x128xf32, #tpu.memory_space<vmem>>[vector<16xi32>, vector<16xi32>, vector<16xi32>], vector<16xf32>,
    %gather3A_515 = tpu.vector_load_idx %arg7[%iota3A, %broadcast_in_dim3A_512] : memref<32x512xf32, #tpu.memory_space<vmem>>[vector<16xi32>, vector<16xi32>], vector<16xf32>,
    %gather3A_516 = tpu.vector_load_idx %arg7[%add3A_5, %broadcast_in_dim3A_512] : memref<32x512xf32, #tpu.memory_space<vmem>>[vector<16xi32>, vector<16xi32>], vector<16xf32>,
    %sub3A_517 = arith.subf %gather3A_515, %gather3A_513 : vector<16xf32>
    %sub3A_518 = arith.subf %gather3A_516, %gather3A_514 : vector<16xf32>
    %mul3A_519 = arith.mulf %sub3A_517, %sub3A_517 : vector<16xf32>
    %add3A_520 = arith.addf %add3A_497, %mul3A_519 : vector<16xf32>
    %mul3A_521 = arith.mulf %sub3A_518, %sub3A_518 : vector<16xf32>
    %add3A_522 = arith.addf %add3A_520, %mul3A_521 : vector<16xf32>
    %slice3A_523 = vector.extract_strided_slice %get3A_474 {offsets = [2], sizes = [1], strides = [1]} : vector<16xi32> to vector<1xi32>
    %squeeze3A_524 = vector.extract %slice3A_523[0] : i32 from vector<1xi32>
    %and3A_525 = arith.constant 127 : i32
    %and3A_526 = arith.andi %squeeze3A_524, %and3A_525 : i32
    %broadcast_in_dim3A_527 = vector.broadcast %and3A_526 : i32 to vector<16xi32>
    %rem3A_528 = arith.constant 62 : i32
    %rem3A_529 = arith.constant 4 : i32
    %rem3A_530 = arith.remsi %rem3A_528, %rem3A_529 : i32
    %get3A_531 = arith.constant 2 : i32
    %get3A_532 = arith.index_cast %rem3A_530 : i32 to index
    %get3A_533 = arith.index_cast %get3A_531 : i32 to index
    %get3A_534 = memref.load %arg10[%get3A_532, %get3A_533] : memref<4x8xi32, #tpu.memory_space<smem>>
    %broadcast_in_dim3A_535 = vector.broadcast %get3A_534 : i32 to vector<16xi32>
    %broadcast_in_dim3A_536 = arith.constant 498 : i32
    %broadcast_in_dim3A_537 = vector.broadcast %broadcast_in_dim3A_536 : i32 to vector<16xi32>
    %gather3A_538 = tpu.vector_load_idx %arg8[%broadcast_in_dim3A_535, %iota3A, %broadcast_in_dim3A_527] : memref<20x32x128xf32, #tpu.memory_space<vmem>>[vector<16xi32>, vector<16xi32>, vector<16xi32>], vector<16xf32>,
    %gather3A_539 = tpu.vector_load_idx %arg8[%broadcast_in_dim3A_535, %add3A_5, %broadcast_in_dim3A_527] : memref<20x32x128xf32, #tpu.memory_space<vmem>>[vector<16xi32>, vector<16xi32>, vector<16xi32>], vector<16xf32>,
    %gather3A_540 = tpu.vector_load_idx %arg7[%iota3A, %broadcast_in_dim3A_537] : memref<32x512xf32, #tpu.memory_space<vmem>>[vector<16xi32>, vector<16xi32>], vector<16xf32>,
    %gather3A_541 = tpu.vector_load_idx %arg7[%add3A_5, %broadcast_in_dim3A_537] : memref<32x512xf32, #tpu.memory_space<vmem>>[vector<16xi32>, vector<16xi32>], vector<16xf32>,
    %sub3A_542 = arith.subf %gather3A_540, %gather3A_538 : vector<16xf32>
    %sub3A_543 = arith.subf %gather3A_541, %gather3A_539 : vector<16xf32>
    %mul3A_544 = arith.mulf %sub3A_542, %sub3A_542 : vector<16xf32>
    %add3A_545 = arith.addf %add3A_522, %mul3A_544 : vector<16xf32>
    %mul3A_546 = arith.mulf %sub3A_543, %sub3A_543 : vector<16xf32>
    %add3A_547 = arith.addf %add3A_545, %mul3A_546 : vector<16xf32>
    %slice3A_548 = vector.extract_strided_slice %get3A_474 {offsets = [3], sizes = [1], strides = [1]} : vector<16xi32> to vector<1xi32>
    %squeeze3A_549 = vector.extract %slice3A_548[0] : i32 from vector<1xi32>
    %and3A_550 = arith.constant 127 : i32
    %and3A_551 = arith.andi %squeeze3A_549, %and3A_550 : i32
    %broadcast_in_dim3A_552 = vector.broadcast %and3A_551 : i32 to vector<16xi32>
    %rem3A_553 = arith.constant 62 : i32
    %rem3A_554 = arith.constant 4 : i32
    %rem3A_555 = arith.remsi %rem3A_553, %rem3A_554 : i32
    %get3A_556 = arith.constant 3 : i32
    %get3A_557 = arith.index_cast %rem3A_555 : i32 to index
    %get3A_558 = arith.index_cast %get3A_556 : i32 to index
    %get3A_559 = memref.load %arg10[%get3A_557, %get3A_558] : memref<4x8xi32, #tpu.memory_space<smem>>
    %broadcast_in_dim3A_560 = vector.broadcast %get3A_559 : i32 to vector<16xi32>
    %broadcast_in_dim3A_561 = arith.constant 499 : i32
    %broadcast_in_dim3A_562 = vector.broadcast %broadcast_in_dim3A_561 : i32 to vector<16xi32>
    %gather3A_563 = tpu.vector_load_idx %arg8[%broadcast_in_dim3A_560, %iota3A, %broadcast_in_dim3A_552] : memref<20x32x128xf32, #tpu.memory_space<vmem>>[vector<16xi32>, vector<16xi32>, vector<16xi32>], vector<16xf32>,
    %gather3A_564 = tpu.vector_load_idx %arg8[%broadcast_in_dim3A_560, %add3A_5, %broadcast_in_dim3A_552] : memref<20x32x128xf32, #tpu.memory_space<vmem>>[vector<16xi32>, vector<16xi32>, vector<16xi32>], vector<16xf32>,
    %gather3A_565 = tpu.vector_load_idx %arg7[%iota3A, %broadcast_in_dim3A_562] : memref<32x512xf32, #tpu.memory_space<vmem>>[vector<16xi32>, vector<16xi32>], vector<16xf32>,
    %gather3A_566 = tpu.vector_load_idx %arg7[%add3A_5, %broadcast_in_dim3A_562] : memref<32x512xf32, #tpu.memory_space<vmem>>[vector<16xi32>, vector<16xi32>], vector<16xf32>,
    %sub3A_567 = arith.subf %gather3A_565, %gather3A_563 : vector<16xf32>
    %sub3A_568 = arith.subf %gather3A_566, %gather3A_564 : vector<16xf32>
    %mul3A_569 = arith.mulf %sub3A_567, %sub3A_567 : vector<16xf32>
    %add3A_570 = arith.addf %add3A_547, %mul3A_569 : vector<16xf32>
    %mul3A_571 = arith.mulf %sub3A_568, %sub3A_568 : vector<16xf32>
    %add3A_572 = arith.addf %add3A_570, %mul3A_571 : vector<16xf32>
    %slice3A_573 = vector.extract_strided_slice %get3A_474 {offsets = [4], sizes = [1], strides = [1]} : vector<16xi32> to vector<1xi32>
    %squeeze3A_574 = vector.extract %slice3A_573[0] : i32 from vector<1xi32>
    %and3A_575 = arith.constant 127 : i32
    %and3A_576 = arith.andi %squeeze3A_574, %and3A_575 : i32
    %broadcast_in_dim3A_577 = vector.broadcast %and3A_576 : i32 to vector<16xi32>
    %rem3A_578 = arith.constant 62 : i32
    %rem3A_579 = arith.constant 4 : i32
    %rem3A_580 = arith.remsi %rem3A_578, %rem3A_579 : i32
    %get3A_581 = arith.constant 4 : i32
    %get3A_582 = arith.index_cast %rem3A_580 : i32 to index
    %get3A_583 = arith.index_cast %get3A_581 : i32 to index
    %get3A_584 = memref.load %arg10[%get3A_582, %get3A_583] : memref<4x8xi32, #tpu.memory_space<smem>>
    %broadcast_in_dim3A_585 = vector.broadcast %get3A_584 : i32 to vector<16xi32>
    %broadcast_in_dim3A_586 = arith.constant 500 : i32
    %broadcast_in_dim3A_587 = vector.broadcast %broadcast_in_dim3A_586 : i32 to vector<16xi32>
    %gather3A_588 = tpu.vector_load_idx %arg8[%broadcast_in_dim3A_585, %iota3A, %broadcast_in_dim3A_577] : memref<20x32x128xf32, #tpu.memory_space<vmem>>[vector<16xi32>, vector<16xi32>, vector<16xi32>], vector<16xf32>,
    %gather3A_589 = tpu.vector_load_idx %arg8[%broadcast_in_dim3A_585, %add3A_5, %broadcast_in_dim3A_577] : memref<20x32x128xf32, #tpu.memory_space<vmem>>[vector<16xi32>, vector<16xi32>, vector<16xi32>], vector<16xf32>,
    %gather3A_590 = tpu.vector_load_idx %arg7[%iota3A, %broadcast_in_dim3A_587] : memref<32x512xf32, #tpu.memory_space<vmem>>[vector<16xi32>, vector<16xi32>], vector<16xf32>,
    %gather3A_591 = tpu.vector_load_idx %arg7[%add3A_5, %broadcast_in_dim3A_587] : memref<32x512xf32, #tpu.memory_space<vmem>>[vector<16xi32>, vector<16xi32>], vector<16xf32>,
    %sub3A_592 = arith.subf %gather3A_590, %gather3A_588 : vector<16xf32>
    %sub3A_593 = arith.subf %gather3A_591, %gather3A_589 : vector<16xf32>
    %mul3A_594 = arith.mulf %sub3A_592, %sub3A_592 : vector<16xf32>
    %add3A_595 = arith.addf %add3A_572, %mul3A_594 : vector<16xf32>
    %mul3A_596 = arith.mulf %sub3A_593, %sub3A_593 : vector<16xf32>
    %add3A_597 = arith.addf %add3A_595, %mul3A_596 : vector<16xf32>
    %slice3A_598 = vector.extract_strided_slice %get3A_474 {offsets = [5], sizes = [1], strides = [1]} : vector<16xi32> to vector<1xi32>
    %squeeze3A_599 = vector.extract %slice3A_598[0] : i32 from vector<1xi32>
    %and3A_600 = arith.constant 127 : i32
    %and3A_601 = arith.andi %squeeze3A_599, %and3A_600 : i32
    %broadcast_in_dim3A_602 = vector.broadcast %and3A_601 : i32 to vector<16xi32>
    %rem3A_603 = arith.constant 62 : i32
    %rem3A_604 = arith.constant 4 : i32
    %rem3A_605 = arith.remsi %rem3A_603, %rem3A_604 : i32
    %get3A_606 = arith.constant 5 : i32
    %get3A_607 = arith.index_cast %rem3A_605 : i32 to index
    %get3A_608 = arith.index_cast %get3A_606 : i32 to index
    %get3A_609 = memref.load %arg10[%get3A_607, %get3A_608] : memref<4x8xi32, #tpu.memory_space<smem>>
    %broadcast_in_dim3A_610 = vector.broadcast %get3A_609 : i32 to vector<16xi32>
    %broadcast_in_dim3A_611 = arith.constant 501 : i32
    %broadcast_in_dim3A_612 = vector.broadcast %broadcast_in_dim3A_611 : i32 to vector<16xi32>
    %gather3A_613 = tpu.vector_load_idx %arg8[%broadcast_in_dim3A_610, %iota3A, %broadcast_in_dim3A_602] : memref<20x32x128xf32, #tpu.memory_space<vmem>>[vector<16xi32>, vector<16xi32>, vector<16xi32>], vector<16xf32>,
    %gather3A_614 = tpu.vector_load_idx %arg8[%broadcast_in_dim3A_610, %add3A_5, %broadcast_in_dim3A_602] : memref<20x32x128xf32, #tpu.memory_space<vmem>>[vector<16xi32>, vector<16xi32>, vector<16xi32>], vector<16xf32>,
    %gather3A_615 = tpu.vector_load_idx %arg7[%iota3A, %broadcast_in_dim3A_612] : memref<32x512xf32, #tpu.memory_space<vmem>>[vector<16xi32>, vector<16xi32>], vector<16xf32>,
    %gather3A_616 = tpu.vector_load_idx %arg7[%add3A_5, %broadcast_in_dim3A_612] : memref<32x512xf32, #tpu.memory_space<vmem>>[vector<16xi32>, vector<16xi32>], vector<16xf32>,
    %sub3A_617 = arith.subf %gather3A_615, %gather3A_613 : vector<16xf32>
    %sub3A_618 = arith.subf %gather3A_616, %gather3A_614 : vector<16xf32>
    %mul3A_619 = arith.mulf %sub3A_617, %sub3A_617 : vector<16xf32>
    %add3A_620 = arith.addf %add3A_597, %mul3A_619 : vector<16xf32>
    %mul3A_621 = arith.mulf %sub3A_618, %sub3A_618 : vector<16xf32>
    %add3A_622 = arith.addf %add3A_620, %mul3A_621 : vector<16xf32>
    %slice3A_623 = vector.extract_strided_slice %get3A_474 {offsets = [6], sizes = [1], strides = [1]} : vector<16xi32> to vector<1xi32>
    %squeeze3A_624 = vector.extract %slice3A_623[0] : i32 from vector<1xi32>
    %and3A_625 = arith.constant 127 : i32
    %and3A_626 = arith.andi %squeeze3A_624, %and3A_625 : i32
    %broadcast_in_dim3A_627 = vector.broadcast %and3A_626 : i32 to vector<16xi32>
    %rem3A_628 = arith.constant 62 : i32
    %rem3A_629 = arith.constant 4 : i32
    %rem3A_630 = arith.remsi %rem3A_628, %rem3A_629 : i32
    %get3A_631 = arith.constant 6 : i32
    %get3A_632 = arith.index_cast %rem3A_630 : i32 to index
    %get3A_633 = arith.index_cast %get3A_631 : i32 to index
    %get3A_634 = memref.load %arg10[%get3A_632, %get3A_633] : memref<4x8xi32, #tpu.memory_space<smem>>
    %broadcast_in_dim3A_635 = vector.broadcast %get3A_634 : i32 to vector<16xi32>
    %broadcast_in_dim3A_636 = arith.constant 502 : i32
    %broadcast_in_dim3A_637 = vector.broadcast %broadcast_in_dim3A_636 : i32 to vector<16xi32>
    %gather3A_638 = tpu.vector_load_idx %arg8[%broadcast_in_dim3A_635, %iota3A, %broadcast_in_dim3A_627] : memref<20x32x128xf32, #tpu.memory_space<vmem>>[vector<16xi32>, vector<16xi32>, vector<16xi32>], vector<16xf32>,
    %gather3A_639 = tpu.vector_load_idx %arg8[%broadcast_in_dim3A_635, %add3A_5, %broadcast_in_dim3A_627] : memref<20x32x128xf32, #tpu.memory_space<vmem>>[vector<16xi32>, vector<16xi32>, vector<16xi32>], vector<16xf32>,
    %gather3A_640 = tpu.vector_load_idx %arg7[%iota3A, %broadcast_in_dim3A_637] : memref<32x512xf32, #tpu.memory_space<vmem>>[vector<16xi32>, vector<16xi32>], vector<16xf32>,
    %gather3A_641 = tpu.vector_load_idx %arg7[%add3A_5, %broadcast_in_dim3A_637] : memref<32x512xf32, #tpu.memory_space<vmem>>[vector<16xi32>, vector<16xi32>], vector<16xf32>,
    %sub3A_642 = arith.subf %gather3A_640, %gather3A_638 : vector<16xf32>
    %sub3A_643 = arith.subf %gather3A_641, %gather3A_639 : vector<16xf32>
    %mul3A_644 = arith.mulf %sub3A_642, %sub3A_642 : vector<16xf32>
    %add3A_645 = arith.addf %add3A_622, %mul3A_644 : vector<16xf32>
    %mul3A_646 = arith.mulf %sub3A_643, %sub3A_643 : vector<16xf32>
    %add3A_647 = arith.addf %add3A_645, %mul3A_646 : vector<16xf32>
    %slice3A_648 = vector.extract_strided_slice %get3A_474 {offsets = [7], sizes = [1], strides = [1]} : vector<16xi32> to vector<1xi32>
    %squeeze3A_649 = vector.extract %slice3A_648[0] : i32 from vector<1xi32>
    %and3A_650 = arith.constant 127 : i32
    %and3A_651 = arith.andi %squeeze3A_649, %and3A_650 : i32
    %broadcast_in_dim3A_652 = vector.broadcast %and3A_651 : i32 to vector<16xi32>
    %rem3A_653 = arith.constant 62 : i32
    %rem3A_654 = arith.constant 4 : i32
    %rem3A_655 = arith.remsi %rem3A_653, %rem3A_654 : i32
    %get3A_656 = arith.constant 7 : i32
    %get3A_657 = arith.index_cast %rem3A_655 : i32 to index
    %get3A_658 = arith.index_cast %get3A_656 : i32 to index
    %get3A_659 = memref.load %arg10[%get3A_657, %get3A_658] : memref<4x8xi32, #tpu.memory_space<smem>>
    %broadcast_in_dim3A_660 = vector.broadcast %get3A_659 : i32 to vector<16xi32>
    %broadcast_in_dim3A_661 = arith.constant 503 : i32
    %broadcast_in_dim3A_662 = vector.broadcast %broadcast_in_dim3A_661 : i32 to vector<16xi32>
    %gather3A_663 = tpu.vector_load_idx %arg8[%broadcast_in_dim3A_660, %iota3A, %broadcast_in_dim3A_652] : memref<20x32x128xf32, #tpu.memory_space<vmem>>[vector<16xi32>, vector<16xi32>, vector<16xi32>], vector<16xf32>,
    %gather3A_664 = tpu.vector_load_idx %arg8[%broadcast_in_dim3A_660, %add3A_5, %broadcast_in_dim3A_652] : memref<20x32x128xf32, #tpu.memory_space<vmem>>[vector<16xi32>, vector<16xi32>, vector<16xi32>], vector<16xf32>,
    %gather3A_665 = tpu.vector_load_idx %arg7[%iota3A, %broadcast_in_dim3A_662] : memref<32x512xf32, #tpu.memory_space<vmem>>[vector<16xi32>, vector<16xi32>], vector<16xf32>,
    %gather3A_666 = tpu.vector_load_idx %arg7[%add3A_5, %broadcast_in_dim3A_662] : memref<32x512xf32, #tpu.memory_space<vmem>>[vector<16xi32>, vector<16xi32>], vector<16xf32>,
    %sub3A_667 = arith.subf %gather3A_665, %gather3A_663 : vector<16xf32>
    %sub3A_668 = arith.subf %gather3A_666, %gather3A_664 : vector<16xf32>
    %mul3A_669 = arith.mulf %sub3A_667, %sub3A_667 : vector<16xf32>
    %add3A_670 = arith.addf %add3A_647, %mul3A_669 : vector<16xf32>
    %mul3A_671 = arith.mulf %sub3A_668, %sub3A_668 : vector<16xf32>
    %add3A_672 = arith.addf %add3A_670, %mul3A_671 : vector<16xf32>
    %while3A_673 = arith.constant 0 : i32
    %while3A_674 = arith.constant 0 : i32
    %while3A_675 = arith.subi %scan3A_462#3, %while3A_674 : i32
    %while3A_676 = arith.addi %while3A_674, %while3A_675 : i32
    %while3A_677 = arith.constant 1 : i32
    %while3A_678 = arith.divsi %while3A_675, %while3A_677 : i32
    %while3A_679 = arith.muli %while3A_678, %while3A_677 : i32
    %while3A_680 = arith.addi %while3A_674, %while3A_679 : i32
    %while3A_681 = arith.constant 1 : i32
    scf.for %while3A_889 = %while3A_674 to %while3A_680 step %while3A_681  : i32 {
      %dma_wait3A_890 = arith.constant 0 : i32
      %dma_wait3A_891 = arith.constant 0 : i32
      %dma_wait3A_892 = arith.constant 0 : i32
      %dma_wait3A_893 = tpu.memref_slice %arg8[%dma_wait3A_890, %dma_wait3A_891, %dma_wait3A_892] : memref<20x32x128xf32, #tpu.memory_space<vmem>> -> memref<1x32x128xf32, #tpu.memory_space<vmem>>
      %dma_wait3A_894 = tpu.memref_squeeze %dma_wait3A_893 : memref<1x32x128xf32, #tpu.memory_space<vmem>> -> memref<32x128xf32, #tpu.memory_space<vmem>>
      %dma_wait3A_895 = arith.constant 0 : i32
      %dma_wait3A_896 = arith.constant 0 : i32
      %dma_wait3A_897 = tpu.memref_slice %arg4[%dma_wait3A_895, %dma_wait3A_896] : memref<32x1000000xf32, #tpu.memory_space<hbm>> -> memref<32x128xf32, #tpu.memory_space<hbm>>
      %dma_wait3A_898 = arith.constant 0 : i32
      %dma_wait3A_899 = arith.constant 0 : i32
      %dma_wait3A_900 = tpu.memref_slice %arg8[%dma_wait3A_890, %dma_wait3A_898, %dma_wait3A_899] : memref<20x32x128xf32, #tpu.memory_space<vmem>> -> memref<1x32x128xf32, #tpu.memory_space<vmem>>
      %dma_wait3A_901 = tpu.memref_squeeze %dma_wait3A_900 : memref<1x32x128xf32, #tpu.memory_space<vmem>> -> memref<32x128xf32, #tpu.memory_space<vmem>>
      %dma_wait3A_902 = arith.constant 0 : i32
      %dma_wait3A_903 = arith.constant 0 : i32
      %dma_wait3A_904 = tpu.memref_slice %arg4[%dma_wait3A_902, %dma_wait3A_903] : memref<32x1000000xf32, #tpu.memory_space<hbm>> -> memref<32x128xf32, #tpu.memory_space<hbm>>
      tpu.wait_dma2 semaphore(%arg11 : memref<!tpu.dma_semaphore, #tpu.memory_space<semaphore_mem>>) src(%dma_wait3A_904 : memref<32x128xf32, #tpu.memory_space<hbm>>) dst(%dma_wait3A_901 : memref<32x128xf32, #tpu.memory_space<vmem>>)
    }
    %while3A_682 = arith.constant 1 : i32
    scf.for %while3A_889 = %while3A_680 to %while3A_676 step %while3A_682  : i32 {
      %dma_wait3A_890 = arith.constant 0 : i32
      %dma_wait3A_891 = arith.constant 0 : i32
      %dma_wait3A_892 = arith.constant 0 : i32
      %dma_wait3A_893 = tpu.memref_slice %arg8[%dma_wait3A_890, %dma_wait3A_891, %dma_wait3A_892] : memref<20x32x128xf32, #tpu.memory_space<vmem>> -> memref<1x32x128xf32, #tpu.memory_space<vmem>>
      %dma_wait3A_894 = tpu.memref_squeeze %dma_wait3A_893 : memref<1x32x128xf32, #tpu.memory_space<vmem>> -> memref<32x128xf32, #tpu.memory_space<vmem>>
      %dma_wait3A_895 = arith.constant 0 : i32
      %dma_wait3A_896 = arith.constant 0 : i32
      %dma_wait3A_897 = tpu.memref_slice %arg4[%dma_wait3A_895, %dma_wait3A_896] : memref<32x1000000xf32, #tpu.memory_space<hbm>> -> memref<32x128xf32, #tpu.memory_space<hbm>>
      %dma_wait3A_898 = arith.constant 0 : i32
      %dma_wait3A_899 = arith.constant 0 : i32
      %dma_wait3A_900 = tpu.memref_slice %arg8[%dma_wait3A_890, %dma_wait3A_898, %dma_wait3A_899] : memref<20x32x128xf32, #tpu.memory_space<vmem>> -> memref<1x32x128xf32, #tpu.memory_space<vmem>>
      %dma_wait3A_901 = tpu.memref_squeeze %dma_wait3A_900 : memref<1x32x128xf32, #tpu.memory_space<vmem>> -> memref<32x128xf32, #tpu.memory_space<vmem>>
      %dma_wait3A_902 = arith.constant 0 : i32
      %dma_wait3A_903 = arith.constant 0 : i32
      %dma_wait3A_904 = tpu.memref_slice %arg4[%dma_wait3A_902, %dma_wait3A_903] : memref<32x1000000xf32, #tpu.memory_space<hbm>> -> memref<32x128xf32, #tpu.memory_space<hbm>>
      tpu.wait_dma2 semaphore(%arg11 : memref<!tpu.dma_semaphore, #tpu.memory_space<semaphore_mem>>) src(%dma_wait3A_904 : memref<32x128xf32, #tpu.memory_space<hbm>>) dst(%dma_wait3A_901 : memref<32x128xf32, #tpu.memory_space<vmem>>)
    }
    %get3A_683 = arith.constant 504 : index
    %get3A_684 = tpu.vector_load %arg6[%get3A_683] {strides = array<i32>} : memref<528xi32, #tpu.memory_space<vmem>>, vector<16xi32>,
    %slice3A_685 = vector.extract_strided_slice %get3A_684 {offsets = [0], sizes = [1], strides = [1]} : vector<16xi32> to vector<1xi32>
    %squeeze3A_686 = vector.extract %slice3A_685[0] : i32 from vector<1xi32>
    %and3A_687 = arith.constant 127 : i32
    %and3A_688 = arith.andi %squeeze3A_686, %and3A_687 : i32
    %broadcast_in_dim3A_689 = vector.broadcast %and3A_688 : i32 to vector<16xi32>
    %rem3A_690 = arith.constant 63 : i32
    %rem3A_691 = arith.constant 4 : i32
    %rem3A_692 = arith.remsi %rem3A_690, %rem3A_691 : i32
    %get3A_693 = arith.constant 0 : i32
    %get3A_694 = arith.index_cast %rem3A_692 : i32 to index
    %get3A_695 = arith.index_cast %get3A_693 : i32 to index
    %get3A_696 = memref.load %arg10[%get3A_694, %get3A_695] : memref<4x8xi32, #tpu.memory_space<smem>>
    %broadcast_in_dim3A_697 = vector.broadcast %get3A_696 : i32 to vector<16xi32>
    %broadcast_in_dim3A_698 = arith.constant 504 : i32
    %broadcast_in_dim3A_699 = vector.broadcast %broadcast_in_dim3A_698 : i32 to vector<16xi32>
    %gather3A_700 = tpu.vector_load_idx %arg8[%broadcast_in_dim3A_697, %iota3A, %broadcast_in_dim3A_689] : memref<20x32x128xf32, #tpu.memory_space<vmem>>[vector<16xi32>, vector<16xi32>, vector<16xi32>], vector<16xf32>,
    %gather3A_701 = tpu.vector_load_idx %arg8[%broadcast_in_dim3A_697, %add3A_5, %broadcast_in_dim3A_689] : memref<20x32x128xf32, #tpu.memory_space<vmem>>[vector<16xi32>, vector<16xi32>, vector<16xi32>], vector<16xf32>,
    %gather3A_702 = tpu.vector_load_idx %arg7[%iota3A, %broadcast_in_dim3A_699] : memref<32x512xf32, #tpu.memory_space<vmem>>[vector<16xi32>, vector<16xi32>], vector<16xf32>,
    %gather3A_703 = tpu.vector_load_idx %arg7[%add3A_5, %broadcast_in_dim3A_699] : memref<32x512xf32, #tpu.memory_space<vmem>>[vector<16xi32>, vector<16xi32>], vector<16xf32>,
    %sub3A_704 = arith.subf %gather3A_702, %gather3A_700 : vector<16xf32>
    %sub3A_705 = arith.subf %gather3A_703, %gather3A_701 : vector<16xf32>
    %mul3A_706 = arith.mulf %sub3A_704, %sub3A_704 : vector<16xf32>
    %add3A_707 = arith.addf %add3A_672, %mul3A_706 : vector<16xf32>
    %mul3A_708 = arith.mulf %sub3A_705, %sub3A_705 : vector<16xf32>
    %add3A_709 = arith.addf %add3A_707, %mul3A_708 : vector<16xf32>
    %slice3A_710 = vector.extract_strided_slice %get3A_684 {offsets = [1], sizes = [1], strides = [1]} : vector<16xi32> to vector<1xi32>
    %squeeze3A_711 = vector.extract %slice3A_710[0] : i32 from vector<1xi32>
    %and3A_712 = arith.constant 127 : i32
    %and3A_713 = arith.andi %squeeze3A_711, %and3A_712 : i32
    %broadcast_in_dim3A_714 = vector.broadcast %and3A_713 : i32 to vector<16xi32>
    %rem3A_715 = arith.constant 63 : i32
    %rem3A_716 = arith.constant 4 : i32
    %rem3A_717 = arith.remsi %rem3A_715, %rem3A_716 : i32
    %get3A_718 = arith.constant 1 : i32
    %get3A_719 = arith.index_cast %rem3A_717 : i32 to index
    %get3A_720 = arith.index_cast %get3A_718 : i32 to index
    %get3A_721 = memref.load %arg10[%get3A_719, %get3A_720] : memref<4x8xi32, #tpu.memory_space<smem>>
    %broadcast_in_dim3A_722 = vector.broadcast %get3A_721 : i32 to vector<16xi32>
    %broadcast_in_dim3A_723 = arith.constant 505 : i32
    %broadcast_in_dim3A_724 = vector.broadcast %broadcast_in_dim3A_723 : i32 to vector<16xi32>
    %gather3A_725 = tpu.vector_load_idx %arg8[%broadcast_in_dim3A_722, %iota3A, %broadcast_in_dim3A_714] : memref<20x32x128xf32, #tpu.memory_space<vmem>>[vector<16xi32>, vector<16xi32>, vector<16xi32>], vector<16xf32>,
    %gather3A_726 = tpu.vector_load_idx %arg8[%broadcast_in_dim3A_722, %add3A_5, %broadcast_in_dim3A_714] : memref<20x32x128xf32, #tpu.memory_space<vmem>>[vector<16xi32>, vector<16xi32>, vector<16xi32>], vector<16xf32>,
    %gather3A_727 = tpu.vector_load_idx %arg7[%iota3A, %broadcast_in_dim3A_724] : memref<32x512xf32, #tpu.memory_space<vmem>>[vector<16xi32>, vector<16xi32>], vector<16xf32>,
    %gather3A_728 = tpu.vector_load_idx %arg7[%add3A_5, %broadcast_in_dim3A_724] : memref<32x512xf32, #tpu.memory_space<vmem>>[vector<16xi32>, vector<16xi32>], vector<16xf32>,
    %sub3A_729 = arith.subf %gather3A_727, %gather3A_725 : vector<16xf32>
    %sub3A_730 = arith.subf %gather3A_728, %gather3A_726 : vector<16xf32>
    %mul3A_731 = arith.mulf %sub3A_729, %sub3A_729 : vector<16xf32>
    %add3A_732 = arith.addf %add3A_709, %mul3A_731 : vector<16xf32>
    %mul3A_733 = arith.mulf %sub3A_730, %sub3A_730 : vector<16xf32>
    %add3A_734 = arith.addf %add3A_732, %mul3A_733 : vector<16xf32>
    %slice3A_735 = vector.extract_strided_slice %get3A_684 {offsets = [2], sizes = [1], strides = [1]} : vector<16xi32> to vector<1xi32>
    %squeeze3A_736 = vector.extract %slice3A_735[0] : i32 from vector<1xi32>
    %and3A_737 = arith.constant 127 : i32
    %and3A_738 = arith.andi %squeeze3A_736, %and3A_737 : i32
    %broadcast_in_dim3A_739 = vector.broadcast %and3A_738 : i32 to vector<16xi32>
    %rem3A_740 = arith.constant 63 : i32
    %rem3A_741 = arith.constant 4 : i32
    %rem3A_742 = arith.remsi %rem3A_740, %rem3A_741 : i32
    %get3A_743 = arith.constant 2 : i32
    %get3A_744 = arith.index_cast %rem3A_742 : i32 to index
    %get3A_745 = arith.index_cast %get3A_743 : i32 to index
    %get3A_746 = memref.load %arg10[%get3A_744, %get3A_745] : memref<4x8xi32, #tpu.memory_space<smem>>
    %broadcast_in_dim3A_747 = vector.broadcast %get3A_746 : i32 to vector<16xi32>
    %broadcast_in_dim3A_748 = arith.constant 506 : i32
    %broadcast_in_dim3A_749 = vector.broadcast %broadcast_in_dim3A_748 : i32 to vector<16xi32>
    %gather3A_750 = tpu.vector_load_idx %arg8[%broadcast_in_dim3A_747, %iota3A, %broadcast_in_dim3A_739] : memref<20x32x128xf32, #tpu.memory_space<vmem>>[vector<16xi32>, vector<16xi32>, vector<16xi32>], vector<16xf32>,
    %gather3A_751 = tpu.vector_load_idx %arg8[%broadcast_in_dim3A_747, %add3A_5, %broadcast_in_dim3A_739] : memref<20x32x128xf32, #tpu.memory_space<vmem>>[vector<16xi32>, vector<16xi32>, vector<16xi32>], vector<16xf32>,
    %gather3A_752 = tpu.vector_load_idx %arg7[%iota3A, %broadcast_in_dim3A_749] : memref<32x512xf32, #tpu.memory_space<vmem>>[vector<16xi32>, vector<16xi32>], vector<16xf32>,
    %gather3A_753 = tpu.vector_load_idx %arg7[%add3A_5, %broadcast_in_dim3A_749] : memref<32x512xf32, #tpu.memory_space<vmem>>[vector<16xi32>, vector<16xi32>], vector<16xf32>,
    %sub3A_754 = arith.subf %gather3A_752, %gather3A_750 : vector<16xf32>
    %sub3A_755 = arith.subf %gather3A_753, %gather3A_751 : vector<16xf32>
    %mul3A_756 = arith.mulf %sub3A_754, %sub3A_754 : vector<16xf32>
    %add3A_757 = arith.addf %add3A_734, %mul3A_756 : vector<16xf32>
    %mul3A_758 = arith.mulf %sub3A_755, %sub3A_755 : vector<16xf32>
    %add3A_759 = arith.addf %add3A_757, %mul3A_758 : vector<16xf32>
    %slice3A_760 = vector.extract_strided_slice %get3A_684 {offsets = [3], sizes = [1], strides = [1]} : vector<16xi32> to vector<1xi32>
    %squeeze3A_761 = vector.extract %slice3A_760[0] : i32 from vector<1xi32>
    %and3A_762 = arith.constant 127 : i32
    %and3A_763 = arith.andi %squeeze3A_761, %and3A_762 : i32
    %broadcast_in_dim3A_764 = vector.broadcast %and3A_763 : i32 to vector<16xi32>
    %rem3A_765 = arith.constant 63 : i32
    %rem3A_766 = arith.constant 4 : i32
    %rem3A_767 = arith.remsi %rem3A_765, %rem3A_766 : i32
    %get3A_768 = arith.constant 3 : i32
    %get3A_769 = arith.index_cast %rem3A_767 : i32 to index
    %get3A_770 = arith.index_cast %get3A_768 : i32 to index
    %get3A_771 = memref.load %arg10[%get3A_769, %get3A_770] : memref<4x8xi32, #tpu.memory_space<smem>>
    %broadcast_in_dim3A_772 = vector.broadcast %get3A_771 : i32 to vector<16xi32>
    %broadcast_in_dim3A_773 = arith.constant 507 : i32
    %broadcast_in_dim3A_774 = vector.broadcast %broadcast_in_dim3A_773 : i32 to vector<16xi32>
    %gather3A_775 = tpu.vector_load_idx %arg8[%broadcast_in_dim3A_772, %iota3A, %broadcast_in_dim3A_764] : memref<20x32x128xf32, #tpu.memory_space<vmem>>[vector<16xi32>, vector<16xi32>, vector<16xi32>], vector<16xf32>,
    %gather3A_776 = tpu.vector_load_idx %arg8[%broadcast_in_dim3A_772, %add3A_5, %broadcast_in_dim3A_764] : memref<20x32x128xf32, #tpu.memory_space<vmem>>[vector<16xi32>, vector<16xi32>, vector<16xi32>], vector<16xf32>,
    %gather3A_777 = tpu.vector_load_idx %arg7[%iota3A, %broadcast_in_dim3A_774] : memref<32x512xf32, #tpu.memory_space<vmem>>[vector<16xi32>, vector<16xi32>], vector<16xf32>,
    %gather3A_778 = tpu.vector_load_idx %arg7[%add3A_5, %broadcast_in_dim3A_774] : memref<32x512xf32, #tpu.memory_space<vmem>>[vector<16xi32>, vector<16xi32>], vector<16xf32>,
    %sub3A_779 = arith.subf %gather3A_777, %gather3A_775 : vector<16xf32>
    %sub3A_780 = arith.subf %gather3A_778, %gather3A_776 : vector<16xf32>
    %mul3A_781 = arith.mulf %sub3A_779, %sub3A_779 : vector<16xf32>
    %add3A_782 = arith.addf %add3A_759, %mul3A_781 : vector<16xf32>
    %mul3A_783 = arith.mulf %sub3A_780, %sub3A_780 : vector<16xf32>
    %add3A_784 = arith.addf %add3A_782, %mul3A_783 : vector<16xf32>
    %slice3A_785 = vector.extract_strided_slice %get3A_684 {offsets = [4], sizes = [1], strides = [1]} : vector<16xi32> to vector<1xi32>
    %squeeze3A_786 = vector.extract %slice3A_785[0] : i32 from vector<1xi32>
    %and3A_787 = arith.constant 127 : i32
    %and3A_788 = arith.andi %squeeze3A_786, %and3A_787 : i32
    %broadcast_in_dim3A_789 = vector.broadcast %and3A_788 : i32 to vector<16xi32>
    %rem3A_790 = arith.constant 63 : i32
    %rem3A_791 = arith.constant 4 : i32
    %rem3A_792 = arith.remsi %rem3A_790, %rem3A_791 : i32
    %get3A_793 = arith.constant 4 : i32
    %get3A_794 = arith.index_cast %rem3A_792 : i32 to index
    %get3A_795 = arith.index_cast %get3A_793 : i32 to index
    %get3A_796 = memref.load %arg10[%get3A_794, %get3A_795] : memref<4x8xi32, #tpu.memory_space<smem>>
    %broadcast_in_dim3A_797 = vector.broadcast %get3A_796 : i32 to vector<16xi32>
    %broadcast_in_dim3A_798 = arith.constant 508 : i32
    %broadcast_in_dim3A_799 = vector.broadcast %broadcast_in_dim3A_798 : i32 to vector<16xi32>
    %gather3A_800 = tpu.vector_load_idx %arg8[%broadcast_in_dim3A_797, %iota3A, %broadcast_in_dim3A_789] : memref<20x32x128xf32, #tpu.memory_space<vmem>>[vector<16xi32>, vector<16xi32>, vector<16xi32>], vector<16xf32>,
    %gather3A_801 = tpu.vector_load_idx %arg8[%broadcast_in_dim3A_797, %add3A_5, %broadcast_in_dim3A_789] : memref<20x32x128xf32, #tpu.memory_space<vmem>>[vector<16xi32>, vector<16xi32>, vector<16xi32>], vector<16xf32>,
    %gather3A_802 = tpu.vector_load_idx %arg7[%iota3A, %broadcast_in_dim3A_799] : memref<32x512xf32, #tpu.memory_space<vmem>>[vector<16xi32>, vector<16xi32>], vector<16xf32>,
    %gather3A_803 = tpu.vector_load_idx %arg7[%add3A_5, %broadcast_in_dim3A_799] : memref<32x512xf32, #tpu.memory_space<vmem>>[vector<16xi32>, vector<16xi32>], vector<16xf32>,
    %sub3A_804 = arith.subf %gather3A_802, %gather3A_800 : vector<16xf32>
    %sub3A_805 = arith.subf %gather3A_803, %gather3A_801 : vector<16xf32>
    %mul3A_806 = arith.mulf %sub3A_804, %sub3A_804 : vector<16xf32>
    %add3A_807 = arith.addf %add3A_784, %mul3A_806 : vector<16xf32>
    %mul3A_808 = arith.mulf %sub3A_805, %sub3A_805 : vector<16xf32>
    %add3A_809 = arith.addf %add3A_807, %mul3A_808 : vector<16xf32>
    %slice3A_810 = vector.extract_strided_slice %get3A_684 {offsets = [5], sizes = [1], strides = [1]} : vector<16xi32> to vector<1xi32>
    %squeeze3A_811 = vector.extract %slice3A_810[0] : i32 from vector<1xi32>
    %and3A_812 = arith.constant 127 : i32
    %and3A_813 = arith.andi %squeeze3A_811, %and3A_812 : i32
    %broadcast_in_dim3A_814 = vector.broadcast %and3A_813 : i32 to vector<16xi32>
    %rem3A_815 = arith.constant 63 : i32
    %rem3A_816 = arith.constant 4 : i32
    %rem3A_817 = arith.remsi %rem3A_815, %rem3A_816 : i32
    %get3A_818 = arith.constant 5 : i32
    %get3A_819 = arith.index_cast %rem3A_817 : i32 to index
    %get3A_820 = arith.index_cast %get3A_818 : i32 to index
    %get3A_821 = memref.load %arg10[%get3A_819, %get3A_820] : memref<4x8xi32, #tpu.memory_space<smem>>
    %broadcast_in_dim3A_822 = vector.broadcast %get3A_821 : i32 to vector<16xi32>
    %broadcast_in_dim3A_823 = arith.constant 509 : i32
    %broadcast_in_dim3A_824 = vector.broadcast %broadcast_in_dim3A_823 : i32 to vector<16xi32>
    %gather3A_825 = tpu.vector_load_idx %arg8[%broadcast_in_dim3A_822, %iota3A, %broadcast_in_dim3A_814] : memref<20x32x128xf32, #tpu.memory_space<vmem>>[vector<16xi32>, vector<16xi32>, vector<16xi32>], vector<16xf32>,
    %gather3A_826 = tpu.vector_load_idx %arg8[%broadcast_in_dim3A_822, %add3A_5, %broadcast_in_dim3A_814] : memref<20x32x128xf32, #tpu.memory_space<vmem>>[vector<16xi32>, vector<16xi32>, vector<16xi32>], vector<16xf32>,
    %gather3A_827 = tpu.vector_load_idx %arg7[%iota3A, %broadcast_in_dim3A_824] : memref<32x512xf32, #tpu.memory_space<vmem>>[vector<16xi32>, vector<16xi32>], vector<16xf32>,
    %gather3A_828 = tpu.vector_load_idx %arg7[%add3A_5, %broadcast_in_dim3A_824] : memref<32x512xf32, #tpu.memory_space<vmem>>[vector<16xi32>, vector<16xi32>], vector<16xf32>,
    %sub3A_829 = arith.subf %gather3A_827, %gather3A_825 : vector<16xf32>
    %sub3A_830 = arith.subf %gather3A_828, %gather3A_826 : vector<16xf32>
    %mul3A_831 = arith.mulf %sub3A_829, %sub3A_829 : vector<16xf32>
    %add3A_832 = arith.addf %add3A_809, %mul3A_831 : vector<16xf32>
    %mul3A_833 = arith.mulf %sub3A_830, %sub3A_830 : vector<16xf32>
    %add3A_834 = arith.addf %add3A_832, %mul3A_833 : vector<16xf32>
    %slice3A_835 = vector.extract_strided_slice %get3A_684 {offsets = [6], sizes = [1], strides = [1]} : vector<16xi32> to vector<1xi32>
    %squeeze3A_836 = vector.extract %slice3A_835[0] : i32 from vector<1xi32>
    %and3A_837 = arith.constant 127 : i32
    %and3A_838 = arith.andi %squeeze3A_836, %and3A_837 : i32
    %broadcast_in_dim3A_839 = vector.broadcast %and3A_838 : i32 to vector<16xi32>
    %rem3A_840 = arith.constant 63 : i32
    %rem3A_841 = arith.constant 4 : i32
    %rem3A_842 = arith.remsi %rem3A_840, %rem3A_841 : i32
    %get3A_843 = arith.constant 6 : i32
    %get3A_844 = arith.index_cast %rem3A_842 : i32 to index
    %get3A_845 = arith.index_cast %get3A_843 : i32 to index
    %get3A_846 = memref.load %arg10[%get3A_844, %get3A_845] : memref<4x8xi32, #tpu.memory_space<smem>>
    %broadcast_in_dim3A_847 = vector.broadcast %get3A_846 : i32 to vector<16xi32>
    %broadcast_in_dim3A_848 = arith.constant 510 : i32
    %broadcast_in_dim3A_849 = vector.broadcast %broadcast_in_dim3A_848 : i32 to vector<16xi32>
    %gather3A_850 = tpu.vector_load_idx %arg8[%broadcast_in_dim3A_847, %iota3A, %broadcast_in_dim3A_839] : memref<20x32x128xf32, #tpu.memory_space<vmem>>[vector<16xi32>, vector<16xi32>, vector<16xi32>], vector<16xf32>,
    %gather3A_851 = tpu.vector_load_idx %arg8[%broadcast_in_dim3A_847, %add3A_5, %broadcast_in_dim3A_839] : memref<20x32x128xf32, #tpu.memory_space<vmem>>[vector<16xi32>, vector<16xi32>, vector<16xi32>], vector<16xf32>,
    %gather3A_852 = tpu.vector_load_idx %arg7[%iota3A, %broadcast_in_dim3A_849] : memref<32x512xf32, #tpu.memory_space<vmem>>[vector<16xi32>, vector<16xi32>], vector<16xf32>,
    %gather3A_853 = tpu.vector_load_idx %arg7[%add3A_5, %broadcast_in_dim3A_849] : memref<32x512xf32, #tpu.memory_space<vmem>>[vector<16xi32>, vector<16xi32>], vector<16xf32>,
    %sub3A_854 = arith.subf %gather3A_852, %gather3A_850 : vector<16xf32>
    %sub3A_855 = arith.subf %gather3A_853, %gather3A_851 : vector<16xf32>
    %mul3A_856 = arith.mulf %sub3A_854, %sub3A_854 : vector<16xf32>
    %add3A_857 = arith.addf %add3A_834, %mul3A_856 : vector<16xf32>
    %mul3A_858 = arith.mulf %sub3A_855, %sub3A_855 : vector<16xf32>
    %add3A_859 = arith.addf %add3A_857, %mul3A_858 : vector<16xf32>
    %slice3A_860 = vector.extract_strided_slice %get3A_684 {offsets = [7], sizes = [1], strides = [1]} : vector<16xi32> to vector<1xi32>
    %squeeze3A_861 = vector.extract %slice3A_860[0] : i32 from vector<1xi32>
    %and3A_862 = arith.constant 127 : i32
    %and3A_863 = arith.andi %squeeze3A_861, %and3A_862 : i32
    %broadcast_in_dim3A_864 = vector.broadcast %and3A_863 : i32 to vector<16xi32>
    %rem3A_865 = arith.constant 63 : i32
    %rem3A_866 = arith.constant 4 : i32
    %rem3A_867 = arith.remsi %rem3A_865, %rem3A_866 : i32
    %get3A_868 = arith.constant 7 : i32
    %get3A_869 = arith.index_cast %rem3A_867 : i32 to index
    %get3A_870 = arith.index_cast %get3A_868 : i32 to index
    %get3A_871 = memref.load %arg10[%get3A_869, %get3A_870] : memref<4x8xi32, #tpu.memory_space<smem>>
    %broadcast_in_dim3A_872 = vector.broadcast %get3A_871 : i32 to vector<16xi32>
    %broadcast_in_dim3A_873 = arith.constant 511 : i32
    %broadcast_in_dim3A_874 = vector.broadcast %broadcast_in_dim3A_873 : i32 to vector<16xi32>
    %gather3A_875 = tpu.vector_load_idx %arg8[%broadcast_in_dim3A_872, %iota3A, %broadcast_in_dim3A_864] : memref<20x32x128xf32, #tpu.memory_space<vmem>>[vector<16xi32>, vector<16xi32>, vector<16xi32>], vector<16xf32>,
    %gather3A_876 = tpu.vector_load_idx %arg8[%broadcast_in_dim3A_872, %add3A_5, %broadcast_in_dim3A_864] : memref<20x32x128xf32, #tpu.memory_space<vmem>>[vector<16xi32>, vector<16xi32>, vector<16xi32>], vector<16xf32>,
    %gather3A_877 = tpu.vector_load_idx %arg7[%iota3A, %broadcast_in_dim3A_874] : memref<32x512xf32, #tpu.memory_space<vmem>>[vector<16xi32>, vector<16xi32>], vector<16xf32>,
    %gather3A_878 = tpu.vector_load_idx %arg7[%add3A_5, %broadcast_in_dim3A_874] : memref<32x512xf32, #tpu.memory_space<vmem>>[vector<16xi32>, vector<16xi32>], vector<16xf32>,
    %sub3A_879 = arith.subf %gather3A_877, %gather3A_875 : vector<16xf32>
    %sub3A_880 = arith.subf %gather3A_878, %gather3A_876 : vector<16xf32>
    %mul3A_881 = arith.mulf %sub3A_879, %sub3A_879 : vector<16xf32>
    %add3A_882 = arith.addf %add3A_859, %mul3A_881 : vector<16xf32>
    %mul3A_883 = arith.mulf %sub3A_880, %sub3A_880 : vector<16xf32>
    %add3A_884 = arith.addf %add3A_882, %mul3A_883 : vector<16xf32>
    %swap3A_885 = arith.constant 0 : index
    %swap3A_886 = tpu.vector_load %arg9[%swap3A_885] {strides = array<i32>} : memref<16xf32, #tpu.memory_space<vmem>>, vector<16xf32>,
    tpu.vector_store %arg9[%swap3A_885], %add3A_884 {strides = array<i32>} : memref<16xf32, #tpu.memory_space<vmem>>, vector<16xf32>,
    %mul3A_887 = arith.constant 16 : i32
    %mul3A_888 = arith.muli %add3A, %mul3A_887 : i32
    "tpu.region"() ({
      %run_scoped3A = tpu.sem_alloc : memref<!tpu.dma_semaphore, #tpu.memory_space<semaphore_mem>>
      %dma_start3A_889 = tpu.memref_slice %arg5[%mul3A_888] : memref<512xf32, #tpu.memory_space<hbm>> -> memref<16xf32, #tpu.memory_space<hbm>>
      %dma_start3A_890 = tpu.memref_slice %arg5[%mul3A_888] : memref<512xf32, #tpu.memory_space<hbm>> -> memref<16xf32, #tpu.memory_space<hbm>>
      tpu.enqueue_dma source(%arg9 : memref<16xf32, #tpu.memory_space<vmem>>) target(%dma_start3A_890 : memref<16xf32, #tpu.memory_space<hbm>>) target_semaphore(%run_scoped3A : memref<!tpu.dma_semaphore, #tpu.memory_space<semaphore_mem>>)
      %dma_wait3A_891 = tpu.memref_slice %arg5[%mul3A_888] : memref<512xf32, #tpu.memory_space<hbm>> -> memref<16xf32, #tpu.memory_space<hbm>>
      %dma_wait3A_892 = tpu.memref_slice %arg5[%mul3A_888] : memref<512xf32, #tpu.memory_space<hbm>> -> memref<16xf32, #tpu.memory_space<hbm>>
      tpu.wait_dma2 semaphore(%run_scoped3A : memref<!tpu.dma_semaphore, #tpu.memory_space<semaphore_mem>>) src(%arg9 : memref<16xf32, #tpu.memory_space<vmem>>) dst(%dma_wait3A_892 : memref<16xf32, #tpu.memory_space<hbm>>)
      tpu.yield
    }) : () -> ()
    return
  }
}

</mosaic_0001>

<sc_bundles>
// kernel: gather_offload_async_start.1
scs
__scs_entry_jumppad:
0x0: {  	(pc) =	sbr.rel $0x88, $3  }
0x1: {  	(tag) =	ssettag $0x0;
	lr =	simm.s32 $0x1  }
0x2: {  	[smem:$0x3F9E] =	sst lr;
	_ =	strace $0xD0000000  }
0x3: {  	_ = 	snop  }
0x4: {  	_ = 	snop  }
0x5: {  	_ = 	snop  }
0x6: {  	_ = 	snop  }
0x7: {  	_ = 	snop  }
__scs_overlays_trampoline_lowered:
0x8: {  	[smem:$0x3FAD] =	sst s0  }
0x9: {  	[smem:$0x3FAE] =	sst s1  }
0xa: {  	[smem:$0x3FAF] =	sst s2  }
0xb: {  	[smem:$0x3FB0] =	sst s3  }
0xc: {  	[smem:$0x3FB1] =	sst s4  }
0xd: {  	[smem:$0x3FB2] =	sst s5  }
0xe: {  	[smem:$0x3FB3] =	sst s6  }
0xf: {  	[smem:$0x3FB4] =	sst s7  }
0x10: {  	[smem:$0x3FB5] =	sst s8  }
0x11: {  	[smem:$0x3FB6] =	sst s9;
	s0 =	simm.s32 @!p0 $0x0  }
0x12: {  	s1 =	sld [smem:$0x3F9C];
	s0 =	simm.s32 @p0 $0x1  }
0x13: {  	[smem:$0x3FB7] =	sst s0;
	s0 =	simm.s32 @!p1 $0x0  }
0x14: {  	s2 =	sld [smem:$0x3F9B];
	s0 =	simm.s32 @p1 $0x1  }
0x15: {  	[smem:$0x3FB8] =	sst s0;
	s0 =	simm.s32 @!p2 $0x0  }
0x16: {  	s3 =	sld [smem:$0x3FDB];
	s0 =	simm.s32 @p2 $0x1  }
0x17: {  	s4 =	simm.s32 $0x1BF5;
	[smem:$0x3FBA] =	sst s0  }
0x18: {  	s0 =	sld [smem:$0x3F9D];
	_ =	swait.ge [sflag:s4], $0x0  }
0x19: {  	s7 =	sld [smem:$0x3F9E]  }
0x1a: {  	s8 =	sadd.s32 $0xFFFFE003, lr  }
0x1b: {  	s9 =	sadd.s32 $0xFFFFFEF7, lr;
	s5 =	simm.s32 $0xFFFFFFFF;
	p2 =	slt.u32 s8, $0xFFFFF086  }
0x1c: {  	p1 =	slt.u32 s9, $0xF7A;
	s5 =	simm.s32 @!p2 $0x0  }
0x1d: {  	s5 =	simm.s32 @p1 $0x1;
	p0 =	seq.s32 s7, s2  }
0x1e: {  	s7 =	smul.u32 @!p0 $0xF7A, s2;
	p2 =	seq.s32 @!p0 s5, $0x0  }
0x1f: {  	s9 =	smul.u32 $0xF7A, s1;
	s8 =	simm.s32 @!p0 $0x1BF5;
	p2 =	por !p2, p0  }
0x20: {  	[sflag:s8] =	ssyncset.s32 @!p0 $0xFFFFF086;
	s6 =	sadd.s32 @!p0 s3, s7;
	s7 =	simm.s32 @!p0 $0x108  }
0x21: {  	s3 =	sadd.s32 s3, s9;
	s6 =	sadd.s32 @!p0 $0x88, s6;
	s7 =	simm.s32 @p2 $0x1082  }
0x22: {  	[simem:s7], [sflag:s8] =	dma.local @!p0 [hbm:s6], $0xF7A  }
0x23: {  	s9 =	sor.u32 $0xD0000000, s2;
	s6 =	simm.s32 $0x108;
	_ =	swait.ge @!p0 [sflag:s8], $0x0  }
0x24: {  	s3 =	sadd.s32 $0x88, s3;
	s6 =	simm.s32 @!p1 $0x1082;
	[sflag:s4] =	ssyncset.s32 $0xFFFFF086  }
0x25: {  	[simem:s6], [sflag:s4] =	dma.local [hbm:s3], $0xF7A  }
0x26: {  	[smem:$0x3F9E] =	sst s1;
	(tag) =	ssettag s2;
	_ =	strace s9  }
0x27: {  	s1 =	sld [smem:$0x3FAE]  }
0x28: {  	s2 =	sld [smem:$0x3FAF]  }
0x29: {  	s4 =	sld [smem:$0x3FB1]  }
0x2a: {  	p0 =	seq.s32 s5, $0x0;
	s5 =	sld [smem:$0x3FB2]  }
0x2b: {  	s6 =	sld [smem:$0x3FB3]  }
0x2c: {  	s7 =	sld [smem:$0x3FB4]  }
0x2d: {  	s3 =	simm.s32 $0x108;
	s8 =	sld [smem:$0x3FB5]  }
0x2e: {  	s3 =	simm.s32 @!p0 $0x1082;
	s9 =	sld [smem:$0x3FB6]  }
0x2f: {  	lr =	sadd.s32 s0, s3;
	s0 =	sld [smem:$0x3FAD]  }
0x30: {  	s3 =	sld [smem:$0x3FB0]  }
0x31: {  	[smem:$0x3FB9] =	sst s10  }
0x32: {  	s10 =	sld [smem:$0x3FB7];
	_ =	sdelay $0x3  }
0x33: {  	p0 =	seq.s32 s10, $0x1;
	s10 =	sld [smem:$0x3FB9];
	_ =	sdelay $0x3  }
0x34: {  	[smem:$0x3FB9] =	sst s10  }
0x35: {  	s10 =	sld [smem:$0x3FB8];
	_ =	sdelay $0x3  }
0x36: {  	p1 =	seq.s32 s10, $0x1;
	s10 =	sld [smem:$0x3FB9];
	_ =	sdelay $0x3  }
0x37: {  	[smem:$0x3FB9] =	sst s10  }
0x38: {  	s10 =	sld [smem:$0x3FBA]  }
0x39: {  	_ = 	snop;
	(pc) =	sbr.ind lr, $3  }
0x3a: {  	_ = 	snop  }
0x3b: {  	_ = 	snop  }
0x3c: {  	p2 =	seq.s32 s10, $0x1;
	s10 =	sld [smem:$0x3FB9]  }
0x3d: {  	_ =	shalt  }
0x3e: {  	_ =	shalt  }
0x3f: {  	_ =	shalt  }
0x40: {  	_ =	shalt  }
0x41: {  	_ =	shalt  }
0x42: {  	_ =	shalt  }
0x43: {  	_ =	shalt  }
0x44: {  	_ =	shalt  }
0x45: {  	_ =	shalt  }
0x46: {  	_ =	shalt  }
0x47: {  	_ =	shalt  }
0x48: {  	_ =	shalt  }
0x49: {  	_ =	shalt  }
0x4a: {  	_ =	shalt  }
0x4b: {  	_ =	shalt  }
0x4c: {  	_ =	shalt  }
0x4d: {  	_ =	shalt  }
0x4e: {  	_ =	shalt  }
0x4f: {  	_ =	shalt  }
0x50: {  	_ =	shalt  }
0x51: {  	_ =	shalt  }
0x52: {  	_ =	shalt  }
0x53: {  	_ =	shalt  }
0x54: {  	_ =	shalt  }
0x55: {  	_ =	shalt  }
0x56: {  	_ =	shalt  }
0x57: {  	_ =	shalt  }
0x58: {  	_ =	shalt  }
0x59: {  	_ =	shalt  }
0x5a: {  	_ =	shalt  }
0x5b: {  	_ =	shalt  }
0x5c: {  	_ =	shalt  }
0x5d: {  	_ =	shalt  }
0x5e: {  	_ =	shalt  }
0x5f: {  	_ =	shalt  }
0x60: {  	_ =	shalt  }
0x61: {  	_ =	shalt  }
0x62: {  	_ =	shalt  }
0x63: {  	_ =	shalt  }
0x64: {  	_ =	shalt  }
0x65: {  	_ =	shalt  }
0x66: {  	_ =	shalt  }
0x67: {  	_ =	shalt  }
0x68: {  	_ =	shalt  }
0x69: {  	_ =	shalt  }
0x6a: {  	_ =	shalt  }
0x6b: {  	_ =	shalt  }
0x6c: {  	_ =	shalt  }
0x6d: {  	_ =	shalt  }
0x6e: {  	_ =	shalt  }
0x6f: {  	_ =	shalt  }
0x70: {  	_ =	shalt  }
0x71: {  	_ =	shalt  }
0x72: {  	_ =	shalt  }
0x73: {  	_ =	shalt  }
0x74: {  	_ =	shalt  }
0x75: {  	_ =	shalt  }
0x76: {  	_ =	shalt  }
0x77: {  	_ =	shalt  }
0x78: {  	_ =	shalt  }
0x79: {  	_ =	shalt  }
0x7a: {  	_ =	shalt  }
0x7b: {  	_ =	shalt  }
0x7c: {  	_ =	shalt  }
0x7d: {  	_ =	shalt  }
0x7e: {  	_ =	shalt  }
0x7f: {  	_ =	shalt  }
0x80: {  	_ =	shalt  }
0x81: {  	_ =	shalt  }
0x82: {  	_ =	shalt  }
0x83: {  	_ =	shalt  }
0x84: {  	_ =	shalt  }
0x85: {  	_ =	shalt  }
0x86: {  	_ =	shalt  }
0x87: {  	_ =	shalt  }
.Lfunc_end0:
.L_simem_size_0:
called_computation.1_lowered:
.L_overlay_start_0:
0x88: {  	s2 =	sld [smem:$0x3FD9]  }
0x89: {  	s3 =	sld [smem:$0x3FFE];
	_ =	sdelay $0x1  }
0x8a: {  	s1 =	srdreg.scid  }
0x8b: {  	s0 =	sand.u32 $0x1, s1  }
0x8c: {  	s17 =	sshll.u32 s0, $0xA;
	s2 =	sadd.s32 s3, s2  }
0x8d: {  	s2 =	sadd.s32 s2, s17  }
0x8e: {  	[smem:$0x3FC5] =	sst s2  }
0x8f: {  	_ = 	snop  }
0x90: {  	s2 =	sld [smem:$0x3FC8];
	(tm) =	ssettm $0x1  }
0x91: {  	s18 =	sld [smem:$0x3FFB];
	_ =	sdelay $0x3  }
0x92: {  	_ =	strace s18  }
0x93: {  	s3 =	sld [smem:$0x3FFC];
	_ =	sdelay $0x3  }
0x94: {  	_ =	strace s3  }
0x95: {  	s3 =	sld [smem:$0x3FFD];
	_ =	sdelay $0x3  }
0x96: {  	_ =	strace s3  }
0x97: {  	_ =	strace $0x8FFFFFFF  }
0x98: {  	s19 =	sld [smem:$0x3FDB];
	_ =	sdelay $0x1  }
0x99: {  	s4 =	simm.s32 $_scs_section_size  }
0x9a: {  	s5 =	simm.s32 $_size__tile_overlayer_lowered;
	s6 =	simm.s32 $_tile_overlayer_lowered  }
0x9b: {  	s22 =	simm.s32 $0x1BFF;
	s21 =	sshll.u32 s6, $0x1;
	s3 =	sadd.s32 s4, s19  }
0x9c: {  	s7 =	simm.s32 $0x0;
	s20 =	sshll.u32 s5, $0x1;
	s5 =	sadd.s32 s21, s3  }
0x9d: {  	[timem:s7], [sflag:s22] =	dma.local [hbm:s5], s20  }
0x9e: {  	_ =	swait.ge [sflag:s22], s20  }
0x9f: {  	s4 =	ssub.s32 $0x0, s20;
	[sflag:s22] =	ssyncset.done $0x0  }
0xa0: {  	[sflag:s22] =	ssyncadd.s32 s4;
	_ =	sdelay $0x1  }
0xa1: {  	s23 =	simm.s32 $0x1B8B  }
0xa2: {  	_ =	swait.ge [sflag:s23], $0x1  }
0xa3: {  	[sflag:s23] =	ssyncset.done $0x0  }
0xa4: {  	s25 =	simm.s32 $0x1B8E;
	s24 =	sld [smem:$0x3FFE];
	[sflag:s23] =	ssyncadd.s32 $0xFFFFFFFF  }
0xa5: {  	s26 =	simm.s32 $execute0_lowered;
	[smem:$0x3FD2] =	sst s25  }
0xa6: {  	s5 =	sshll.u32 s26, $0x1;
	_ =	strace $0x80000046;
	[dreg:$0x1] =	wrdreg $0xFFFFFFFF  }
0xa7: {  	s28 =	simm.s32 $_size_execute0_lowered;
	s3 =	sadd.s32 s3, s5;
	[dreg:$0x0] =	wrdreg $0x0  }
0xa8: {  	s5 =	sshll.u32 s28, $0x1;
	[dreg:$0x2] =	wrdreg s3  }
0xa9: {  	[dreg:$0x3] =	wrdreg s5  }
0xaa: {  	[dreg:$0x4] =	wrdreg $0xC0  }
0xab: {  	_ =	task [dreg:s7], $0x5FFFF  }
0xac: {  	[dreg:$0x1] =	wrdreg $0xFFFFFFFF  }
0xad: {  	[dreg:$0x0] =	wrdreg $0x60  }
0xae: {  	[dreg:$0x2] =	wrdreg s2  }
0xaf: {  	[dreg:$0x3] =	wrdreg s24  }
0xb0: {  	[dreg:$0x4] =	wrdreg $0xA  }
0xb1: {  	_ =	task.clear_ibuf [dreg:s7], $0x5FFFF;
	_ =	strace $0x90000046  }
0xb2: {  	s29 =	simm.s32 $0xA;
	_ =	strace $0x80000048  }
0xb3: {  	_ =	swait.ge [sflag:s29], $0x1  }
0xb4: {  	[sflag:s29] =	ssyncadd.s32 $0xFFFFFFFF  }
0xb5: {  	_ =	strace $0x90000048  }
0xb6: {  	_ =	sfence  }
0xb7: {  	s30 =	sld [smem:$0x0];
	_ =	sdelay $0x2  }
0xb8: {  	s31 =	sshll.u32 s1, $0xD;
	s1 =	sshrl.u32 s1, $0x2  }
0xb9: {  	s3 =	sand.u32 $0x4000, s31;
	s1 =	sadd.s32 s1, s30  }
0xba: {  	s0 =	sor.u32 s3, s0;
	s1 =	sshll.u32 s1, $0x11  }
0xbb: {  	s0 =	sor.u32 s1, s0  }
0xbc: {  	s0 =	sadd.s32 $0x8F2B, s0  }
0xbd: {  	[sflag:s0] =	ssyncadd.remote.s32 $0x1  }
0xbe: {  	_ =	sfence.sel $0xFFFF  }
0xbf: {  	[dreg:$0x0] =	wrdreg $0xFFFFFFFF;
	(pc) =	sbr.abs _section_cstart, $3  }
0xc0: {  	[dreg:$0x1] =	wrdreg $0xFFFFFFFF  }
0xc1: {  	_ =	task.clear_ibuf [dreg:s7], $0x2FFFF;
	_ =	strace $0x9FFFFFFF  }
0xc2: {  	(tm) =	ssettm $0x7FFFFFFF  }
0xc3: {  	_ =	shalt  }
tec
execute0_lowered:
.L_overlay_start_1:
0x0: {  	(tag) =	ssettag $0x1  }
0x1: {  	s1 =	srdreg.scid;
	s2 =	rddreg [dreg:$0x0]  }
0x2: {  	s0 =	stileid.u32;
	s3 =	rddreg [dreg:$0x1]  }
0x3: {  	s6 =	simm.s32 $0x1;
	s9 =	simm.s32 $0x1;
	s1 =	sshll.u32 s1, $0x8  }
0x4: {  	s10 =	simm.s32 $0x3;
	s4 =	sshll.u32 s0, $0x9;
	s5 =	sand.u32 $0x100, s1  }
0x5: {  	s13 =	simm.s32 $0x0;
	s12 =	simm.s32 $0x0;
	s4 =	sor.u32 s4, s5  }
0x6: {  	s1 =	rddreg [dreg:$0x2];
	_ =	strace $0x80000047;
	s8 =	ssub.s32 $0x4000, s4  }
.Ltmp0:
0x7: {  	s5 =	sadd.s32 $0x800, s3;
	s7 =	sand.u32 $0x1F00, s8;
	(pc) =	sbr.rel .LBB2_1-.Ltmp0, $4  }
0x8: {  	[sflag:s6] =	ssyncpa.u1 $0x0;
	s11 =	smov.u32 s4;
	p0 =	sne.s32 s7, $0x0  }
0x9: {  	s8 =	sshrl.u32 s8, $0xD;
	s7 =	simm.s32 $0x2;
	s9 =	simm.s32 @!p0 $0x0  }
0xa: {  	[sflag:s7] =	ssyncpa.u1 $0x0;
	p0 =	por $0x0, $0x0;
	s8 =	sadd.s32 s9, s8  }
0xb: {  	vm0 =	vmmov $0xffff;
	[sflag:s10] =	ssyncpa.u1 $0x0;
	s10 =	simm.s32 $0x0;
	s9 =	sadd.s32 $0x1, s8  }
.LBB2_4:
0xc: {  	v2 =	vnsel vm1, $0x0, v2  }
0xd: {  	vm1 =	vgt.s32 v0, $0x0;
	v2 =	vmin.u32 v2, $0x3FFF  }
0xe: {  	v0 =	vnsel vm1, $0x0, v0  }
0xf: {  	v0 =	vmin.u32 v0, $0x3FFF  }
0x10: {  	[tilespmem:s15], [sflag:$0x1] =	stream.indirect_vreg.gather [hbm4b:s2+s10], $0x1, v1, vm0, $0x4038;
	[tilespmem:$0x400] =	vst v63  }
0x11: {  	(ifvalue) =	ssetifvalue $0x7FFFFFFF  }
0x12: {  	[tilespmem:s16], [sflag:$0x1] =	stream.indirect_vreg.gather [hbm4b:s2+s10], $0x1, v2, vm0, $0x4038;
	[tilespmem:$0x400] =	vst v63  }
0x13: {  	s29 =	sadd.s32 $0x10, s16;
	(ifvalue) =	ssetifvalue $0x7FFFFFFF  }
0x14: {  	[tilespmem:s29], [sflag:$0x1] =	stream.indirect_vreg.gather [hbm4b:s2+s10], $0x1, v0, vm0, $0x4038;
	[tilespmem:$0x400] =	vst v63  }
0x15: {  	_ =	swait.ge [sflag:s6], $0x100  }
0x16: {  	s30 =	sshrl.u32 s13, $0x3;
	[sflag:s6] =	ssyncset.done $0x0  }
0x17: {  	s31 =	sand.u32 $0x7, s13;
	s15 =	sadd.s32 s5, s30;
	[sflag:s6] =	ssyncadd.s32 $0xFFFFFF00  }
0x18: {  	[hbm4b:s15+s31] =	stream.linear.scatter [tilespmem:s14], [sflag:$0x3], $0x100, $0x38;
	[tilespmem:$0x400] =	vst v63  }
.LBB2_5:
0x19: {  	s15 =	sadd.s32 $0x2000, s11  }
0x1a: {  	p2 =	sgt.s32 s15, $0x3FFF  }
0x1b: {  	s15 =	smov.u32 @p2 s4;
	p2 =	sne.s32 s12, s9  }
.Ltmp1:
0x1c: {  	p1 =	slt.u32 s12, $0x2;
	(pc) =	sbr.rel @!p2 .LBB2_6-.Ltmp1, $4  }
0x1d: {  	s14 =	simm.s32 @!p1 $0x3  }
0x1e: {  	s16 =	sadd.s32 $0x1, s12;
	_ =	swait.ge @!p1 [sflag:s14], $0x100  }
0x1f: {  	s13 =	smov.u32 s11;
	p0 =	por !p0, !p0;
	[sflag:s14] =	ssyncset.done @!p1 $0x0  }
0x20: {  	s12 =	smov.u32 s16;
	s11 =	smov.u32 s15;
	[sflag:s14] =	ssyncadd.s32 @!p1 $0xFFFFFF00  }
.LBB2_1:
0x21: {  	p1 =	sge.u32 s12, s8  }
0x22: {  	s14 =	sxor.u32 @!p1 $0xFFFFFFFF, s12  }
0x23: {  	s31 =	sadd.s32 $0xFFFFFFFF, s12;
	s15 =	sshrl.u32 @!p1 s11, $0x3;
	s14 =	sshll.u32 @!p1 s14, $0x8  }
0x24: {  	s16 =	sand.u32 @!p1 $0x7, s11;
	s15 =	sadd.s32 @!p1 s3, s15;
	s14 =	sand.u32 @!p1 $0x100, s14  }
0x25: {  	[tilespmem:s14], [sflag:$0x2] =	stream.linear.gather @!p1 [hbm4b:s15+s16], $0x100, $0x38;
	[tilespmem:$0x400] =	vst v63  }
0x26: {  	p1 =	sge.u32 s31, s8  }
.Ltmp2:
0x27: {  	_ = 	snop;
	(pc) =	sbr.rel @p1 .LBB2_5-.Ltmp2, $1  }
0x28: {  	_ =	sdelay $0x3  }
0x29: {  	s14 =	simm.s32 $0x1  }
0x2a: {  	_ =	swait.ge [sflag:s7], $0x100;
	s14 =	simm.s32 @!p0 $0x0  }
0x2b: {  	[sflag:s7] =	ssyncset.done $0x0;
	s14 =	sshll.u32 s14, $0x8  }
0x2c: {  	[sflag:s7] =	ssyncadd.s32 $0xFFFFFF00;
	(ifvalue) =	ssetifvalue $0x7FFFFFFF;
	v0 =	vld.msk [tilespmem:s14+$0x0 ss:$0x1], $0xffff;
	_ =	sdelay $0x4  }
0x2d: {  	s15 =	sadd.s32 $0x10, s14;
	vm1 =	vgt.s32 v0, $0x0  }
0x2e: {  	v2 =	vld.msk [tilespmem:s15+$0x0 ss:$0x1], $0xffff;
	v1 =	vnsel vm1, $0x0, v0  }
0x2f: {  	v1 =	vmin.u32 v1, $0x3FFF;
	_ =	sdelay $0x1  }
0x30: {  	s16 =	sshll.u32 s12, $0x8;
	s18 =	simm.s32 $0x20  }
0x31: {  	s16 =	sand.u32 $0x100, s16;
	s17 =	sadd.s32 $0x10, s15;
	s15 =	sor.u32 $0x200, s14  }
0x32: {  	s14 =	sor.u32 $0x200, s16;
	s16 =	sadd.s32 $0x10, s15;
	v0 =	vld.msk [tilespmem:s17+$0x0 ss:$0x1], $0xffff;
	vm1 =	vgt.s32 v2, $0x0;
	(ifvalue) =	ssetifvalue $0x7FFFFFFF  }
.LBB2_3:
0x33: {  	[tilespmem:s15], [sflag:$0x1] =	stream.indirect_vreg.gather [hbm4b:s2+s10], $0x1, v1, vm0, $0x4038;
	[tilespmem:$0x400] =	vst v63  }
0x34: {  	s18 =	sadd.s32 $0x10, s18  }
0x35: {  	v2 =	vnsel vm1, $0x0, v2;
	p1 =	slt.u32 s18, $0xF0  }
.Ltmp3:
0x36: {  	s15 =	smov.u32 s16;
	v1 =	vmin.u32 v2, $0x3FFF;
	(pc) =	sbr.rel @p1 .LBB2_3-.Ltmp3, $3  }
0x37: {  	_ =	sdelay $0x1  }
0x38: {  	s17 =	sadd.s32 $0x10, s17  }
0x39: {  	vm1 =	vgt.s32 v0, $0x0;
	s16 =	sadd.s32 $0x10, s16;
	v2 =	vmov v0;
	(ifvalue) =	ssetifvalue $0x7FFFFFFF;
	v0 =	vld.msk [tilespmem:s17+$0x0 ss:$0x1], $0xffff  }
.Ltmp4:
0x3a: {  	_ = 	snop;
	(pc) =	sbr.rel .LBB2_4-.Ltmp4, $1  }
0x3b: {  	_ =	sdelay $0x3  }
.LBB2_6:
0x3c: {  	_ =	sfence.sel $0x180000  }
0x3d: {  	s2 =	simm.s32 $0x2;
	[bflag:$0x0] =	sbarrier.arrive $0xFFFF  }
0x3e: {  	s30 =	simm.s32 $0x3;
	[sflag:s2] =	ssyncpa.u1 $0x1  }
0x3f: {  	s31 =	simm.s32 $0x1;
	[sflag:s30] =	ssyncpa.u1 $0x1  }
0x40: {  	[sflag:s31] =	ssyncpa.u1 $0x1  }
0x41: {  	p0 =	sne.s32 s0, $0x0;
	_ =	strace $0x90000047  }
0x42: {  	s0 =	sadd.s32 @!p0 $0x100000, s1;
	[bflag:$0x2] =	sbarrier.arrive $0xFFFF  }
0x43: {  	[sflag:s0] =	ssyncadd.tile.s32 @!p0 $0x1;
	_ =	shalt  }
.Lfunc_end2:
_tile_overlayer_lowered:
.L_overlay_start_2:
0x44: {  	(tag) =	ssettag $0x2  }
0x45: {  	s0 =	rddreg [dreg:$0x0];
	s2 =	stileid.u32  }
0x46: {  	s1 =	rddreg [dreg:$0x1];
	p0 =	sne.s32 s2, $0x0  }
0x47: {  	s3 =	rddreg [dreg:$0x2];
	[bflag:$0x3] =	sbarrier.arrive $0xFFFF;
	s2 =	simm.s32 @!p0 $0x1C01  }
0x48: {  	[timem:s3], [sflag:s2] =	dma.local @!p0 [hbm:s0], s1  }
0x49: {  	s0 =	simm.s32 @!p0 $0x1  }
0x4a: {  	_ =	swait.ge @!p0 [sflag:s0], s1  }
0x4b: {  	s1 =	ssub.s32 @!p0 $0x0, s1;
	[sflag:s0] =	ssyncset.done @!p0 $0x0  }
0x4c: {  	[sflag:s0] =	ssyncadd.s32 @!p0 s1  }
0x4d: {  	[bflag:$0x3] =	sbarrier.arrive $0xFFFF  }
0x4e: {  	_ =	shalt  }

// kernel: gather_offload_async_start
scs
__scs_entry_jumppad:
0x0: {  	(pc) =	sbr.rel $0x88, $3  }
0x1: {  	(tag) =	ssettag $0x0;
	lr =	simm.s32 $0x1  }
0x2: {  	[smem:$0x3F9E] =	sst lr;
	_ =	strace $0xD0000000  }
0x3: {  	_ = 	snop  }
0x4: {  	_ = 	snop  }
0x5: {  	_ = 	snop  }
0x6: {  	_ = 	snop  }
0x7: {  	_ = 	snop  }
__scs_overlays_trampoline_lowered:
0x8: {  	[smem:$0x3FAD] =	sst s0  }
0x9: {  	[smem:$0x3FAE] =	sst s1  }
0xa: {  	[smem:$0x3FAF] =	sst s2  }
0xb: {  	[smem:$0x3FB0] =	sst s3  }
0xc: {  	[smem:$0x3FB1] =	sst s4  }
0xd: {  	[smem:$0x3FB2] =	sst s5  }
0xe: {  	[smem:$0x3FB3] =	sst s6  }
0xf: {  	[smem:$0x3FB4] =	sst s7  }
0x10: {  	[smem:$0x3FB5] =	sst s8  }
0x11: {  	[smem:$0x3FB6] =	sst s9;
	s0 =	simm.s32 @!p0 $0x0  }
0x12: {  	s1 =	sld [smem:$0x3F9C];
	s0 =	simm.s32 @p0 $0x1  }
0x13: {  	[smem:$0x3FB7] =	sst s0;
	s0 =	simm.s32 @!p1 $0x0  }
0x14: {  	s2 =	sld [smem:$0x3F9B];
	s0 =	simm.s32 @p1 $0x1  }
0x15: {  	[smem:$0x3FB8] =	sst s0;
	s0 =	simm.s32 @!p2 $0x0  }
0x16: {  	s3 =	sld [smem:$0x3FDB];
	s0 =	simm.s32 @p2 $0x1  }
0x17: {  	s4 =	simm.s32 $0x1BF5;
	[smem:$0x3FBA] =	sst s0  }
0x18: {  	s0 =	sld [smem:$0x3F9D];
	_ =	swait.ge [sflag:s4], $0x0  }
0x19: {  	s7 =	sld [smem:$0x3F9E]  }
0x1a: {  	s8 =	sadd.s32 $0xFFFFE003, lr  }
0x1b: {  	s9 =	sadd.s32 $0xFFFFFEF7, lr;
	s5 =	simm.s32 $0xFFFFFFFF;
	p2 =	slt.u32 s8, $0xFFFFF086  }
0x1c: {  	p1 =	slt.u32 s9, $0xF7A;
	s5 =	simm.s32 @!p2 $0x0  }
0x1d: {  	s5 =	simm.s32 @p1 $0x1;
	p0 =	seq.s32 s7, s2  }
0x1e: {  	s7 =	smul.u32 @!p0 $0xF7A, s2;
	p2 =	seq.s32 @!p0 s5, $0x0  }
0x1f: {  	s9 =	smul.u32 $0xF7A, s1;
	s8 =	simm.s32 @!p0 $0x1BF5;
	p2 =	por !p2, p0  }
0x20: {  	[sflag:s8] =	ssyncset.s32 @!p0 $0xFFFFF086;
	s6 =	sadd.s32 @!p0 s3, s7;
	s7 =	simm.s32 @!p0 $0x108  }
0x21: {  	s3 =	sadd.s32 s3, s9;
	s6 =	sadd.s32 @!p0 $0x88, s6;
	s7 =	simm.s32 @p2 $0x1082  }
0x22: {  	[simem:s7], [sflag:s8] =	dma.local @!p0 [hbm:s6], $0xF7A  }
0x23: {  	s9 =	sor.u32 $0xD0000000, s2;
	s6 =	simm.s32 $0x108;
	_ =	swait.ge @!p0 [sflag:s8], $0x0  }
0x24: {  	s3 =	sadd.s32 $0x88, s3;
	s6 =	simm.s32 @!p1 $0x1082;
	[sflag:s4] =	ssyncset.s32 $0xFFFFF086  }
0x25: {  	[simem:s6], [sflag:s4] =	dma.local [hbm:s3], $0xF7A  }
0x26: {  	[smem:$0x3F9E] =	sst s1;
	(tag) =	ssettag s2;
	_ =	strace s9  }
0x27: {  	s1 =	sld [smem:$0x3FAE]  }
0x28: {  	s2 =	sld [smem:$0x3FAF]  }
0x29: {  	s4 =	sld [smem:$0x3FB1]  }
0x2a: {  	p0 =	seq.s32 s5, $0x0;
	s5 =	sld [smem:$0x3FB2]  }
0x2b: {  	s6 =	sld [smem:$0x3FB3]  }
0x2c: {  	s7 =	sld [smem:$0x3FB4]  }
0x2d: {  	s3 =	simm.s32 $0x108;
	s8 =	sld [smem:$0x3FB5]  }
0x2e: {  	s3 =	simm.s32 @!p0 $0x1082;
	s9 =	sld [smem:$0x3FB6]  }
0x2f: {  	lr =	sadd.s32 s0, s3;
	s0 =	sld [smem:$0x3FAD]  }
0x30: {  	s3 =	sld [smem:$0x3FB0]  }
0x31: {  	[smem:$0x3FB9] =	sst s10  }
0x32: {  	s10 =	sld [smem:$0x3FB7];
	_ =	sdelay $0x3  }
0x33: {  	p0 =	seq.s32 s10, $0x1;
	s10 =	sld [smem:$0x3FB9];
	_ =	sdelay $0x3  }
0x34: {  	[smem:$0x3FB9] =	sst s10  }
0x35: {  	s10 =	sld [smem:$0x3FB8];
	_ =	sdelay $0x3  }
0x36: {  	p1 =	seq.s32 s10, $0x1;
	s10 =	sld [smem:$0x3FB9];
	_ =	sdelay $0x3  }
0x37: {  	[smem:$0x3FB9] =	sst s10  }
0x38: {  	s10 =	sld [smem:$0x3FBA]  }
0x39: {  	_ = 	snop;
	(pc) =	sbr.ind lr, $3  }
0x3a: {  	_ = 	snop  }
0x3b: {  	_ = 	snop  }
0x3c: {  	p2 =	seq.s32 s10, $0x1;
	s10 =	sld [smem:$0x3FB9]  }
0x3d: {  	_ =	shalt  }
0x3e: {  	_ =	shalt  }
0x3f: {  	_ =	shalt  }
0x40: {  	_ =	shalt  }
0x41: {  	_ =	shalt  }
0x42: {  	_ =	shalt  }
0x43: {  	_ =	shalt  }
0x44: {  	_ =	shalt  }
0x45: {  	_ =	shalt  }
0x46: {  	_ =	shalt  }
0x47: {  	_ =	shalt  }
0x48: {  	_ =	shalt  }
0x49: {  	_ =	shalt  }
0x4a: {  	_ =	shalt  }
0x4b: {  	_ =	shalt  }
0x4c: {  	_ =	shalt  }
0x4d: {  	_ =	shalt  }
0x4e: {  	_ =	shalt  }
0x4f: {  	_ =	shalt  }
0x50: {  	_ =	shalt  }
0x51: {  	_ =	shalt  }
0x52: {  	_ =	shalt  }
0x53: {  	_ =	shalt  }
0x54: {  	_ =	shalt  }
0x55: {  	_ =	shalt  }
0x56: {  	_ =	shalt  }
0x57: {  	_ =	shalt  }
0x58: {  	_ =	shalt  }
0x59: {  	_ =	shalt  }
0x5a: {  	_ =	shalt  }
0x5b: {  	_ =	shalt  }
0x5c: {  	_ =	shalt  }
0x5d: {  	_ =	shalt  }
0x5e: {  	_ =	shalt  }
0x5f: {  	_ =	shalt  }
0x60: {  	_ =	shalt  }
0x61: {  	_ =	shalt  }
0x62: {  	_ =	shalt  }
0x63: {  	_ =	shalt  }
0x64: {  	_ =	shalt  }
0x65: {  	_ =	shalt  }
0x66: {  	_ =	shalt  }
0x67: {  	_ =	shalt  }
0x68: {  	_ =	shalt  }
0x69: {  	_ =	shalt  }
0x6a: {  	_ =	shalt  }
0x6b: {  	_ =	shalt  }
0x6c: {  	_ =	shalt  }
0x6d: {  	_ =	shalt  }
0x6e: {  	_ =	shalt  }
0x6f: {  	_ =	shalt  }
0x70: {  	_ =	shalt  }
0x71: {  	_ =	shalt  }
0x72: {  	_ =	shalt  }
0x73: {  	_ =	shalt  }
0x74: {  	_ =	shalt  }
0x75: {  	_ =	shalt  }
0x76: {  	_ =	shalt  }
0x77: {  	_ =	shalt  }
0x78: {  	_ =	shalt  }
0x79: {  	_ =	shalt  }
0x7a: {  	_ =	shalt  }
0x7b: {  	_ =	shalt  }
0x7c: {  	_ =	shalt  }
0x7d: {  	_ =	shalt  }
0x7e: {  	_ =	shalt  }
0x7f: {  	_ =	shalt  }
0x80: {  	_ =	shalt  }
0x81: {  	_ =	shalt  }
0x82: {  	_ =	shalt  }
0x83: {  	_ =	shalt  }
0x84: {  	_ =	shalt  }
0x85: {  	_ =	shalt  }
0x86: {  	_ =	shalt  }
0x87: {  	_ =	shalt  }
.Lfunc_end0:
.L_simem_size_0:
called_computation_lowered:
.L_overlay_start_0:
0x88: {  	s2 =	sld [smem:$0x3FD9]  }
0x89: {  	s3 =	sld [smem:$0x3FFE];
	_ =	sdelay $0x1  }
0x8a: {  	s1 =	srdreg.scid  }
0x8b: {  	s0 =	sand.u32 $0x1, s1  }
0x8c: {  	s17 =	sshll.u32 s0, $0xA;
	s2 =	sadd.s32 s3, s2  }
0x8d: {  	s2 =	sadd.s32 s2, s17  }
0x8e: {  	[smem:$0x3FC5] =	sst s2  }
0x8f: {  	_ = 	snop  }
0x90: {  	(tm) =	ssettm $0x1  }
0x91: {  	s18 =	sld [smem:$0x3FFB];
	_ =	sdelay $0x3  }
0x92: {  	_ =	strace s18  }
0x93: {  	s2 =	sld [smem:$0x3FFC];
	_ =	sdelay $0x3  }
0x94: {  	_ =	strace s2  }
0x95: {  	s2 =	sld [smem:$0x3FFD];
	_ =	sdelay $0x3  }
0x96: {  	_ =	strace s2  }
0x97: {  	_ =	strace $0x8FFFFFFF  }
0x98: {  	s19 =	sld [smem:$0x3FDB];
	_ =	sdelay $0x1  }
0x99: {  	s20 =	simm.s32 $_scs_section_size  }
0x9a: {  	s4 =	simm.s32 $_size__tile_overlayer_lowered;
	s5 =	simm.s32 $_tile_overlayer_lowered  }
0x9b: {  	s6 =	simm.s32 $0x1BFF;
	s21 =	sshll.u32 s5, $0x1;
	s3 =	sadd.s32 s20, s19  }
0x9c: {  	s22 =	simm.s32 $0x0;
	s4 =	sshll.u32 s4, $0x1;
	s5 =	sadd.s32 s21, s3  }
0x9d: {  	[timem:s22], [sflag:s6] =	dma.local [hbm:s5], s4  }
0x9e: {  	_ =	swait.ge [sflag:s6], s4  }
0x9f: {  	s4 =	ssub.s32 $0x0, s4;
	[sflag:s6] =	ssyncset.done $0x0  }
0xa0: {  	[sflag:s6] =	ssyncadd.s32 s4;
	_ =	sdelay $0x1  }
0xa1: {  	s23 =	simm.s32 $0x1B8B  }
0xa2: {  	_ =	swait.ge [sflag:s23], $0x1  }
0xa3: {  	[sflag:s23] =	ssyncset.done $0x0  }
0xa4: {  	[sflag:s23] =	ssyncadd.s32 $0xFFFFFFFF  }
0xa5: {  	s4 =	sld [smem:$0x0]  }
0xa6: {  	s5 =	sand.u32 $0xFFFFFFFE, s1  }
0xa7: {  	p0 =	sne.s32 s1, s5  }
0xa8: {  	s5 =	sshll.u32 @p0 s5, $0xE  }
0xa9: {  	s5 =	sadd.s32 @p0 $0x11B8D, s5;
	s6 =	sshll.u32 @p0 s4, $0x11  }
0xaa: {  	s5 =	sor.u32 @p0 s6, s5  }
0xab: {  	[sflag:s5] =	ssyncadd.remote.s32 @p0 $0x1;
	_ =	sdelay $0x1  }
0xac: {  	s5 =	simm.s32 @p0 $0x1B8D  }
0xad: {  	_ =	swait.eq @p0 [sflag:s5], $0x1  }
0xae: {  	[sflag:s5] =	ssyncadd.s32 @p0 $0xFFFFFFFF  }
0xaf: {  	s6 =	sshll.u32 @!p0 s1, $0xE  }
0xb0: {  	s6 =	sor.u32 @!p0 $0x4000, s6;
	s5 =	simm.s32 @!p0 $0x1B8D  }
0xb1: {  	s4 =	sshll.u32 @!p0 s4, $0x11;
	s6 =	sadd.s32 @!p0 $0x11B8D, s6;
	_ =	swait.eq @!p0 [sflag:s5], $0x1  }
0xb2: {  	s4 =	sor.u32 @!p0 s4, s6;
	[sflag:s5] =	ssyncadd.s32 @!p0 $0xFFFFFFFF  }
0xb3: {  	s25 =	simm.s32 $0x1B8E;
	s24 =	sld [smem:$0x3FFE];
	[sflag:s4] =	ssyncadd.remote.s32 @!p0 $0x1  }
0xb4: {  	s26 =	simm.s32 $execute0_lowered;
	[smem:$0x3FD2] =	sst s25  }
0xb5: {  	s5 =	sshll.u32 s26, $0x1;
	_ =	strace $0x80000049;
	[dreg:$0x1] =	wrdreg $0xFFFFFFFF  }
0xb6: {  	s28 =	simm.s32 $_size_execute0_lowered;
	s3 =	sadd.s32 s3, s5;
	[dreg:$0x0] =	wrdreg $0x0  }
0xb7: {  	s5 =	sshll.u32 s28, $0x1;
	[dreg:$0x2] =	wrdreg s3  }
0xb8: {  	[dreg:$0x3] =	wrdreg s5  }
0xb9: {  	[dreg:$0x4] =	wrdreg $0xC0  }
0xba: {  	_ =	task [dreg:s22], $0x5FFFF  }
0xbb: {  	[dreg:$0x1] =	wrdreg $0xFFFFFFFF  }
0xbc: {  	[dreg:$0x0] =	wrdreg $0x60  }
0xbd: {  	[dreg:$0x2] =	wrdreg s24  }
0xbe: {  	[dreg:$0x3] =	wrdreg $0x9  }
0xbf: {  	_ =	task.clear_ibuf [dreg:s22], $0x4FFFF;
	_ =	strace $0x90000049  }
0xc0: {  	s29 =	simm.s32 $0x9;
	_ =	strace $0x8000004B  }
0xc1: {  	_ =	swait.ge [sflag:s29], $0x1  }
0xc2: {  	[sflag:s29] =	ssyncadd.s32 $0xFFFFFFFF  }
0xc3: {  	_ =	strace $0x9000004B  }
0xc4: {  	_ =	sfence  }
0xc5: {  	s30 =	sld [smem:$0x0];
	_ =	sdelay $0x2  }
0xc6: {  	s31 =	sshll.u32 s1, $0xD;
	s1 =	sshrl.u32 s1, $0x2  }
0xc7: {  	s4 =	sand.u32 $0x4000, s31;
	s1 =	sadd.s32 s1, s30  }
0xc8: {  	s0 =	sor.u32 s4, s0;
	s1 =	sshll.u32 s1, $0x11  }
0xc9: {  	s0 =	sor.u32 s1, s0  }
0xca: {  	s0 =	sadd.s32 $0x8F2B, s0  }
0xcb: {  	[sflag:s0] =	ssyncadd.remote.s32 $0x1  }
0xcc: {  	_ =	sfence.sel $0xFFFF  }
0xcd: {  	[dreg:$0x0] =	wrdreg $0xFFFFFFFF;
	(pc) =	sbr.abs _section_cstart, $3  }
0xce: {  	[dreg:$0x1] =	wrdreg $0xFFFFFFFF  }
0xcf: {  	_ =	task.clear_ibuf [dreg:s22], $0x2FFFF;
	_ =	strace $0x9FFFFFFF  }
0xd0: {  	(tm) =	ssettm $0x7FFFFFFF  }
0xd1: {  	_ =	shalt  }
tec
execute0_lowered:
.L_overlay_start_1:
0x0: {  	(tag) =	ssettag $0x1  }
0x1: {  	s2 =	rddreg [dreg:$0x0]  }
0x2: {  	s0 =	rddreg [dreg:$0x1]  }
0x3: {  	s1 =	srdreg.scid;
	_ =	strace $0x8000004A;
	s4 =	simm.s32 $0x1  }
0x4: {  	s9 =	simm.s32 $0x3;
	s11 =	simm.s32 $0x0;
	s5 =	sshll.u32 s1, $0x4  }
.Ltmp0:
0x5: {  	s1 =	stileid.u32;
	s5 =	sand.u32 $0x10, s5;
	(pc) =	sbr.rel .LBB2_1-.Ltmp0, $4  }
0x6: {  	p0 =	por $0x0, $0x0;
	s3 =	sadd.s32 $0x1000, s2;
	s6 =	sor.u32 s1, s5  }
0x7: {  	[sflag:s4] =	ssyncpa.u1 $0x0;
	s5 =	simm.s32 $0x2;
	s6 =	sshll.u32 s6, $0x9  }
0x8: {  	s7 =	sadd.s32 $0x41000, s2;
	[sflag:s5] =	ssyncpa.u1 $0x0;
	s8 =	sadd.s32 $0x200, s6  }
0x9: {  	vm0 =	vmmov $0xff;
	vm1 =	vcmask $0x3F20;
	[sflag:s9] =	ssyncpa.u1 $0x0;
	s10 =	smov.u32 s6;
	s9 =	simm.s32 $0x0  }
.LBB2_7:
0xa: {  	p1 =	slt.u32 s9, $0x2;
	s11 =	sadd.s32 $0x100, s10  }
0xb: {  	s13 =	smov.u32 s6;
	s9 =	sadd.s32 $0x1, s9;
	p2 =	slt.s32 s11, s8  }
0xc: {  	s13 =	smov.u32 @p2 s11;
	p2 =	sne.s32 s9, $0x4  }
.Ltmp1:
0xd: {  	_ = 	snop;
	(pc) =	sbr.rel @!p2 .LBB2_8-.Ltmp1, $4  }
0xe: {  	s12 =	simm.s32 @!p1 $0x3  }
0xf: {  	_ =	swait.ge @!p1 [sflag:s12], $0x8000  }
0x10: {  	p0 =	por !p0, !p0;
	[sflag:s12] =	ssyncset.done @!p1 $0x0  }
0x11: {  	s11 =	smov.u32 s10;
	s10 =	smov.u32 s13;
	[sflag:s12] =	ssyncadd.s32 @!p1 $0xFFFF8000  }
.LBB2_1:
0x12: {  	p1 =	sgt.u32 s9, $0x1  }
0x13: {  	s12 =	sshll.u32 @!p1 s9, $0x8;
	s13 =	sshrl.u32 @!p1 s10, $0x3  }
0x14: {  	s14 =	sand.u32 @!p1 $0x7, s10;
	s12 =	sxor.u32 @!p1 $0x100, s12;
	s13 =	sadd.s32 @!p1 s2, s13  }
0x15: {  	[tilespmem:s12], [sflag:$0x2] =	stream.linear.gather @!p1 [hbm4b:s13+s14], $0x100, $0x38;
	[tilespmem:$0x10200] =	vst v63  }
0x16: {  	p1 =	seq.s32 s9, $0x0  }
0x17: {  	p2 =	seq.s32 @!p1 s9, $0x3  }
0x18: {  	p1 =	por p1, p2  }
.Ltmp2:
0x19: {  	_ = 	snop;
	(pc) =	sbr.rel @p1 .LBB2_7-.Ltmp2, $1  }
0x1a: {  	_ =	sdelay $0x3  }
0x1b: {  	s12 =	simm.s32 $0x1  }
0x1c: {  	_ =	swait.ge [sflag:s5], $0x100;
	s12 =	simm.s32 @!p0 $0x0  }
0x1d: {  	[sflag:s5] =	ssyncset.done $0x0;
	s14 =	sshll.u32 s12, $0x8  }
0x1e: {  	[sflag:s5] =	ssyncadd.s32 $0xFFFFFF00;
	s13 =	sadd.s32 $0x0, s14  }
0x1f: {  	v0 =	vld.msk [tilespmem:s13+$0x0 ss:$0x1], $0xffff;
	_ =	sdelay $0x4  }
0x20: {  	vm2 =	vgt.s32 v0, $0x0  }
0x21: {  	v0 =	vnsel vm2, $0x0, v0  }
0x22: {  	v0 =	vmin.u32 v0, $0x3FFF  }
0x23: {  	v0 =	vshll.u32 v0, $0x4;
	_ =	sdelay $0x2  }
0x24: {  	s12 =	sshll.u32 s12, $0xF  }
0x25: {  	s12 =	sor.u32 $0x200, s12  }
0x26: {  	[tilespmem:s12], [sflag:$0x1] =	stream.indirect_vreg.gather [hbm:s3], $0x80, v0, vm0, $0x38;
	[tilespmem:$0x10200] =	vst v63  }
0x27: {  	s15 =	sadd.s32 $0x10, s14;
	s13 =	sadd.s32 $0x400, s12  }
0x28: {  	[tilespmem:s13], [sflag:$0x1] =	stream.indirect_vreg.gather [hbm:s3], $0x80, v0, vm1, $0x38;
	[tilespmem:$0x10200] =	vst v63  }
0x29: {  	s16 =	simm.s32 $0x80;
	v0 =	vld.msk [tilespmem:s15+$0x0 ss:$0x1], $0xffff;
	s15 =	smov.u32 s12  }
.LBB2_3:
0x2a: {  	p1 =	sne.s32 s16, $0x3C0;
	_ =	sdelay $0x4  }
0x2b: {  	vm2 =	vgt.s32 v0, $0x0  }
0x2c: {  	v0 =	vnsel vm2, $0x0, v0  }
0x2d: {  	v0 =	vmin.u32 v0, $0x3FFF  }
0x2e: {  	v0 =	vshll.u32 v0, $0x4;
	_ =	sdelay $0x3  }
.Ltmp3:
0x2f: {  	s17 =	sshra.s32 s16, $0x2;
	s15 =	sadd.s32 $0x800, s15;
	(pc) =	sbr.rel @p1 .LBB2_3-.Ltmp3, $4  }
0x30: {  	[tilespmem:s15], [sflag:$0x1] =	stream.indirect_vreg.gather [hbm:s3], $0x80, v0, vm0, $0x38;
	[tilespmem:$0x10200] =	vst v63  }
0x31: {  	s17 =	sadd.s32 s17, s14;
	s18 =	sadd.s32 $0x400, s15  }
0x32: {  	[tilespmem:s18], [sflag:$0x1] =	stream.indirect_vreg.gather [hbm:s3], $0x80, v0, vm1, $0x38;
	[tilespmem:$0x10200] =	vst v63  }
0x33: {  	s16 =	sadd.s32 $0x40, s16;
	v0 =	vld.msk [tilespmem:s17+$0x0 ss:$0x1], $0xffff  }
0x34: {  	_ =	sdelay $0x3  }
0x35: {  	vm2 =	vgt.s32 v0, $0x0  }
0x36: {  	v0 =	vnsel vm2, $0x0, v0  }
0x37: {  	v0 =	vmin.u32 v0, $0x3FFF  }
0x38: {  	v0 =	vshll.u32 v0, $0x4;
	_ =	sdelay $0x3  }
0x39: {  	s14 =	sadd.s32 $0x800, s15  }
0x3a: {  	[tilespmem:s14], [sflag:$0x1] =	stream.indirect_vreg.gather [hbm:s3], $0x80, v0, vm0, $0x38;
	[tilespmem:$0x10200] =	vst v63  }
0x3b: {  	s14 =	sadd.s32 $0x400, s14  }
0x3c: {  	[tilespmem:s14], [sflag:$0x1] =	stream.indirect_vreg.gather [hbm:s3], $0x80, v0, vm1, $0x38;
	[tilespmem:$0x10200] =	vst v63  }
0x3d: {  	s11 =	sshll.u32 s11, $0x4;
	_ =	swait.ge [sflag:s4], $0x8000  }
0x3e: {  	s11 =	sadd.s32 s11, s7;
	[sflag:s4] =	ssyncset.done $0x0  }
0x3f: {  	s15 =	sadd.s32 $0x0, s11;
	s14 =	simm.s32 $0x80;
	[sflag:s4] =	ssyncadd.s32 $0xFFFF8000  }
.LBB2_5:
0x40: {  	[hbm:s15] =	stream.linear.scatter [tilespmem:s12], [sflag:$0x3], $0x400, $0x38;
	[tilespmem:$0x10200] =	vst v63  }
0x41: {  	s15 =	smov.u32 s14;
	s12 =	smov.u32 s13;
	p1 =	sne.s32 s14, $0xF80  }
.Ltmp4:
0x42: {  	s14 =	sadd.s32 $0x80, s14;
	(pc) =	sbr.rel @p1 .LBB2_5-.Ltmp4, $2  }
0x43: {  	_ =	sdelay $0x2  }
0x44: {  	s13 =	sadd.s32 $0x400, s13;
	s15 =	sadd.s32 s15, s11  }
.Ltmp5:
0x45: {  	(pc) =	sbr.rel .LBB2_7-.Ltmp5, $2  }
0x46: {  	_ =	sdelay $0x2  }
0x47: {  	[hbm:s15] =	stream.linear.scatter [tilespmem:s12], [sflag:$0x3], $0x400, $0x38;
	[tilespmem:$0x10200] =	vst v63  }
.LBB2_8:
0x48: {  	_ =	sfence.sel $0x180000  }
0x49: {  	s2 =	simm.s32 $0x2;
	[bflag:$0x0] =	sbarrier.arrive $0xFFFF  }
0x4a: {  	s30 =	simm.s32 $0x3;
	[sflag:s2] =	ssyncpa.u1 $0x1  }
0x4b: {  	s31 =	simm.s32 $0x1;
	[sflag:s30] =	ssyncpa.u1 $0x1  }
0x4c: {  	[sflag:s31] =	ssyncpa.u1 $0x1  }
0x4d: {  	p0 =	sne.s32 s1, $0x0;
	_ =	strace $0x9000004A  }
0x4e: {  	s0 =	sadd.s32 @!p0 $0x100000, s0;
	[bflag:$0x2] =	sbarrier.arrive $0xFFFF  }
0x4f: {  	[sflag:s0] =	ssyncadd.tile.s32 @!p0 $0x1;
	_ =	shalt  }
.Lfunc_end2:
_tile_overlayer_lowered:
.L_overlay_start_2:
0x50: {  	(tag) =	ssettag $0x2  }
0x51: {  	s0 =	rddreg [dreg:$0x0];
	s2 =	stileid.u32  }
0x52: {  	s1 =	rddreg [dreg:$0x1];
	p0 =	sne.s32 s2, $0x0  }
0x53: {  	s3 =	rddreg [dreg:$0x2];
	[bflag:$0x3] =	sbarrier.arrive $0xFFFF;
	s2 =	simm.s32 @!p0 $0x1C01  }
0x54: {  	[timem:s3], [sflag:s2] =	dma.local @!p0 [hbm:s0], s1  }
0x55: {  	s0 =	simm.s32 @!p0 $0x1  }
0x56: {  	_ =	swait.ge @!p0 [sflag:s0], s1  }
0x57: {  	s1 =	ssub.s32 @!p0 $0x0, s1;
	[sflag:s0] =	ssyncset.done @!p0 $0x0  }
0x58: {  	[sflag:s0] =	ssyncadd.s32 @!p0 s1  }
0x59: {  	[bflag:$0x3] =	sbarrier.arrive $0xFFFF  }
0x5a: {  	_ =	shalt  }

// kernel: kernel.3.cloned.1.call-start
scs
__scs_entry_jumppad:
0x0: {  	(pc) =	sbr.rel $0x88, $3  }
0x1: {  	(tag) =	ssettag $0x0;
	lr =	simm.s32 $0x1  }
0x2: {  	[smem:$0x3F9E] =	sst lr;
	_ =	strace $0xD0000000  }
0x3: {  	_ = 	snop  }
0x4: {  	_ = 	snop  }
0x5: {  	_ = 	snop  }
0x6: {  	_ = 	snop  }
0x7: {  	_ = 	snop  }
__scs_overlays_trampoline_lowered:
0x8: {  	[smem:$0x3FAD] =	sst s0  }
0x9: {  	[smem:$0x3FAE] =	sst s1  }
0xa: {  	[smem:$0x3FAF] =	sst s2  }
0xb: {  	[smem:$0x3FB0] =	sst s3  }
0xc: {  	[smem:$0x3FB1] =	sst s4  }
0xd: {  	[smem:$0x3FB2] =	sst s5  }
0xe: {  	[smem:$0x3FB3] =	sst s6  }
0xf: {  	[smem:$0x3FB4] =	sst s7  }
0x10: {  	[smem:$0x3FB5] =	sst s8  }
0x11: {  	[smem:$0x3FB6] =	sst s9;
	s0 =	simm.s32 @!p0 $0x0  }
0x12: {  	s1 =	sld [smem:$0x3F9C];
	s0 =	simm.s32 @p0 $0x1  }
0x13: {  	[smem:$0x3FB7] =	sst s0;
	s0 =	simm.s32 @!p1 $0x0  }
0x14: {  	s2 =	sld [smem:$0x3F9B];
	s0 =	simm.s32 @p1 $0x1  }
0x15: {  	[smem:$0x3FB8] =	sst s0;
	s0 =	simm.s32 @!p2 $0x0  }
0x16: {  	s3 =	sld [smem:$0x3FDB];
	s0 =	simm.s32 @p2 $0x1  }
0x17: {  	s4 =	simm.s32 $0x1BF5;
	[smem:$0x3FBA] =	sst s0  }
0x18: {  	s0 =	sld [smem:$0x3F9D];
	_ =	swait.ge [sflag:s4], $0x0  }
0x19: {  	s7 =	sld [smem:$0x3F9E]  }
0x1a: {  	s8 =	sadd.s32 $0xFFFFE003, lr  }
0x1b: {  	s9 =	sadd.s32 $0xFFFFFEF7, lr;
	s5 =	simm.s32 $0xFFFFFFFF;
	p2 =	slt.u32 s8, $0xFFFFF086  }
0x1c: {  	p1 =	slt.u32 s9, $0xF7A;
	s5 =	simm.s32 @!p2 $0x0  }
0x1d: {  	s5 =	simm.s32 @p1 $0x1;
	p0 =	seq.s32 s7, s2  }
0x1e: {  	s7 =	smul.u32 @!p0 $0xF7A, s2;
	p2 =	seq.s32 @!p0 s5, $0x0  }
0x1f: {  	s9 =	smul.u32 $0xF7A, s1;
	s8 =	simm.s32 @!p0 $0x1BF5;
	p2 =	por !p2, p0  }
0x20: {  	[sflag:s8] =	ssyncset.s32 @!p0 $0xFFFFF086;
	s6 =	sadd.s32 @!p0 s3, s7;
	s7 =	simm.s32 @!p0 $0x108  }
0x21: {  	s3 =	sadd.s32 s3, s9;
	s6 =	sadd.s32 @!p0 $0x88, s6;
	s7 =	simm.s32 @p2 $0x1082  }
0x22: {  	[simem:s7], [sflag:s8] =	dma.local @!p0 [hbm:s6], $0xF7A  }
0x23: {  	s9 =	sor.u32 $0xD0000000, s2;
	s6 =	simm.s32 $0x108;
	_ =	swait.ge @!p0 [sflag:s8], $0x0  }
0x24: {  	s3 =	sadd.s32 $0x88, s3;
	s6 =	simm.s32 @!p1 $0x1082;
	[sflag:s4] =	ssyncset.s32 $0xFFFFF086  }
0x25: {  	[simem:s6], [sflag:s4] =	dma.local [hbm:s3], $0xF7A  }
0x26: {  	[smem:$0x3F9E] =	sst s1;
	(tag) =	ssettag s2;
	_ =	strace s9  }
0x27: {  	s1 =	sld [smem:$0x3FAE]  }
0x28: {  	s2 =	sld [smem:$0x3FAF]  }
0x29: {  	s4 =	sld [smem:$0x3FB1]  }
0x2a: {  	p0 =	seq.s32 s5, $0x0;
	s5 =	sld [smem:$0x3FB2]  }
0x2b: {  	s6 =	sld [smem:$0x3FB3]  }
0x2c: {  	s7 =	sld [smem:$0x3FB4]  }
0x2d: {  	s3 =	simm.s32 $0x108;
	s8 =	sld [smem:$0x3FB5]  }
0x2e: {  	s3 =	simm.s32 @!p0 $0x1082;
	s9 =	sld [smem:$0x3FB6]  }
0x2f: {  	lr =	sadd.s32 s0, s3;
	s0 =	sld [smem:$0x3FAD]  }
0x30: {  	s3 =	sld [smem:$0x3FB0]  }
0x31: {  	[smem:$0x3FB9] =	sst s10  }
0x32: {  	s10 =	sld [smem:$0x3FB7];
	_ =	sdelay $0x3  }
0x33: {  	p0 =	seq.s32 s10, $0x1;
	s10 =	sld [smem:$0x3FB9];
	_ =	sdelay $0x3  }
0x34: {  	[smem:$0x3FB9] =	sst s10  }
0x35: {  	s10 =	sld [smem:$0x3FB8];
	_ =	sdelay $0x3  }
0x36: {  	p1 =	seq.s32 s10, $0x1;
	s10 =	sld [smem:$0x3FB9];
	_ =	sdelay $0x3  }
0x37: {  	[smem:$0x3FB9] =	sst s10  }
0x38: {  	s10 =	sld [smem:$0x3FBA]  }
0x39: {  	_ = 	snop;
	(pc) =	sbr.ind lr, $3  }
0x3a: {  	_ = 	snop  }
0x3b: {  	_ = 	snop  }
0x3c: {  	p2 =	seq.s32 s10, $0x1;
	s10 =	sld [smem:$0x3FB9]  }
0x3d: {  	_ =	shalt  }
0x3e: {  	_ =	shalt  }
0x3f: {  	_ =	shalt  }
0x40: {  	_ =	shalt  }
0x41: {  	_ =	shalt  }
0x42: {  	_ =	shalt  }
0x43: {  	_ =	shalt  }
0x44: {  	_ =	shalt  }
0x45: {  	_ =	shalt  }
0x46: {  	_ =	shalt  }
0x47: {  	_ =	shalt  }
0x48: {  	_ =	shalt  }
0x49: {  	_ =	shalt  }
0x4a: {  	_ =	shalt  }
0x4b: {  	_ =	shalt  }
0x4c: {  	_ =	shalt  }
0x4d: {  	_ =	shalt  }
0x4e: {  	_ =	shalt  }
0x4f: {  	_ =	shalt  }
0x50: {  	_ =	shalt  }
0x51: {  	_ =	shalt  }
0x52: {  	_ =	shalt  }
0x53: {  	_ =	shalt  }
0x54: {  	_ =	shalt  }
0x55: {  	_ =	shalt  }
0x56: {  	_ =	shalt  }
0x57: {  	_ =	shalt  }
0x58: {  	_ =	shalt  }
0x59: {  	_ =	shalt  }
0x5a: {  	_ =	shalt  }
0x5b: {  	_ =	shalt  }
0x5c: {  	_ =	shalt  }
0x5d: {  	_ =	shalt  }
0x5e: {  	_ =	shalt  }
0x5f: {  	_ =	shalt  }
0x60: {  	_ =	shalt  }
0x61: {  	_ =	shalt  }
0x62: {  	_ =	shalt  }
0x63: {  	_ =	shalt  }
0x64: {  	_ =	shalt  }
0x65: {  	_ =	shalt  }
0x66: {  	_ =	shalt  }
0x67: {  	_ =	shalt  }
0x68: {  	_ =	shalt  }
0x69: {  	_ =	shalt  }
0x6a: {  	_ =	shalt  }
0x6b: {  	_ =	shalt  }
0x6c: {  	_ =	shalt  }
0x6d: {  	_ =	shalt  }
0x6e: {  	_ =	shalt  }
0x6f: {  	_ =	shalt  }
0x70: {  	_ =	shalt  }
0x71: {  	_ =	shalt  }
0x72: {  	_ =	shalt  }
0x73: {  	_ =	shalt  }
0x74: {  	_ =	shalt  }
0x75: {  	_ =	shalt  }
0x76: {  	_ =	shalt  }
0x77: {  	_ =	shalt  }
0x78: {  	_ =	shalt  }
0x79: {  	_ =	shalt  }
0x7a: {  	_ =	shalt  }
0x7b: {  	_ =	shalt  }
0x7c: {  	_ =	shalt  }
0x7d: {  	_ =	shalt  }
0x7e: {  	_ =	shalt  }
0x7f: {  	_ =	shalt  }
0x80: {  	_ =	shalt  }
0x81: {  	_ =	shalt  }
0x82: {  	_ =	shalt  }
0x83: {  	_ =	shalt  }
0x84: {  	_ =	shalt  }
0x85: {  	_ =	shalt  }
0x86: {  	_ =	shalt  }
0x87: {  	_ =	shalt  }
.Lfunc_end0:
.L_simem_size_0:
called_computation.2_lowered:
.L_overlay_start_0:
0x88: {  	s2 =	sld [smem:$0x3FD9]  }
0x89: {  	s3 =	sld [smem:$0x3FFE];
	_ =	sdelay $0x1  }
0x8a: {  	s1 =	srdreg.scid  }
0x8b: {  	s0 =	sand.u32 $0x1, s1  }
0x8c: {  	s17 =	sshll.u32 s0, $0xA;
	s2 =	sadd.s32 s3, s2  }
0x8d: {  	s2 =	sadd.s32 s2, s17  }
0x8e: {  	[smem:$0x3FC5] =	sst s2  }
0x8f: {  	_ = 	snop  }
0x90: {  	s2 =	sld [smem:$0x3FC7];
	(tm) =	ssettm $0x1  }
0x91: {  	s18 =	sld [smem:$0x3FFB];
	_ =	sdelay $0x3  }
0x92: {  	_ =	strace s18  }
0x93: {  	s3 =	sld [smem:$0x3FFC];
	_ =	sdelay $0x3  }
0x94: {  	_ =	strace s3  }
0x95: {  	s3 =	sld [smem:$0x3FFD];
	_ =	sdelay $0x3  }
0x96: {  	_ =	strace s3  }
0x97: {  	_ =	strace $0x8FFFFFFF  }
0x98: {  	s19 =	sld [smem:$0x3FDB];
	_ =	sdelay $0x1  }
0x99: {  	s4 =	simm.s32 $_scs_section_size  }
0x9a: {  	s5 =	simm.s32 $_size__tile_overlayer_lowered;
	s6 =	simm.s32 $_tile_overlayer_lowered  }
0x9b: {  	s22 =	simm.s32 $0x1BFF;
	s21 =	sshll.u32 s6, $0x1;
	s3 =	sadd.s32 s4, s19  }
0x9c: {  	s7 =	simm.s32 $0x0;
	s20 =	sshll.u32 s5, $0x1;
	s5 =	sadd.s32 s21, s3  }
0x9d: {  	[timem:s7], [sflag:s22] =	dma.local [hbm:s5], s20  }
0x9e: {  	_ =	swait.ge [sflag:s22], s20  }
0x9f: {  	s4 =	ssub.s32 $0x0, s20;
	[sflag:s22] =	ssyncset.done $0x0  }
0xa0: {  	[sflag:s22] =	ssyncadd.s32 s4;
	_ =	sdelay $0x1  }
0xa1: {  	s23 =	simm.s32 $0x1B8B  }
0xa2: {  	_ =	swait.ge [sflag:s23], $0x1  }
0xa3: {  	[sflag:s23] =	ssyncset.done $0x0  }
0xa4: {  	s25 =	simm.s32 $0x1B8E;
	s24 =	sld [smem:$0x3FFE];
	[sflag:s23] =	ssyncadd.s32 $0xFFFFFFFF  }
0xa5: {  	s26 =	simm.s32 $execute0_lowered;
	[smem:$0x3FD2] =	sst s25  }
0xa6: {  	s5 =	sshll.u32 s26, $0x1;
	_ =	strace $0x8000004C;
	[dreg:$0x1] =	wrdreg $0xFFFFFFFF  }
0xa7: {  	s28 =	simm.s32 $_size_execute0_lowered;
	s3 =	sadd.s32 s3, s5;
	[dreg:$0x0] =	wrdreg $0x0  }
0xa8: {  	s5 =	sshll.u32 s28, $0x1;
	[dreg:$0x2] =	wrdreg s3  }
0xa9: {  	[dreg:$0x3] =	wrdreg s5  }
0xaa: {  	[dreg:$0x4] =	wrdreg $0xC0  }
0xab: {  	_ =	task [dreg:s7], $0x5FFFF  }
0xac: {  	[dreg:$0x1] =	wrdreg $0xFFFFFFFF  }
0xad: {  	[dreg:$0x0] =	wrdreg $0x60  }
0xae: {  	[dreg:$0x2] =	wrdreg s24  }
0xaf: {  	[dreg:$0x3] =	wrdreg s2  }
0xb0: {  	[dreg:$0x4] =	wrdreg $0x9  }
0xb1: {  	_ =	task.clear_ibuf [dreg:s7], $0x5FFFF;
	_ =	strace $0x9000004C  }
0xb2: {  	s29 =	simm.s32 $0x9;
	_ =	strace $0x8000004E  }
0xb3: {  	_ =	swait.ge [sflag:s29], $0x1  }
0xb4: {  	[sflag:s29] =	ssyncadd.s32 $0xFFFFFFFF  }
0xb5: {  	_ =	strace $0x9000004E  }
0xb6: {  	_ =	sfence  }
0xb7: {  	s30 =	sld [smem:$0x0];
	_ =	sdelay $0x2  }
0xb8: {  	s31 =	sshll.u32 s1, $0xD;
	s1 =	sshrl.u32 s1, $0x2  }
0xb9: {  	s3 =	sand.u32 $0x4000, s31;
	s1 =	sadd.s32 s1, s30  }
0xba: {  	s0 =	sor.u32 s3, s0;
	s1 =	sshll.u32 s1, $0x11  }
0xbb: {  	s0 =	sor.u32 s1, s0  }
0xbc: {  	s0 =	sadd.s32 $0x8F2B, s0  }
0xbd: {  	[sflag:s0] =	ssyncadd.remote.s32 $0x1  }
0xbe: {  	_ =	sfence.sel $0xFFFF  }
0xbf: {  	[dreg:$0x0] =	wrdreg $0xFFFFFFFF;
	(pc) =	sbr.abs _section_cstart, $3  }
0xc0: {  	[dreg:$0x1] =	wrdreg $0xFFFFFFFF  }
0xc1: {  	_ =	task.clear_ibuf [dreg:s7], $0x2FFFF;
	_ =	strace $0x9FFFFFFF  }
0xc2: {  	(tm) =	ssettm $0x7FFFFFFF  }
0xc3: {  	_ =	shalt  }
tec
execute0_lowered:
.L_overlay_start_1:
0x0: {  	(tag) =	ssettag $0x1  }
0x1: {  	v0 =	vimm.s32 $0x1380  }
0x2: {  	vm14 =	vcmask $0x300;
	vm13 =	vcmask $0x704;
	vm12 =	vcmask $0xB08  }
0x3: {  	vm11 =	vcmask $0xF0C;
	vm10 =	vcmask $0x1310;
	vm9 =	vcmask $0x1714  }
0x4: {  	vm8 =	vcmask $0x1B18;
	vm7 =	vcmask $0x1F1C;
	vm6 =	vcmask $0x2320  }
0x5: {  	vm5 =	vcmask $0x2724;
	vm4 =	vcmask $0x2B28;
	vm3 =	vcmask $0x2F2C  }
0x6: {  	v1 =	vlaneseq.u32;
	vm2 =	vcmask $0x3330;
	vm1 =	vcmask $0x3734  }
0x7: {  	vm0 =	vcmask $0x3B38;
	v3 =	vimm.s32 $0x3380;
	v4 =	vimm.s32 $0x1FF0  }
0x8: {  	v5 =	vimm.s32 $0x3FF0;
	v6 =	vimm.s32 $0x1FF2;
	v55 =	vimm.s32 $0x3FF3  }
0x9: {  	v56 =	vimm.s32 $0x1FF5;
	v57 =	vimm.s32 $0x3FF6;
	v58 =	vimm.s32 $0x1FF8  }
0xa: {  	v59 =	vimm.s32 $0x3FF9;
	v60 =	vimm.s32 $0x1FFB;
	v61 =	vimm.s32 $0x3FFC  }
0xb: {  	v62 =	vimm.s32 $0x1FFE;
	v63 =	vimm.s32 $0x3FFF;
	v0 =	vsel vm14, $0x0, v0  }
0xc: {  	v3 =	vsel vm14, $0x2000, v3;
	v4 =	vsel vm14, $0xC70, v4;
	v5 =	vsel vm14, $0x2C70, v5  }
0xd: {  	v6 =	vsel vm14, $0xC72, v6;
	v0 =	vsel vm13, $0x80, v0;
	v4 =	vsel vm13, $0xCF0, v4  }
0xe: {  	v3 =	vsel vm13, $0x2080, v3;
	v5 =	vsel vm13, $0x2CF0, v5;
	v4 =	vsel vm12, $0xD70, v4  }
0xf: {  	v6 =	vsel vm13, $0xCF2, v6;
	v5 =	vsel vm12, $0x2D70, v5;
	v4 =	vsel vm11, $0xDF0, v4  }
0x10: {  	v0 =	vsel vm12, $0x100, v0;
	v5 =	vsel vm11, $0x2DF0, v5;
	v4 =	vsel vm10, $0xE70, v4  }
0x11: {  	v3 =	vsel vm12, $0x2100, v3;
	v5 =	vsel vm10, $0x2E70, v5;
	v4 =	vsel vm9, $0xEF0, v4  }
0x12: {  	v6 =	vsel vm12, $0xD72, v6;
	v5 =	vsel vm9, $0x2EF0, v5;
	v4 =	vsel vm8, $0xF70, v4  }
0x13: {  	v0 =	vsel vm11, $0x180, v0;
	v5 =	vsel vm8, $0x2F70, v5;
	v4 =	vsel vm7, $0xFF0, v4  }
0x14: {  	v3 =	vsel vm11, $0x2180, v3;
	v5 =	vsel vm7, $0x2FF0, v5;
	v4 =	vsel vm6, $0x1C70, v4  }
0x15: {  	v6 =	vsel vm11, $0xDF2, v6;
	v5 =	vsel vm6, $0x3C70, v5;
	v4 =	vsel vm5, $0x1CF0, v4  }
0x16: {  	v0 =	vsel vm10, $0x200, v0;
	v5 =	vsel vm5, $0x3CF0, v5;
	v4 =	vsel vm4, $0x1D70, v4  }
0x17: {  	v3 =	vsel vm10, $0x2200, v3;
	v5 =	vsel vm4, $0x3D70, v5;
	v4 =	vsel vm3, $0x1DF0, v4  }
0x18: {  	v6 =	vsel vm10, $0xE72, v6;
	v5 =	vsel vm3, $0x3DF0, v5;
	v4 =	vsel vm2, $0x1E70, v4  }
0x19: {  	v0 =	vsel vm9, $0x280, v0;
	v5 =	vsel vm2, $0x3E70, v5;
	v4 =	vsel vm1, $0x1EF0, v4  }
0x1a: {  	v3 =	vsel vm9, $0x2280, v3;
	v5 =	vsel vm1, $0x3EF0, v5;
	v4 =	vsel vm0, $0x1F70, v4  }
0x1b: {  	v6 =	vsel vm9, $0xEF2, v6;
	v0 =	vsel vm8, $0x300, v0;
	[tilespmem:$0x1FF70] =	vst v4;
	v4 =	vsel vm0, $0x3F70, v5  }
0x1c: {  	v3 =	vsel vm8, $0x2300, v3;
	v6 =	vsel vm8, $0xF72, v6;
	[tilespmem:$0x1FF80] =	vst v4;
	v4 =	vimm.s32 $0x1FF1  }
0x1d: {  	v0 =	vsel vm7, $0x380, v0;
	v5 =	vimm.s32 $0x3FF1;
	v4 =	vsel vm14, $0xC71, v4  }
0x1e: {  	v3 =	vsel vm7, $0x2380, v3;
	v5 =	vsel vm14, $0x2C71, v5;
	v4 =	vsel vm13, $0xCF1, v4  }
0x1f: {  	v6 =	vsel vm7, $0xFF2, v6;
	v5 =	vsel vm13, $0x2CF1, v5;
	v4 =	vsel vm12, $0xD71, v4  }
0x20: {  	v0 =	vsel vm6, $0x1000, v0;
	v5 =	vsel vm12, $0x2D71, v5;
	v4 =	vsel vm11, $0xDF1, v4  }
0x21: {  	v3 =	vsel vm6, $0x3000, v3;
	v5 =	vsel vm11, $0x2DF1, v5;
	v4 =	vsel vm10, $0xE71, v4  }
0x22: {  	v6 =	vsel vm6, $0x1C72, v6;
	v5 =	vsel vm10, $0x2E71, v5;
	v4 =	vsel vm9, $0xEF1, v4  }
0x23: {  	v0 =	vsel vm5, $0x1080, v0;
	v5 =	vsel vm9, $0x2EF1, v5;
	v4 =	vsel vm8, $0xF71, v4  }
0x24: {  	v3 =	vsel vm5, $0x3080, v3;
	v5 =	vsel vm8, $0x2F71, v5;
	v4 =	vsel vm7, $0xFF1, v4  }
0x25: {  	v6 =	vsel vm5, $0x1CF2, v6;
	v5 =	vsel vm7, $0x2FF1, v5;
	v4 =	vsel vm6, $0x1C71, v4  }
0x26: {  	v0 =	vsel vm4, $0x1100, v0;
	v5 =	vsel vm6, $0x3C71, v5;
	v4 =	vsel vm5, $0x1CF1, v4  }
0x27: {  	v3 =	vsel vm4, $0x3100, v3;
	v5 =	vsel vm5, $0x3CF1, v5;
	v4 =	vsel vm4, $0x1D71, v4  }
0x28: {  	v6 =	vsel vm4, $0x1D72, v6;
	v5 =	vsel vm4, $0x3D71, v5;
	v4 =	vsel vm3, $0x1DF1, v4  }
0x29: {  	v2 =	vsel vm3, $0x1180, v0;
	v5 =	vsel vm3, $0x3DF1, v5;
	v4 =	vsel vm2, $0x1E71, v4  }
0x2a: {  	v6 =	vsel vm3, $0x1DF2, v6;
	v5 =	vsel vm2, $0x3E71, v5;
	v4 =	vsel vm1, $0x1EF1, v4  }
0x2b: {  	v6 =	vsel vm2, $0x1E72, v6;
	v5 =	vsel vm1, $0x3EF1, v5;
	v4 =	vsel vm0, $0x1F71, v4  }
0x2c: {  	v0 =	vmul.u32 $0x80, v1;
	v6 =	vsel vm1, $0x1EF2, v6;
	[tilespmem:$0x1FF90] =	vst v4;
	v4 =	vsel vm0, $0x3F71, v5  }
0x2d: {  	v3 =	vsel vm3, $0x3180, v3;
	v1 =	vsel vm2, $0x1200, v2;
	[tilespmem:$0x1FFA0] =	vst v4;
	v4 =	vsel vm0, $0x1F72, v6  }
0x2e: {  	v3 =	vsel vm2, $0x3200, v3;
	v2 =	vsel vm1, $0x1280, v1;
	[tilespmem:$0x1FFB0] =	vst v4;
	v4 =	vimm.s32 $0x3FF2  }
0x2f: {  	v1 =	vor.u32 $0x800, v0;
	v5 =	vimm.s32 $0x1FF3;
	v4 =	vsel vm14, $0x2C72, v4  }
0x30: {  	v3 =	vsel vm1, $0x3280, v3;
	v5 =	vsel vm14, $0xC73, v5;
	v4 =	vsel vm13, $0x2CF2, v4  }
0x31: {  	v6 =	vsel vm14, $0x2C73, v55;
	v5 =	vsel vm13, $0xCF3, v5;
	v4 =	vsel vm12, $0x2D72, v4  }
0x32: {  	v6 =	vsel vm13, $0x2CF3, v6;
	v5 =	vsel vm12, $0xD73, v5;
	v4 =	vsel vm11, $0x2DF2, v4  }
0x33: {  	v6 =	vsel vm12, $0x2D73, v6;
	v5 =	vsel vm11, $0xDF3, v5;
	v4 =	vsel vm10, $0x2E72, v4  }
0x34: {  	v6 =	vsel vm11, $0x2DF3, v6;
	v5 =	vsel vm10, $0xE73, v5;
	v4 =	vsel vm9, $0x2EF2, v4  }
0x35: {  	v6 =	vsel vm10, $0x2E73, v6;
	v5 =	vsel vm9, $0xEF3, v5;
	v4 =	vsel vm8, $0x2F72, v4  }
0x36: {  	v6 =	vsel vm9, $0x2EF3, v6;
	v5 =	vsel vm8, $0xF73, v5;
	v4 =	vsel vm7, $0x2FF2, v4  }
0x37: {  	v6 =	vsel vm8, $0x2F73, v6;
	v5 =	vsel vm7, $0xFF3, v5;
	v4 =	vsel vm6, $0x3C72, v4  }
0x38: {  	v6 =	vsel vm7, $0x2FF3, v6;
	v5 =	vsel vm6, $0x1C73, v5;
	v4 =	vsel vm5, $0x3CF2, v4  }
0x39: {  	v6 =	vsel vm6, $0x3C73, v6;
	v5 =	vsel vm5, $0x1CF3, v5;
	v4 =	vsel vm4, $0x3D72, v4  }
0x3a: {  	v6 =	vsel vm5, $0x3CF3, v6;
	v5 =	vsel vm4, $0x1D73, v5;
	v4 =	vsel vm3, $0x3DF2, v4  }
0x3b: {  	v6 =	vsel vm4, $0x3D73, v6;
	v5 =	vsel vm3, $0x1DF3, v5;
	v4 =	vsel vm2, $0x3E72, v4  }
0x3c: {  	v6 =	vsel vm3, $0x3DF3, v6;
	v5 =	vsel vm2, $0x1E73, v5;
	v4 =	vsel vm1, $0x3EF2, v4  }
0x3d: {  	v6 =	vsel vm2, $0x3E73, v6;
	v5 =	vsel vm1, $0x1EF3, v5;
	v4 =	vsel vm0, $0x3F72, v4  }
0x3e: {  	v2 =	vsel vm0, $0x1300, v2;
	v6 =	vsel vm1, $0x3EF3, v6;
	[tilespmem:$0x1FFC0] =	vst v4;
	v4 =	vsel vm0, $0x1F73, v5  }
0x3f: {  	v3 =	vsel vm0, $0x3300, v3;
	v5 =	vimm.s32 $0x3FF4;
	[tilespmem:$0x1FFD0] =	vst v4;
	v4 =	vsel vm0, $0x3F73, v6  }
0x40: {  	v5 =	vsel vm14, $0x2C74, v5;
	v6 =	vsel vm14, $0xC75, v56;
	[tilespmem:$0x1FFE0] =	vst v4;
	v4 =	vimm.s32 $0x1FF4  }
0x41: {  	v5 =	vsel vm13, $0x2CF4, v5;
	v6 =	vsel vm13, $0xCF5, v6;
	v4 =	vsel vm14, $0xC74, v4  }
0x42: {  	v5 =	vsel vm12, $0x2D74, v5;
	v6 =	vsel vm12, $0xD75, v6;
	v4 =	vsel vm13, $0xCF4, v4  }
0x43: {  	v5 =	vsel vm11, $0x2DF4, v5;
	v6 =	vsel vm11, $0xDF5, v6;
	v4 =	vsel vm12, $0xD74, v4  }
0x44: {  	v5 =	vsel vm10, $0x2E74, v5;
	v6 =	vsel vm10, $0xE75, v6;
	v4 =	vsel vm11, $0xDF4, v4  }
0x45: {  	v5 =	vsel vm9, $0x2EF4, v5;
	v6 =	vsel vm9, $0xEF5, v6;
	v4 =	vsel vm10, $0xE74, v4  }
0x46: {  	v5 =	vsel vm8, $0x2F74, v5;
	v6 =	vsel vm8, $0xF75, v6;
	v4 =	vsel vm9, $0xEF4, v4  }
0x47: {  	v5 =	vsel vm7, $0x2FF4, v5;
	v6 =	vsel vm7, $0xFF5, v6;
	v4 =	vsel vm8, $0xF74, v4  }
0x48: {  	v5 =	vsel vm6, $0x3C74, v5;
	v6 =	vsel vm6, $0x1C75, v6;
	v4 =	vsel vm7, $0xFF4, v4  }
0x49: {  	v5 =	vsel vm5, $0x3CF4, v5;
	v6 =	vsel vm5, $0x1CF5, v6;
	v4 =	vsel vm6, $0x1C74, v4  }
0x4a: {  	v5 =	vsel vm4, $0x3D74, v5;
	v6 =	vsel vm4, $0x1D75, v6;
	v4 =	vsel vm5, $0x1CF4, v4  }
0x4b: {  	v5 =	vsel vm3, $0x3DF4, v5;
	v6 =	vsel vm3, $0x1DF5, v6;
	v4 =	vsel vm4, $0x1D74, v4  }
0x4c: {  	v5 =	vsel vm2, $0x3E74, v5;
	v6 =	vsel vm2, $0x1E75, v6;
	v4 =	vsel vm3, $0x1DF4, v4  }
0x4d: {  	v5 =	vsel vm1, $0x3EF4, v5;
	v6 =	vsel vm1, $0x1EF5, v6;
	v4 =	vsel vm2, $0x1E74, v4  }
0x4e: {  	v13 =	vsel vm0, $0x3F74, v5;
	v14 =	vsel vm0, $0x1F75, v6;
	v5 =	vimm.s32 $0x1FF6  }
0x4f: {  	v6 =	vsel vm14, $0x2C76, v57;
	v4 =	vsel vm1, $0x1EF4, v4;
	v5 =	vsel vm14, $0xC76, v5  }
0x50: {  	v6 =	vsel vm13, $0x2CF6, v6;
	v4 =	vsel vm0, $0x1F74, v4;
	v5 =	vsel vm13, $0xCF6, v5  }
0x51: {  	v6 =	vsel vm12, $0x2D76, v6;
	[tilespmem:$0x1FFF0] =	vst v4;
	v4 =	vimm.s32 $0x3FF5;
	v5 =	vsel vm12, $0xD76, v5  }
0x52: {  	v6 =	vsel vm11, $0x2DF6, v6;
	v4 =	vsel vm14, $0x2C75, v4;
	v5 =	vsel vm11, $0xDF6, v5  }
0x53: {  	v6 =	vsel vm10, $0x2E76, v6;
	v4 =	vsel vm13, $0x2CF5, v4;
	v5 =	vsel vm10, $0xE76, v5  }
0x54: {  	v6 =	vsel vm9, $0x2EF6, v6;
	v4 =	vsel vm12, $0x2D75, v4;
	v5 =	vsel vm9, $0xEF6, v5  }
0x55: {  	v6 =	vsel vm8, $0x2F76, v6;
	v4 =	vsel vm11, $0x2DF5, v4;
	v5 =	vsel vm8, $0xF76, v5  }
0x56: {  	v6 =	vsel vm7, $0x2FF6, v6;
	v4 =	vsel vm10, $0x2E75, v4;
	v5 =	vsel vm7, $0xFF6, v5  }
0x57: {  	v6 =	vsel vm6, $0x3C76, v6;
	v4 =	vsel vm9, $0x2EF5, v4;
	v5 =	vsel vm6, $0x1C76, v5  }
0x58: {  	v6 =	vsel vm5, $0x3CF6, v6;
	v4 =	vsel vm8, $0x2F75, v4;
	v5 =	vsel vm5, $0x1CF6, v5  }
0x59: {  	v6 =	vsel vm4, $0x3D76, v6;
	v4 =	vsel vm7, $0x2FF5, v4;
	v5 =	vsel vm4, $0x1D76, v5  }
0x5a: {  	v6 =	vsel vm3, $0x3DF6, v6;
	v4 =	vsel vm6, $0x3C75, v4;
	v5 =	vsel vm3, $0x1DF6, v5  }
0x5b: {  	v6 =	vsel vm2, $0x3E76, v6;
	v4 =	vsel vm5, $0x3CF5, v4;
	v5 =	vsel vm2, $0x1E76, v5  }
0x5c: {  	v6 =	vsel vm1, $0x3EF6, v6;
	v4 =	vsel vm4, $0x3D75, v4;
	v5 =	vsel vm1, $0x1EF6, v5  }
0x5d: {  	v17 =	vsel vm0, $0x3F76, v6;
	v6 =	vsel vm14, $0xC78, v58;
	v4 =	vsel vm3, $0x3DF5, v4  }
0x5e: {  	v16 =	vsel vm0, $0x1F76, v5;
	v5 =	vimm.s32 $0x3FF7;
	v6 =	vsel vm13, $0xCF8, v6  }
0x5f: {  	v4 =	vsel vm2, $0x3E75, v4;
	v5 =	vsel vm14, $0x2C77, v5;
	v6 =	vsel vm12, $0xD78, v6  }
0x60: {  	v4 =	vsel vm1, $0x3EF5, v4;
	v5 =	vsel vm13, $0x2CF7, v5;
	v6 =	vsel vm11, $0xDF8, v6  }
0x61: {  	v15 =	vsel vm0, $0x3F75, v4;
	v4 =	vimm.s32 $0x1FF7;
	v5 =	vsel vm12, $0x2D77, v5  }
0x62: {  	v6 =	vsel vm10, $0xE78, v6;
	v4 =	vsel vm14, $0xC77, v4;
	v5 =	vsel vm11, $0x2DF7, v5  }
0x63: {  	v6 =	vsel vm9, $0xEF8, v6;
	v4 =	vsel vm13, $0xCF7, v4;
	v5 =	vsel vm10, $0x2E77, v5  }
0x64: {  	v6 =	vsel vm8, $0xF78, v6;
	v4 =	vsel vm12, $0xD77, v4;
	v5 =	vsel vm9, $0x2EF7, v5  }
0x65: {  	v6 =	vsel vm7, $0xFF8, v6;
	v4 =	vsel vm11, $0xDF7, v4;
	v5 =	vsel vm8, $0x2F77, v5  }
0x66: {  	v6 =	vsel vm6, $0x1C78, v6;
	v4 =	vsel vm10, $0xE77, v4;
	v5 =	vsel vm7, $0x2FF7, v5  }
0x67: {  	v6 =	vsel vm5, $0x1CF8, v6;
	v4 =	vsel vm9, $0xEF7, v4;
	v5 =	vsel vm6, $0x3C77, v5  }
0x68: {  	v6 =	vsel vm4, $0x1D78, v6;
	v4 =	vsel vm8, $0xF77, v4;
	v5 =	vsel vm5, $0x3CF7, v5  }
0x69: {  	v6 =	vsel vm3, $0x1DF8, v6;
	v4 =	vsel vm7, $0xFF7, v4;
	v5 =	vsel vm4, $0x3D77, v5  }
0x6a: {  	v6 =	vsel vm2, $0x1E78, v6;
	v4 =	vsel vm6, $0x1C77, v4;
	v5 =	vsel vm3, $0x3DF7, v5  }
0x6b: {  	v6 =	vsel vm1, $0x1EF8, v6;
	v4 =	vsel vm5, $0x1CF7, v4;
	v5 =	vsel vm2, $0x3E77, v5  }
0x6c: {  	v20 =	vsel vm0, $0x1F78, v6;
	v6 =	vsel vm14, $0x2C79, v59;
	v4 =	vsel vm4, $0x1D77, v4  }
0x6d: {  	v5 =	vsel vm1, $0x3EF7, v5;
	v6 =	vsel vm13, $0x2CF9, v6;
	v4 =	vsel vm3, $0x1DF7, v4  }
0x6e: {  	v19 =	vsel vm0, $0x3F77, v5;
	v5 =	vimm.s32 $0x1FF9;
	v6 =	vsel vm12, $0x2D79, v6  }
0x6f: {  	v4 =	vsel vm2, $0x1E77, v4;
	v5 =	vsel vm14, $0xC79, v5;
	v6 =	vsel vm11, $0x2DF9, v6  }
0x70: {  	v4 =	vsel vm1, $0x1EF7, v4;
	v5 =	vsel vm13, $0xCF9, v5;
	v6 =	vsel vm10, $0x2E79, v6  }
0x71: {  	v18 =	vsel vm0, $0x1F77, v4;
	v4 =	vimm.s32 $0x3FF8;
	v5 =	vsel vm12, $0xD79, v5  }
0x72: {  	v6 =	vsel vm9, $0x2EF9, v6;
	v4 =	vsel vm14, $0x2C78, v4;
	v5 =	vsel vm11, $0xDF9, v5  }
0x73: {  	v6 =	vsel vm8, $0x2F79, v6;
	v4 =	vsel vm13, $0x2CF8, v4;
	v5 =	vsel vm10, $0xE79, v5  }
0x74: {  	v6 =	vsel vm7, $0x2FF9, v6;
	v4 =	vsel vm12, $0x2D78, v4;
	v5 =	vsel vm9, $0xEF9, v5  }
0x75: {  	v6 =	vsel vm6, $0x3C79, v6;
	v4 =	vsel vm11, $0x2DF8, v4;
	v5 =	vsel vm8, $0xF79, v5  }
0x76: {  	v6 =	vsel vm5, $0x3CF9, v6;
	v4 =	vsel vm10, $0x2E78, v4;
	v5 =	vsel vm7, $0xFF9, v5  }
0x77: {  	v6 =	vsel vm4, $0x3D79, v6;
	v4 =	vsel vm9, $0x2EF8, v4;
	v5 =	vsel vm6, $0x1C79, v5  }
0x78: {  	v6 =	vsel vm3, $0x3DF9, v6;
	v4 =	vsel vm8, $0x2F78, v4;
	v5 =	vsel vm5, $0x1CF9, v5  }
0x79: {  	v6 =	vsel vm2, $0x3E79, v6;
	v4 =	vsel vm7, $0x2FF8, v4;
	v5 =	vsel vm4, $0x1D79, v5  }
0x7a: {  	v6 =	vsel vm1, $0x3EF9, v6;
	v4 =	vsel vm6, $0x3C78, v4;
	v5 =	vsel vm3, $0x1DF9, v5  }
0x7b: {  	v23 =	vsel vm0, $0x3F79, v6;
	v6 =	vsel vm14, $0xC7B, v60;
	v4 =	vsel vm5, $0x3CF8, v4  }
0x7c: {  	v5 =	vsel vm2, $0x1E79, v5;
	v6 =	vsel vm13, $0xCFB, v6;
	v4 =	vsel vm4, $0x3D78, v4  }
0x7d: {  	v5 =	vsel vm1, $0x1EF9, v5;
	v6 =	vsel vm12, $0xD7B, v6;
	v4 =	vsel vm3, $0x3DF8, v4  }
0x7e: {  	v22 =	vsel vm0, $0x1F79, v5;
	v5 =	vimm.s32 $0x3FFA;
	v4 =	vsel vm2, $0x3E78, v4  }
0x7f: {  	v6 =	vsel vm11, $0xDFB, v6;
	v5 =	vsel vm14, $0x2C7A, v5;
	v4 =	vsel vm1, $0x3EF8, v4  }
0x80: {  	v6 =	vsel vm10, $0xE7B, v6;
	v21 =	vsel vm0, $0x3F78, v4;
	v4 =	vimm.s32 $0x1FFA  }
0x81: {  	v5 =	vsel vm13, $0x2CFA, v5;
	v6 =	vsel vm9, $0xEFB, v6;
	v4 =	vsel vm14, $0xC7A, v4  }
0x82: {  	v5 =	vsel vm12, $0x2D7A, v5;
	v6 =	vsel vm8, $0xF7B, v6;
	v4 =	vsel vm13, $0xCFA, v4  }
0x83: {  	v5 =	vsel vm11, $0x2DFA, v5;
	v6 =	vsel vm7, $0xFFB, v6;
	v4 =	vsel vm12, $0xD7A, v4  }
0x84: {  	v5 =	vsel vm10, $0x2E7A, v5;
	v6 =	vsel vm6, $0x1C7B, v6;
	v4 =	vsel vm11, $0xDFA, v4  }
0x85: {  	v5 =	vsel vm9, $0x2EFA, v5;
	v6 =	vsel vm5, $0x1CFB, v6;
	v4 =	vsel vm10, $0xE7A, v4  }
0x86: {  	v5 =	vsel vm8, $0x2F7A, v5;
	v6 =	vsel vm4, $0x1D7B, v6;
	v4 =	vsel vm9, $0xEFA, v4  }
0x87: {  	v5 =	vsel vm7, $0x2FFA, v5;
	v6 =	vsel vm3, $0x1DFB, v6;
	v4 =	vsel vm8, $0xF7A, v4  }
0x88: {  	v5 =	vsel vm6, $0x3C7A, v5;
	v6 =	vsel vm2, $0x1E7B, v6;
	v4 =	vsel vm7, $0xFFA, v4  }
0x89: {  	v5 =	vsel vm5, $0x3CFA, v5;
	v6 =	vsel vm1, $0x1EFB, v6;
	v4 =	vsel vm6, $0x1C7A, v4  }
0x8a: {  	v5 =	vsel vm4, $0x3D7A, v5;
	v26 =	vsel vm0, $0x1F7B, v6;
	v4 =	vsel vm5, $0x1CFA, v4  }
0x8b: {  	v6 =	vsel vm14, $0x2C7C, v61;
	v5 =	vsel vm3, $0x3DFA, v5;
	v4 =	vsel vm4, $0x1D7A, v4  }
0x8c: {  	v6 =	vsel vm13, $0x2CFC, v6;
	v5 =	vsel vm2, $0x3E7A, v5;
	v4 =	vsel vm3, $0x1DFA, v4  }
0x8d: {  	v6 =	vsel vm12, $0x2D7C, v6;
	v5 =	vsel vm1, $0x3EFA, v5;
	v4 =	vsel vm2, $0x1E7A, v4  }
0x8e: {  	v25 =	vsel vm0, $0x3F7A, v5;
	v5 =	vimm.s32 $0x1FFC;
	v4 =	vsel vm1, $0x1EFA, v4  }
0x8f: {  	v5 =	vsel vm14, $0xC7C, v5;
	v24 =	vsel vm0, $0x1F7A, v4;
	v4 =	vimm.s32 $0x3FFB  }
0x90: {  	v6 =	vsel vm11, $0x2DFC, v6;
	v5 =	vsel vm13, $0xCFC, v5;
	v4 =	vsel vm14, $0x2C7B, v4  }
0x91: {  	v6 =	vsel vm10, $0x2E7C, v6;
	v5 =	vsel vm12, $0xD7C, v5;
	v4 =	vsel vm13, $0x2CFB, v4  }
0x92: {  	v6 =	vsel vm9, $0x2EFC, v6;
	v5 =	vsel vm11, $0xDFC, v5;
	v4 =	vsel vm12, $0x2D7B, v4  }
0x93: {  	v6 =	vsel vm8, $0x2F7C, v6;
	v5 =	vsel vm10, $0xE7C, v5;
	v4 =	vsel vm11, $0x2DFB, v4  }
0x94: {  	v6 =	vsel vm7, $0x2FFC, v6;
	v5 =	vsel vm9, $0xEFC, v5;
	v4 =	vsel vm10, $0x2E7B, v4  }
0x95: {  	v6 =	vsel vm6, $0x3C7C, v6;
	v5 =	vsel vm8, $0xF7C, v5;
	v4 =	vsel vm9, $0x2EFB, v4  }
0x96: {  	v6 =	vsel vm5, $0x3CFC, v6;
	v5 =	vsel vm7, $0xFFC, v5;
	v4 =	vsel vm8, $0x2F7B, v4  }
0x97: {  	v6 =	vsel vm4, $0x3D7C, v6;
	v5 =	vsel vm6, $0x1C7C, v5;
	v4 =	vsel vm7, $0x2FFB, v4  }
0x98: {  	v6 =	vsel vm3, $0x3DFC, v6;
	v5 =	vsel vm5, $0x1CFC, v5;
	v4 =	vsel vm6, $0x3C7B, v4  }
0x99: {  	v6 =	vsel vm2, $0x3E7C, v6;
	v5 =	vsel vm4, $0x1D7C, v5;
	v4 =	vsel vm5, $0x3CFB, v4  }
0x9a: {  	v6 =	vsel vm1, $0x3EFC, v6;
	v5 =	vsel vm3, $0x1DFC, v5;
	v4 =	vsel vm4, $0x3D7B, v4  }
0x9b: {  	v29 =	vsel vm0, $0x3F7C, v6;
	v5 =	vsel vm2, $0x1E7C, v5;
	v4 =	vsel vm3, $0x3DFB, v4  }
0x9c: {  	v6 =	vsel vm14, $0xC7E, v62;
	v5 =	vsel vm1, $0x1EFC, v5;
	v4 =	vsel vm2, $0x3E7B, v4  }
0x9d: {  	v28 =	vsel vm0, $0x1F7C, v5;
	v5 =	vimm.s32 $0x3FFD;
	v4 =	vsel vm1, $0x3EFB, v4  }
0x9e: {  	v5 =	vsel vm14, $0x2C7D, v5;
	v27 =	vsel vm0, $0x3F7B, v4;
	v4 =	vimm.s32 $0x1FFD  }
0x9f: {  	v6 =	vsel vm13, $0xCFE, v6;
	v5 =	vsel vm13, $0x2CFD, v5;
	v4 =	vsel vm14, $0xC7D, v4  }
0xa0: {  	v6 =	vsel vm12, $0xD7E, v6;
	v5 =	vsel vm12, $0x2D7D, v5;
	v4 =	vsel vm13, $0xCFD, v4  }
0xa1: {  	v6 =	vsel vm11, $0xDFE, v6;
	v5 =	vsel vm11, $0x2DFD, v5;
	v4 =	vsel vm12, $0xD7D, v4  }
0xa2: {  	v6 =	vsel vm10, $0xE7E, v6;
	v5 =	vsel vm10, $0x2E7D, v5;
	v4 =	vsel vm11, $0xDFD, v4  }
0xa3: {  	v6 =	vsel vm9, $0xEFE, v6;
	v5 =	vsel vm9, $0x2EFD, v5;
	v4 =	vsel vm10, $0xE7D, v4  }
0xa4: {  	v6 =	vsel vm8, $0xF7E, v6;
	v5 =	vsel vm8, $0x2F7D, v5;
	v4 =	vsel vm9, $0xEFD, v4  }
0xa5: {  	v6 =	vsel vm7, $0xFFE, v6;
	v5 =	vsel vm7, $0x2FFD, v5;
	v4 =	vsel vm8, $0xF7D, v4  }
0xa6: {  	v6 =	vsel vm6, $0x1C7E, v6;
	v5 =	vsel vm6, $0x3C7D, v5;
	v4 =	vsel vm7, $0xFFD, v4  }
0xa7: {  	v6 =	vsel vm5, $0x1CFE, v6;
	v5 =	vsel vm5, $0x3CFD, v5;
	v4 =	vsel vm6, $0x1C7D, v4  }
0xa8: {  	v6 =	vsel vm4, $0x1D7E, v6;
	v5 =	vsel vm4, $0x3D7D, v5;
	v4 =	vsel vm5, $0x1CFD, v4  }
0xa9: {  	v6 =	vsel vm3, $0x1DFE, v6;
	v5 =	vsel vm3, $0x3DFD, v5;
	v4 =	vsel vm4, $0x1D7D, v4  }
0xaa: {  	v6 =	vsel vm2, $0x1E7E, v6;
	v5 =	vsel vm2, $0x3E7D, v5;
	v4 =	vsel vm3, $0x1DFD, v4  }
0xab: {  	v6 =	vsel vm1, $0x1EFE, v6;
	v5 =	vsel vm1, $0x3EFD, v5;
	v4 =	vsel vm2, $0x1E7D, v4  }
0xac: {  	v32 =	vsel vm0, $0x1F7E, v6;
	v31 =	vsel vm0, $0x3F7D, v5;
	v4 =	vsel vm1, $0x1EFD, v4  }
0xad: {  	v5 =	vimm.s32 $0x1FFF;
	v30 =	vsel vm0, $0x1F7D, v4;
	v4 =	vimm.s32 $0x3FFE  }
0xae: {  	v6 =	vsel vm14, $0x2C7F, v63;
	v5 =	vsel vm14, $0xC7F, v5;
	v4 =	vsel vm14, $0x2C7E, v4  }
0xaf: {  	v6 =	vsel vm13, $0x2CFF, v6;
	v5 =	vsel vm13, $0xCFF, v5;
	v4 =	vsel vm13, $0x2CFE, v4  }
0xb0: {  	v6 =	vsel vm12, $0x2D7F, v6;
	v5 =	vsel vm12, $0xD7F, v5;
	v4 =	vsel vm12, $0x2D7E, v4  }
0xb1: {  	s0 =	rddreg [dreg:$0x0];
	v6 =	vsel vm11, $0x2DFF, v6;
	v5 =	vsel vm11, $0xDFF, v5;
	v4 =	vsel vm11, $0x2DFE, v4  }
0xb2: {  	s1 =	rddreg [dreg:$0x1];
	v6 =	vsel vm10, $0x2E7F, v6;
	v5 =	vsel vm10, $0xE7F, v5;
	v4 =	vsel vm10, $0x2E7E, v4  }
0xb3: {  	s4 =	srdreg.scid;
	s2 =	stileid.u32;
	v6 =	vsel vm9, $0x2EFF, v6;
	v5 =	vsel vm9, $0xEFF, v5;
	v4 =	vsel vm9, $0x2EFE, v4  }
0xb4: {  	s3 =	simm.s32 $0x0;
	s11 =	simm.s32 $0x280;
	s14 =	simm.s32 $0x4280;
	v6 =	vsel vm8, $0x2F7F, v6;
	v5 =	vsel vm8, $0xF7F, v5;
	v4 =	vsel vm8, $0x2F7E, v4  }
0xb5: {  	s15 =	simm.s32 $0x1;
	s4 =	sand.u32 $0x1, s4;
	s5 =	sshll.u32 s2, $0x1;
	v6 =	vsel vm7, $0x2FFF, v6;
	v5 =	vsel vm7, $0xFFF, v5;
	v4 =	vsel vm7, $0x2FFE, v4  }
0xb6: {  	s16 =	simm.s32 $0x2;
	s18 =	simm.s32 $0x0;
	s5 =	sor.u32 s4, s5;
	v6 =	vsel vm6, $0x3C7F, v6;
	v5 =	vsel vm6, $0x1C7F, v5;
	v4 =	vsel vm6, $0x3C7E, v4  }
0xb7: {  	[smem:$0x7FF] =	sst s3;
	s4 =	ssub.s32 $0x2, s4;
	s6 =	sshll.u32 s5, $0x6;
	v6 =	vsel vm5, $0x3CFF, v6;
	v5 =	vsel vm5, $0x1CFF, v5;
	v4 =	vsel vm5, $0x3CFE, v4  }
.Ltmp0:
0xb8: {  	s7 =	sshll.u32 s5, $0x1;
	s8 =	sshrl.u32 s4, $0x1;
	v6 =	vsel vm4, $0x3D7F, v6;
	v5 =	vsel vm4, $0x1D7F, v5;
	v4 =	vsel vm4, $0x3D7E, v4;
	(pc) =	sbr.rel .LBB2_1-.Ltmp0, $4  }
0xb9: {  	s5 =	sshll.u32 s5, $0x9;
	s6 =	sadd.s32 s6, s0;
	s7 =	sadd.s32 s7, s0;
	v6 =	vsel vm3, $0x3DFF, v6;
	v5 =	vsel vm3, $0x1DFF, v5;
	v4 =	vsel vm3, $0x3DFE, v4  }
0xba: {  	s8 =	ssub.s32 s4, s8;
	s0 =	sadd.s32 s0, s5;
	s31 =	sadd.s32 $0x81000, s6;
	v6 =	vsel vm2, $0x3E7F, v6;
	v5 =	vsel vm2, $0x1E7F, v5;
	v4 =	vsel vm2, $0x3E7E, v4  }
0xbb: {  	s6 =	sadd.s32 $0x10000, s7;
	_ =	strace $0x8000004D;
	[dreg:$0x3] =	wrdreg s31;
	v6 =	vsel vm1, $0x3EFF, v6;
	v5 =	vsel vm1, $0x1EFF, v5;
	v4 =	vsel vm1, $0x3EFE, v4  }
0xbc: {  	s7 =	smax.u32 s8, $0x1;
	s8 =	simm.s32 $0x3;
	[dreg:$0x4] =	wrdreg s0;
	v35 =	vsel vm0, $0x3F7F, v6;
	v34 =	vsel vm0, $0x1F7F, v5;
	v33 =	vsel vm0, $0x3F7E, v4  }
.LBB2_14:
0xbd: {  	[sflag:s15] =	ssyncadd.s32 $0xFFFFF000  }
.LBB2_15:
0xbe: {  	v10 =	vld [tilespmem:$0x1F8]  }
0xbf: {  	v5 =	vsub.f32 v38, v5;
	_ =	sdelay $0x1  }
0xc0: {  	v7 =	vsub.f32 v40, v7;
	v5 =	vmul.f32 v5, v5  }
0xc1: {  	v9 =	vsub.f32 v43, v9  }
0xc2: {  	v7 =	vmul.f32 v7, v7;
	v5 =	vadd.f32 v5, v36;
	(v2sf) =	vpush v10, $0x0;
	_ =	sdelay $0x1  }
0xc3: {  	v43 =	vsub.f32 v45, v39;
	v9 =	vmul.f32 v9, v9;
	v5 =	vadd.f32 v7, v5  }
0xc4: {  	(v2sf) =	vpush v10, $0x1  }
0xc5: {  	v44 =	vsub.f32 v49, v44;
	v7 =	vmul.f32 v43, v43;
	v5 =	vadd.f32 v9, v5;
	_ =	sdelay $0x1  }
0xc6: {  	v45 =	vsub.f32 v52, v41;
	v9 =	vmul.f32 v44, v44;
	v5 =	vadd.f32 v7, v5  }
0xc7: {  	(v2sf) =	vpush v10, $0x2  }
0xc8: {  	v49 =	vsub.f32 v56, v50;
	v7 =	vmul.f32 v45, v45;
	v5 =	vadd.f32 v9, v5;
	_ =	sdelay $0x1  }
0xc9: {  	v50 =	vsub.f32 v58, v48;
	v9 =	vmul.f32 v49, v49;
	v5 =	vadd.f32 v7, v5  }
0xca: {  	(v2sf) =	vpush v10, $0x3  }
0xcb: {  	v52 =	vsub.f32 v60, v57;
	v7 =	vmul.f32 v50, v50;
	v5 =	vadd.f32 v9, v5  }
0xcc: {  	s0 =	sld [smem:$0x180]  }
0xcd: {  	v56 =	vsub.f32 v61, v54;
	v9 =	vmul.f32 v52, v52;
	v5 =	vadd.f32 v7, v5  }
0xce: {  	v57 =	vsub.f32 v62, v55;
	s2 =	spop (v2sf)  }
0xcf: {  	s29 =	sld [smem:$0x181];
	s0 =	sshll.u32 s0, $0xC;
	v7 =	vmul.f32 v56, v56;
	(v2sf) =	vpush v10, $0x4;
	v5 =	vadd.f32 v9, v5;
	s2 =	sand.u32 $0x7F, s2  }
0xd0: {  	v58 =	vsub.f32 v59, v51;
	s0 =	sor.u32 s0, s2  }
0xd1: {  	v9 =	vmul.f32 v57, v57;
	s4 =	spop (v2sf);
	v5 =	vadd.f32 v7, v5;
	v11 =	vor.u32 s0, v0  }
0xd2: {  	(v2sf) =	vpush v10, $0x5;
	s30 =	sand.u32 $0x7F, s4;
	s2 =	sshll.u32 s29, $0xC;
	v12 =	vor.u32 s0, v1  }
0xd3: {  	v59 =	vsub.f32 v53, v47;
	s31 =	sld [smem:$0x182];
	v7 =	vmul.f32 v58, v58;
	s0 =	sor.u32 s30, s2;
	v5 =	vadd.f32 v9, v5  }
0xd4: {  	v62 =	vld.idx.msk [tilespmem:v20+s11+$0x0], $0xffff;
	v60 =	vor.u32 s0, v0  }
0xd5: {  	v61 =	vsub.f32 v46, v42;
	v46 =	vld.idx.msk [tilespmem:v22+s11+$0x0], $0xffff;
	s5 =	spop (v2sf);
	v9 =	vmul.f32 v59, v59;
	v5 =	vadd.f32 v7, v5  }
0xd6: {  	v8 =	vsub.f32 v37, v8;
	(v2sf) =	vpush v10, $0x6;
	s9 =	sand.u32 $0x7F, s5;
	s2 =	sshll.u32 s31, $0xC;
	v11 =	vld.idx.msk [tilespmem:v11+s14+$0x0], $0xffff  }
0xd7: {  	s10 =	sld [smem:$0x183];
	v63 =	vor.u32 s0, v1;
	s0 =	sor.u32 s9, s2;
	v7 =	vmul.f32 v61, v61;
	v5 =	vadd.f32 v9, v5;
	v42 =	vld.idx.msk [tilespmem:v12+s14+$0x0], $0xffff  }
0xd8: {  	v4 =	vsub.f32 v6, v4;
	v43 =	vor.u32 s0, v0;
	v12 =	vld.idx.msk [tilespmem:v21+s11+$0x0], $0xffff  }
0xd9: {  	v44 =	vmul.f32 v8, v8;
	s12 =	spop (v2sf);
	v45 =	vld.idx.msk [tilespmem:v60+s14+$0x0], $0xffff;
	v5 =	vadd.f32 v7, v5  }
0xda: {  	v4 =	vmul.f32 v4, v4;
	v50 =	vld.idx.msk [tilespmem:v23+s11+$0x0], $0xffff;
	(v2sf) =	vpush v10, $0x7;
	s13 =	sand.u32 $0x7F, s12;
	s2 =	sshll.u32 s10, $0xC  }
0xdb: {  	v56 =	vld.idx.msk [tilespmem:v25+s11+$0x0], $0xffff;
	v47 =	vor.u32 s0, v1;
	s0 =	sor.u32 s13, s2;
	v5 =	vadd.f32 v44, v5;
	v48 =	vsub.f32 v62, v11  }
0xdc: {  	s17 =	sld [smem:$0x184];
	v51 =	vor.u32 s0, v0;
	v49 =	vld.idx.msk [tilespmem:v63+s14+$0x0], $0xffff  }
0xdd: {  	v52 =	vld.idx.msk [tilespmem:v43+s14+$0x0], $0xffff;
	v4 =	vadd.f32 v4, v5;
	v5 =	vsub.f32 v12, v42;
	v6 =	vmul.f32 v48, v48  }
0xde: {  	v53 =	vor.u32 s0, v1;
	v12 =	vld.idx.msk [tilespmem:v24+s11+$0x0], $0xffff;
	v54 =	vsub.f32 v46, v45;
	s19 =	spop (v2sf)  }
0xdf: {  	s21 =	sld [smem:$0x185];
	v59 =	vld.idx.msk [tilespmem:v26+s11+$0x0], $0xffff;
	s2 =	sshll.u32 s17, $0xC;
	s20 =	sand.u32 $0x7F, s19;
	v5 =	vmul.f32 v5, v5;
	v4 =	vadd.f32 v6, v4  }
0xe0: {  	v55 =	vld.idx.msk [tilespmem:v47+s14+$0x0], $0xffff;
	s0 =	sor.u32 s20, s2;
	v6 =	vmul.f32 v54, v54  }
0xe1: {  	v58 =	vld.idx.msk [tilespmem:v51+s14+$0x0], $0xffff;
	s22 =	spop (v2sf);
	v57 =	vor.u32 s0, v0;
	v4 =	vadd.f32 v5, v4;
	v5 =	vsub.f32 v50, v49  }
0xe2: {  	s23 =	sand.u32 $0x7F, s22;
	s2 =	sshll.u32 s21, $0xC;
	v60 =	vor.u32 s0, v1  }
0xe3: {  	s24 =	sld [smem:$0x186];
	v62 =	vld.idx.msk [tilespmem:v53+s14+$0x0], $0xffff;
	s0 =	sor.u32 s23, s2;
	v61 =	vsub.f32 v12, v52;
	v4 =	vadd.f32 v6, v4;
	v5 =	vmul.f32 v5, v5  }
0xe4: {  	v12 =	vld.idx.msk [tilespmem:v27+s11+$0x0], $0xffff;
	v63 =	vor.u32 s0, v0  }
0xe5: {  	v41 =	vld.idx.msk [tilespmem:v28+s11+$0x0], $0xffff;
	s25 =	spop (v2sf);
	v6 =	vmul.f32 v61, v61;
	v4 =	vadd.f32 v5, v4;
	v5 =	vsub.f32 v56, v55  }
0xe6: {  	v43 =	vsub.f32 v59, v58;
	s26 =	sand.u32 $0x7F, s25;
	s2 =	sshll.u32 s24, $0xC;
	v40 =	vld.idx.msk [tilespmem:v57+s14+$0x0], $0xffff  }
0xe7: {  	s28 =	sld [smem:$0x187];
	v45 =	vld.idx.msk [tilespmem:v29+s11+$0x0], $0xffff;
	v42 =	vor.u32 s0, v1;
	s0 =	sor.u32 s26, s2;
	v4 =	vadd.f32 v6, v4;
	v5 =	vmul.f32 v5, v5  }
0xe8: {  	v46 =	vor.u32 s0, v0;
	v44 =	vld.idx.msk [tilespmem:v60+s14+$0x0], $0xffff  }
0xe9: {  	v48 =	vld.idx.msk [tilespmem:v30+s11+$0x0], $0xffff;
	s29 =	spop (v2sf);
	v6 =	vmul.f32 v43, v43;
	v4 =	vadd.f32 v5, v4;
	v5 =	vsub.f32 v12, v62  }
0xea: {  	s30 =	sand.u32 $0x7F, s29;
	s2 =	sshll.u32 s28, $0xC;
	v47 =	vld.idx.msk [tilespmem:v63+s14+$0x0], $0xffff;
	v12 =	vor.u32 s0, v1  }
0xeb: {  	v51 =	vld.idx.msk [tilespmem:v31+s11+$0x0], $0xffff;
	s0 =	sor.u32 s30, s2;
	v49 =	vsub.f32 v41, v40;
	v4 =	vadd.f32 v6, v4;
	v5 =	vmul.f32 v5, v5  }
0xec: {  	v50 =	vld.idx.msk [tilespmem:v42+s14+$0x0], $0xffff;
	v52 =	vor.u32 s0, v0  }
0xed: {  	v54 =	vld.idx.msk [tilespmem:v32+s11+$0x0], $0xffff;
	v6 =	vmul.f32 v49, v49;
	v4 =	vadd.f32 v5, v4;
	v5 =	vsub.f32 v45, v44  }
0xee: {  	v53 =	vld.idx.msk [tilespmem:v46+s14+$0x0], $0xffff;
	v55 =	vor.u32 s0, v1  }
0xef: {  	v56 =	vsub.f32 v48, v47;
	v57 =	vld.idx.msk [tilespmem:v12+s14+$0x0], $0xffff;
	v4 =	vadd.f32 v6, v4;
	v5 =	vmul.f32 v5, v5  }
0xf0: {  	v12 =	vld.idx.msk [tilespmem:v33+s11+$0x0], $0xffff  }
0xf1: {  	v59 =	vld.idx.msk [tilespmem:v34+s11+$0x0], $0xffff;
	v6 =	vmul.f32 v56, v56;
	v4 =	vadd.f32 v5, v4;
	v5 =	vsub.f32 v51, v50  }
0xf2: {  	v58 =	vld.idx.msk [tilespmem:v52+s14+$0x0], $0xffff  }
0xf3: {  	v62 =	vld.idx.msk [tilespmem:v35+s11+$0x0], $0xffff;
	v60 =	vsub.f32 v54, v53;
	v4 =	vadd.f32 v6, v4;
	v5 =	vmul.f32 v5, v5  }
0xf4: {  	v61 =	vld.idx.msk [tilespmem:v55+s14+$0x0], $0xffff  }
0xf5: {  	v6 =	vmul.f32 v60, v60;
	v4 =	vadd.f32 v5, v4;
	v5 =	vsub.f32 v12, v57;
	_ =	sdelay $0x1  }
0xf6: {  	v63 =	vsub.f32 v59, v58;
	v4 =	vadd.f32 v6, v4;
	v5 =	vmul.f32 v5, v5;
	_ =	sdelay $0x1  }
0xf7: {  	v6 =	vmul.f32 v63, v63;
	v4 =	vadd.f32 v5, v4;
	v5 =	vsub.f32 v62, v61;
	_ =	sdelay $0x1  }
0xf8: {  	v4 =	vadd.f32 v6, v4;
	v5 =	vmul.f32 v5, v5;
	_ =	sdelay $0x1  }
0xf9: {  	s18 =	sadd.s32 $0x1, s18;
	v4 =	vadd.f32 v5, v4  }
0xfa: {  	p0 =	sne.s32 s18, s7  }
.Ltmp1:
0xfb: {  	s31 =	simm.s32 $0x18280;
	[tilespmem:$0x18280] =	vst v4;
	(pc) =	sbr.rel @!p0 .LBB2_16-.Ltmp1, $4  }
0xfc: {  	[hbm4b:s6+s3] =	stream.linear.scatter [tilespmem:s31], [sflag:$0x3], $0x10, $0x38;
	[tilespmem:$0x18300] =	vst v63  }
0xfd: {  	_ =	swait.ge [sflag:s8], $0x10  }
0xfe: {  	[sflag:s8] =	ssyncset.done $0x0  }
0xff: {  	[sflag:s8] =	ssyncadd.s32 $0xFFFFFFF0  }
.LBB2_1:
0x100: {  	s0 =	rddreg [dreg:$0x3]  }
0x101: {  	[tilespmem:s3], [sflag:$0x3] =	stream.linear.gather [hbm4b:s0+s3], $0x200, $0x38;
	[tilespmem:$0x18300] =	vst v63  }
0x102: {  	_ =	swait.ge [sflag:s8], $0x200  }
0x103: {  	s2 =	simm.s32 $0x1000;
	[sflag:s8] =	ssyncset.done $0x0  }
0x104: {  	s4 =	simm.s32 $0x20000;
	s25 =	rddreg [dreg:$0x4];
	[sflag:s8] =	ssyncadd.s32 $0xFFFFFE00  }
0x105: {  	[tilespmem:s11], [sflag:$0x2] =	stream.strided.gather [hbm4b:s25+s2], $0x4000, s4, s2, $0x38;
	[tilespmem:$0x18300] =	vst v63  }
0x106: {  	v4 =	vld [tilespmem:$0x0];
	_ =	sdelay $0x4  }
0x107: {  	(v2sf) =	vpush v4, $0x0;
	_ =	sdelay $0x3  }
0x108: {  	(v2sf) =	vpush v4, $0x1;
	_ =	sdelay $0x5  }
0x109: {  	(v2sf) =	vpush v4, $0x2;
	_ =	sdelay $0x4  }
0x10a: {  	s26 =	spop (v2sf)  }
0x10b: {  	(v2sf) =	vpush v4, $0x3;
	s19 =	sand.u32 $0xFFFFF80, s26  }
0x10c: {  	s28 =	simm.s32 $0x400;
	s29 =	simm.s32 $0x7A1400;
	s19 =	sadd.s32 s1, s19  }
0x10d: {  	[tilespmem:s14], [sflag:$0x1] =	stream.strided.gather [hbm4b:s19+s28], $0x1000, s29, s28, $0x38;
	[tilespmem:$0x18300] =	vst v63  }
0x10e: {  	s19 =	spop (v2sf)  }
0x10f: {  	s0 =	sand.u32 $0xFFFFFF80, s26;
	s20 =	sand.u32 $0xFFFFFF80, s19  }
0x110: {  	p0 =	seq.s32 s20, s0  }
0x111: {  	(v2sf) =	vpush v4, $0x4;
	s0 =	sand.u32 @!p0 $0xFFFFF80, s19;
	s19 =	simm.s32 @!p0 $0x400  }
0x112: {  	s21 =	simm.s32 @!p0 $0x7A1400;
	s22 =	simm.s32 @!p0 $0x5280;
	s0 =	sadd.s32 @!p0 s1, s0  }
0x113: {  	[tilespmem:s22], [sflag:$0x1] =	stream.strided.gather @!p0 [hbm4b:s0+s19], $0x1000, s21, s19, $0x38;
	[tilespmem:$0x18300] =	vst v63  }
0x114: {  	s0 =	spop (v2sf)  }
0x115: {  	s19 =	simm.s32 @!p0 $0x2;
	s30 =	sand.u32 $0xFFFFFF80, s0  }
0x116: {  	s19 =	simm.s32 @p0 $0x1;
	p0 =	seq.s32 s30, s20  }
0x117: {  	(v2sf) =	vpush v4, $0x5;
	s22 =	sshll.u32 @!p0 s19, $0xC;
	s0 =	sand.u32 @!p0 $0xFFFFF80, s0;
	s23 =	simm.s32 @!p0 $0x400  }
0x118: {  	s24 =	simm.s32 @!p0 $0x7A1400;
	s22 =	sor.u32 @!p0 $0x4280, s22;
	s0 =	sadd.s32 @!p0 s1, s0  }
0x119: {  	[tilespmem:s22], [sflag:$0x1] =	stream.strided.gather @!p0 [hbm4b:s0+s23], $0x1000, s24, s23, $0x38;
	[tilespmem:$0x18300] =	vst v63  }
0x11a: {  	p0 =	sne.s32 s30, s20;
	s0 =	simm.s32 $0x1;
	s22 =	spop (v2sf)  }
0x11b: {  	s0 =	simm.s32 @!p0 $0x0;
	s31 =	sand.u32 $0xFFFFFF80, s22  }
0x11c: {  	s20 =	sadd.s32 s0, s19;
	p0 =	seq.s32 s31, s30  }
0x11d: {  	(v2sf) =	vpush v4, $0x6;
	s0 =	sshll.u32 @!p0 s20, $0xC;
	s22 =	sand.u32 @!p0 $0xFFFFF80, s22;
	s24 =	simm.s32 @!p0 $0x400  }
0x11e: {  	s25 =	simm.s32 @!p0 $0x7A1400;
	s0 =	sadd.s32 @!p0 $0x4280, s0;
	s22 =	sadd.s32 @!p0 s1, s22  }
0x11f: {  	[tilespmem:s0], [sflag:$0x1] =	stream.strided.gather @!p0 [hbm4b:s22+s24], $0x1000, s25, s24, $0x38;
	[tilespmem:$0x18300] =	vst v63  }
0x120: {  	p0 =	sne.s32 s31, s30;
	s0 =	simm.s32 $0x1;
	s22 =	spop (v2sf)  }
0x121: {  	s0 =	simm.s32 @!p0 $0x0;
	s2 =	sand.u32 $0xFFFFFF80, s22  }
0x122: {  	s21 =	sadd.s32 s0, s20;
	p0 =	seq.s32 s2, s31  }
0x123: {  	(v2sf) =	vpush v4, $0x7;
	s0 =	sshll.u32 @!p0 s21, $0xC;
	s22 =	sand.u32 @!p0 $0xFFFFF80, s22;
	s25 =	simm.s32 @!p0 $0x400  }
0x124: {  	s26 =	simm.s32 @!p0 $0x7A1400;
	s0 =	sadd.s32 @!p0 $0x4280, s0;
	s22 =	sadd.s32 @!p0 s1, s22  }
0x125: {  	[tilespmem:s0], [sflag:$0x1] =	stream.strided.gather @!p0 [hbm4b:s22+s25], $0x1000, s26, s25, $0x38;
	[tilespmem:$0x18300] =	vst v63  }
0x126: {  	p0 =	sne.s32 s2, s31;
	s0 =	simm.s32 $0x1;
	s22 =	spop (v2sf)  }
0x127: {  	s0 =	simm.s32 @!p0 $0x0;
	s4 =	sand.u32 $0xFFFFFF80, s22  }
0x128: {  	s23 =	sadd.s32 s0, s21;
	p0 =	seq.s32 s4, s2  }
0x129: {  	s0 =	sshll.u32 @!p0 s23, $0xC;
	s22 =	sand.u32 @!p0 $0xFFFFF80, s22;
	s25 =	simm.s32 @!p0 $0x400  }
0x12a: {  	s28 =	simm.s32 @!p0 $0x7A1400;
	s0 =	sadd.s32 @!p0 $0x4280, s0;
	s22 =	sadd.s32 @!p0 s1, s22  }
0x12b: {  	[tilespmem:s0], [sflag:$0x1] =	stream.strided.gather @!p0 [hbm4b:s22+s25], $0x1000, s28, s25, $0x38;
	[tilespmem:$0x18300] =	vst v63  }
0x12c: {  	p0 =	sne.s32 s4, s2;
	s0 =	simm.s32 $0x1;
	s22 =	spop (v2sf)  }
0x12d: {  	s0 =	simm.s32 @!p0 $0x0;
	s5 =	sand.u32 $0xFFFFFF80, s22  }
0x12e: {  	s25 =	sadd.s32 s0, s23;
	p0 =	seq.s32 s5, s4  }
0x12f: {  	s0 =	sshll.u32 @!p0 s25, $0xC;
	s22 =	sand.u32 @!p0 $0xFFFFF80, s22;
	s28 =	simm.s32 @!p0 $0x400  }
0x130: {  	s29 =	simm.s32 @!p0 $0x7A1400;
	s0 =	sadd.s32 @!p0 $0x4280, s0;
	s22 =	sadd.s32 @!p0 s1, s22  }
0x131: {  	[tilespmem:s0], [sflag:$0x1] =	stream.strided.gather @!p0 [hbm4b:s22+s28], $0x1000, s29, s28, $0x38;
	[tilespmem:$0x18300] =	vst v63  }
0x132: {  	p0 =	sne.s32 s5, s4;
	s0 =	simm.s32 $0x1;
	s22 =	spop (v2sf)  }
0x133: {  	s0 =	simm.s32 @!p0 $0x0;
	s9 =	sand.u32 $0xFFFFFF80, s22  }
0x134: {  	s26 =	sadd.s32 s0, s25;
	p0 =	seq.s32 s9, s5  }
0x135: {  	s0 =	sshll.u32 @!p0 s26, $0xC;
	s22 =	sand.u32 @!p0 $0xFFFFF80, s22;
	s29 =	simm.s32 @!p0 $0x400  }
0x136: {  	s30 =	simm.s32 @!p0 $0x7A1400;
	s0 =	sadd.s32 @!p0 $0x4280, s0;
	s22 =	sadd.s32 @!p0 s1, s22  }
0x137: {  	[tilespmem:s0], [sflag:$0x1] =	stream.strided.gather @!p0 [hbm4b:s22+s29], $0x1000, s30, s29, $0x38;
	[tilespmem:$0x18300] =	vst v63  }
0x138: {  	v4 =	vld [tilespmem:$0x8];
	_ =	sdelay $0x4  }
0x139: {  	(v2sf) =	vpush v4, $0x0;
	_ =	sdelay $0x5  }
0x13a: {  	(v2sf) =	vpush v4, $0x1;
	_ =	sdelay $0x5  }
0x13b: {  	(v2sf) =	vpush v4, $0x2;
	_ =	sdelay $0x2  }
0x13c: {  	p0 =	sne.s32 s9, s5;
	s0 =	simm.s32 $0x1;
	s22 =	spop (v2sf)  }
0x13d: {  	s0 =	simm.s32 @!p0 $0x0;
	s10 =	sand.u32 $0xFFFFFF80, s22  }
0x13e: {  	s24 =	sadd.s32 s0, s26;
	p0 =	seq.s32 s10, s9  }
0x13f: {  	(v2sf) =	vpush v4, $0x3;
	s0 =	sshll.u32 @!p0 s24, $0xC;
	s22 =	sand.u32 @!p0 $0xFFFFF80, s22;
	s30 =	simm.s32 @!p0 $0x400  }
0x140: {  	s31 =	simm.s32 @!p0 $0x7A1400;
	s0 =	sadd.s32 @!p0 $0x4280, s0;
	s22 =	sadd.s32 @!p0 s1, s22  }
0x141: {  	[tilespmem:s0], [sflag:$0x1] =	stream.strided.gather @!p0 [hbm4b:s22+s30], $0x1000, s31, s30, $0x38;
	[tilespmem:$0x18300] =	vst v63  }
0x142: {  	p0 =	sne.s32 s10, s9;
	s0 =	simm.s32 $0x1;
	s22 =	spop (v2sf)  }
0x143: {  	s0 =	simm.s32 @!p0 $0x0;
	s12 =	sand.u32 $0xFFFFFF80, s22  }
0x144: {  	s28 =	sadd.s32 s0, s24;
	p0 =	seq.s32 s12, s10  }
0x145: {  	(v2sf) =	vpush v4, $0x4;
	s0 =	sshll.u32 @!p0 s28, $0xC;
	s22 =	sand.u32 @!p0 $0xFFFFF80, s22;
	s31 =	simm.s32 @!p0 $0x400  }
0x146: {  	s2 =	simm.s32 @!p0 $0x7A1400;
	s0 =	sadd.s32 @!p0 $0x4280, s0;
	s22 =	sadd.s32 @!p0 s1, s22  }
0x147: {  	[tilespmem:s0], [sflag:$0x1] =	stream.strided.gather @!p0 [hbm4b:s22+s31], $0x1000, s2, s31, $0x38;
	[tilespmem:$0x18300] =	vst v63  }
0x148: {  	p0 =	sne.s32 s12, s10;
	s0 =	simm.s32 $0x1;
	s2 =	spop (v2sf)  }
0x149: {  	s0 =	simm.s32 @!p0 $0x0;
	s13 =	sand.u32 $0xFFFFFF80, s2  }
0x14a: {  	s29 =	sadd.s32 s0, s28;
	p0 =	seq.s32 s13, s12  }
0x14b: {  	(v2sf) =	vpush v4, $0x5;
	s0 =	sshll.u32 @!p0 s29, $0xC;
	s2 =	sand.u32 @!p0 $0xFFFFF80, s2;
	s31 =	simm.s32 @!p0 $0x400  }
0x14c: {  	s9 =	simm.s32 @!p0 $0x7A1400;
	s0 =	sadd.s32 @!p0 $0x4280, s0;
	s2 =	sadd.s32 @!p0 s1, s2  }
0x14d: {  	[tilespmem:s0], [sflag:$0x1] =	stream.strided.gather @!p0 [hbm4b:s2+s31], $0x1000, s9, s31, $0x38;
	[tilespmem:$0x18300] =	vst v63  }
0x14e: {  	p0 =	sne.s32 s13, s12;
	s0 =	simm.s32 $0x1;
	s2 =	spop (v2sf)  }
0x14f: {  	s0 =	simm.s32 @!p0 $0x0;
	s17 =	sand.u32 $0xFFFFFF80, s2  }
0x150: {  	s30 =	sadd.s32 s0, s29;
	p0 =	seq.s32 s17, s13  }
0x151: {  	(v2sf) =	vpush v4, $0x6;
	s0 =	sshll.u32 @!p0 s30, $0xC;
	s2 =	sand.u32 @!p0 $0xFFFFF80, s2;
	s31 =	simm.s32 @!p0 $0x400  }
0x152: {  	s10 =	simm.s32 @!p0 $0x7A1400;
	s0 =	sadd.s32 @!p0 $0x4280, s0;
	s2 =	sadd.s32 @!p0 s1, s2  }
0x153: {  	[tilespmem:s0], [sflag:$0x1] =	stream.strided.gather @!p0 [hbm4b:s2+s31], $0x1000, s10, s31, $0x38;
	[tilespmem:$0x18300] =	vst v63  }
0x154: {  	p0 =	sne.s32 s17, s13;
	s0 =	simm.s32 $0x1;
	s2 =	spop (v2sf)  }
0x155: {  	s0 =	simm.s32 @!p0 $0x0;
	s4 =	sand.u32 $0xFFFFFF80, s2  }
0x156: {  	s0 =	sadd.s32 s0, s30;
	p0 =	seq.s32 s4, s17  }
0x157: {  	(v2sf) =	vpush v4, $0x7;
	s22 =	sshll.u32 @!p0 s0, $0xC;
	s2 =	sand.u32 @!p0 $0xFFFFF80, s2;
	s31 =	simm.s32 @!p0 $0x400  }
0x158: {  	s12 =	simm.s32 @!p0 $0x7A1400;
	s22 =	sadd.s32 @!p0 $0x4280, s22;
	s2 =	sadd.s32 @!p0 s1, s2  }
0x159: {  	[tilespmem:s22], [sflag:$0x1] =	stream.strided.gather @!p0 [hbm4b:s2+s31], $0x1000, s12, s31, $0x38;
	[tilespmem:$0x18300] =	vst v63  }
0x15a: {  	s9 =	simm.s32 $0x1;
	s2 =	spop (v2sf);
	p0 =	sne.s32 s4, s17  }
0x15b: {  	s9 =	simm.s32 @!p0 $0x0;
	s5 =	sand.u32 $0xFFFFFF80, s2  }
0x15c: {  	s9 =	sadd.s32 s9, s0;
	p0 =	seq.s32 s5, s4  }
0x15d: {  	s22 =	sshll.u32 @!p0 s9, $0xC;
	s2 =	sand.u32 @!p0 $0xFFFFF80, s2;
	s31 =	simm.s32 @!p0 $0x400  }
0x15e: {  	s13 =	simm.s32 @!p0 $0x7A1400;
	s22 =	sadd.s32 @!p0 $0x4280, s22;
	s2 =	sadd.s32 @!p0 s1, s2  }
0x15f: {  	[tilespmem:s22], [sflag:$0x1] =	stream.strided.gather @!p0 [hbm4b:s2+s31], $0x1000, s13, s31, $0x38;
	[tilespmem:$0x18300] =	vst v63  }
0x160: {  	s10 =	simm.s32 $0x1;
	s2 =	spop (v2sf);
	p0 =	sne.s32 s5, s4  }
0x161: {  	s10 =	simm.s32 @!p0 $0x0;
	s13 =	sand.u32 $0xFFFFFF80, s2  }
0x162: {  	s10 =	sadd.s32 s10, s9;
	p0 =	seq.s32 s13, s5  }
0x163: {  	s22 =	sshll.u32 @!p0 s10, $0xC;
	s2 =	sand.u32 @!p0 $0xFFFFF80, s2;
	s31 =	simm.s32 @!p0 $0x400  }
0x164: {  	s17 =	simm.s32 @!p0 $0x7A1400;
	s22 =	sadd.s32 @!p0 $0x4280, s22;
	s2 =	sadd.s32 @!p0 s1, s2  }
0x165: {  	[tilespmem:s22], [sflag:$0x1] =	stream.strided.gather @!p0 [hbm4b:s2+s31], $0x1000, s17, s31, $0x38;
	[tilespmem:$0x18300] =	vst v63  }
0x166: {  	p0 =	sne.s32 s13, s5;
	s2 =	simm.s32 $0x1;
	s12 =	spop (v2sf)  }
0x167: {  	s2 =	simm.s32 @!p0 $0x0;
	s22 =	sand.u32 $0xFFFFFF80, s12  }
0x168: {  	s2 =	sadd.s32 s2, s10;
	p0 =	seq.s32 s22, s13  }
0x169: {  	s17 =	sshll.u32 @!p0 s2, $0xC;
	s12 =	sand.u32 @!p0 $0xFFFFF80, s12;
	s31 =	simm.s32 @!p0 $0x400  }
0x16a: {  	s4 =	simm.s32 @!p0 $0x7A1400;
	s17 =	sadd.s32 @!p0 $0x4280, s17;
	s12 =	sadd.s32 @!p0 s1, s12  }
0x16b: {  	[tilespmem:s17], [sflag:$0x1] =	stream.strided.gather @!p0 [hbm4b:s12+s31], $0x1000, s4, s31, $0x38;
	[tilespmem:$0x18300] =	vst v63  }
0x16c: {  	[smem:$0x0] =	sst s3;
	s31 =	sadd.s32 $0xFFFFFFFF, s19  }
0x16d: {  	s17 =	sadd.s32 $0xFFFFFFFF, s23;
	s23 =	sadd.s32 $0xFFFFFFFF, s28;
	[smem:$0x1] =	sst s31  }
0x16e: {  	s5 =	sadd.s32 $0xFFFFFFFF, s20;
	[smem:$0x80] =	sst s23  }
0x16f: {  	s19 =	sadd.s32 $0xFFFFFFFF, s25;
	s25 =	sadd.s32 $0xFFFFFFFF, s29;
	[smem:$0x2] =	sst s5  }
0x170: {  	s12 =	sadd.s32 $0xFFFFFFFF, s21;
	[smem:$0x81] =	sst s25  }
0x171: {  	s20 =	sadd.s32 $0xFFFFFFFF, s26;
	s26 =	sadd.s32 $0xFFFFFFFF, s30;
	[smem:$0x3] =	sst s12  }
0x172: {  	[smem:$0x82] =	sst s26  }
0x173: {  	s0 =	sadd.s32 $0xFFFFFFFF, s0;
	[smem:$0x4] =	sst s17  }
0x174: {  	[smem:$0x83] =	sst s0  }
0x175: {  	s28 =	sadd.s32 $0xFFFFFFFF, s9;
	[smem:$0x5] =	sst s19  }
0x176: {  	p0 =	sne.s32 s22, s13;
	[smem:$0x84] =	sst s28  }
0x177: {  	s4 =	simm.s32 $0x1;
	s29 =	sadd.s32 $0xFFFFFFFF, s10;
	[smem:$0x6] =	sst s20  }
0x178: {  	s21 =	sadd.s32 $0xFFFFFFFF, s24;
	s4 =	simm.s32 @!p0 $0x0;
	[smem:$0x85] =	sst s29  }
0x179: {  	s30 =	sadd.s32 $0xFFFFFFFF, s2;
	s19 =	sadd.s32 s4, s2;
	[smem:$0x7] =	sst s21  }
.Ltmp2:
0x17a: {  	s31 =	sadd.s32 $0xFFFFFFFF, s19;
	[smem:$0x86] =	sst s30;
	(pc) =	sbr.rel .LBB2_2-.Ltmp2, $4  }
0x17b: {  	[smem:$0x87] =	sst s31  }
0x17c: {  	_ =	swait.ge [sflag:s16], $0x4000  }
0x17d: {  	[sflag:s16] =	ssyncset.done $0x0  }
0x17e: {  	v36 =	vimm.f32 $0.0e+00;
	s23 =	ssub.s32 s19, s24;
	s21 =	simm.s32 $0x0;
	[sflag:s16] =	ssyncadd.s32 $0xFFFFC000  }
.LBB2_5:
0x17f: {  	[sflag:s15] =	ssyncadd.s32 $0xFFFFF000  }
.LBB2_6:
0x180: {  	s24 =	sshll.u32 s21, $0x3  }
0x181: {  	v4 =	vld [tilespmem:s24+$0x0];
	_ =	sdelay $0x4  }
0x182: {  	(v2sf) =	vpush v4, $0x0;
	_ =	sdelay $0x2  }
0x183: {  	(v2sf) =	vpush v4, $0x1;
	_ =	sdelay $0x3  }
0x184: {  	(v2sf) =	vpush v4, $0x2;
	_ =	sdelay $0x3  }
0x185: {  	s0 =	sshll.u32 s21, $0x7;
	v5 =	vmov s24  }
0x186: {  	s28 =	sor.u32 $0x1, s24;
	s31 =	sor.u32 $0x2, s24;
	s10 =	sor.u32 $0x3, s24;
	v7 =	vshll.u32 v5, $0x3;
	v5 =	vand.u32 $0x78, v5;
	(v2sf) =	vpush v4, $0x3  }
0x187: {  	s25 =	sand.u32 $0x180, s0;
	v9 =	vmov s28;
	v39 =	vmov s31;
	v40 =	vmov s10  }
0x188: {  	s23 =	sadd.s32 $0x2, s21;
	s0 =	sld [smem:s25+$0x0];
	v7 =	vand.u32 $0xC00, v7;
	v37 =	vshll.u32 v9, $0x3;
	v9 =	vand.u32 $0x79, v9  }
0x189: {  	s9 =	sshll.u32 s23, $0x3;
	s4 =	sor.u32 $0x1, s25;
	v58 =	vshll.u32 v39, $0x3;
	v37 =	vand.u32 $0xC00, v37;
	s2 =	spop (v2sf);
	(v2sf) =	vpush v4, $0x4  }
0x18a: {  	s13 =	sand.u32 $0x3FFFFFF8, s9;
	s12 =	sld [smem:s4+$0x0];
	v39 =	vand.u32 $0x7A, v39;
	v5 =	vor.u32 v5, v7;
	v9 =	vor.u32 v9, v37  }
0x18b: {  	v63 =	vld [tilespmem:s13+$0x0];
	v61 =	vshll.u32 v40, $0x3;
	s0 =	sshll.u32 s0, $0xC;
	v7 =	vor.u32 v2, v5;
	v56 =	vor.u32 v2, v9;
	s2 =	sand.u32 $0x7F, s2  }
0x18c: {  	v57 =	vor.u32 v3, v9;
	v9 =	vand.u32 $0xC00, v58;
	s17 =	spop (v2sf);
	(v2sf) =	vpush v4, $0x5;
	s0 =	sor.u32 s0, s2  }
0x18d: {  	s29 =	sor.u32 $0x2, s25;
	v9 =	vor.u32 v39, v9;
	s26 =	sand.u32 $0x7F, s17;
	s2 =	sshll.u32 s12, $0xC;
	(v2sf) =	vpush v4, $0x6;
	v6 =	vor.u32 s0, v0  }
0x18e: {  	v8 =	vor.u32 s0, v1;
	s0 =	sor.u32 s26, s2;
	(v2sf) =	vpush v4, $0x7;
	v4 =	vor.u32 v3, v5;
	s2 =	sld [smem:s29+$0x0]  }
0x18f: {  	v40 =	vand.u32 $0x7B, v40;
	v59 =	vor.u32 v2, v9;
	v5 =	vor.u32 s0, v0  }
0x190: {  	v60 =	vor.u32 v3, v9;
	v9 =	vand.u32 $0xC00, v61;
	v45 =	vld.idx.msk [tilespmem:v7+s11+$0x0], $0xffff;
	s30 =	spop (v2sf);
	(v2sf) =	vpush v63, $0x0  }
0x191: {  	v9 =	vor.u32 v40, v9;
	v48 =	vld.idx.msk [tilespmem:v56+s11+$0x0], $0xffff;
	s4 =	sand.u32 $0x7F, s30;
	s2 =	sshll.u32 s2, $0xC  }
0x192: {  	s5 =	sor.u32 $0x3, s25;
	v46 =	vld.idx.msk [tilespmem:v57+s11+$0x0], $0xffff;
	v56 =	vor.u32 v3, v9;
	v55 =	vor.u32 s0, v1;
	s0 =	sor.u32 s4, s2  }
0x193: {  	s2 =	sld [smem:s5+$0x0];
	v43 =	vld.idx.msk [tilespmem:v4+s11+$0x0], $0xffff;
	v4 =	vor.u32 s0, v0  }
0x194: {  	v41 =	vld.idx.msk [tilespmem:v5+s14+$0x0], $0xffff;
	v5 =	vor.u32 s0, v1  }
0x195: {  	s13 =	sor.u32 $0x4, s25;
	v52 =	vld.idx.msk [tilespmem:v59+s11+$0x0], $0xffff;
	s9 =	spop (v2sf)  }
0x196: {  	v51 =	vld.idx.msk [tilespmem:v60+s11+$0x0], $0xffff;
	s4 =	sand.u32 $0x7F, s9;
	s12 =	sshll.u32 s2, $0xC;
	s2 =	sld [smem:s13+$0x0]  }
0x197: {  	v54 =	vld.idx.msk [tilespmem:v56+s11+$0x0], $0xffff;
	s0 =	sor.u32 s4, s12  }
0x198: {  	s26 =	sor.u32 $0x4, s24;
	s29 =	sor.u32 $0x5, s25;
	v42 =	vld.idx.msk [tilespmem:v4+s14+$0x0], $0xffff;
	v4 =	vor.u32 s0, v1;
	s17 =	spop (v2sf)  }
0x199: {  	v44 =	vmov s26;
	s28 =	sshll.u32 s2, $0xC;
	s2 =	sld [smem:s29+$0x0];
	v40 =	vld.idx.msk [tilespmem:v5+s14+$0x0], $0xffff;
	v5 =	vor.u32 v2, v9;
	s4 =	sand.u32 $0x7F, s17  }
0x19a: {  	v58 =	vshll.u32 v44, $0x3;
	v44 =	vand.u32 $0x7C, v44;
	v38 =	vld.idx.msk [tilespmem:v6+s14+$0x0], $0xffff;
	v62 =	vor.u32 s0, v0;
	s0 =	sor.u32 s4, s28  }
0x19b: {  	s5 =	sor.u32 $0x5, s24;
	v37 =	vld.idx.msk [tilespmem:v8+s14+$0x0], $0xffff;
	v9 =	vand.u32 $0xC00, v58;
	(v2sf) =	vpush v63, $0x1;
	v8 =	vor.u32 s0, v0  }
0x19c: {  	s10 =	sor.u32 $0x6, s25;
	v49 =	vmov s5;
	v39 =	vld.idx.msk [tilespmem:v55+s14+$0x0], $0xffff;
	v9 =	vor.u32 v44, v9;
	s30 =	spop (v2sf);
	s13 =	sshll.u32 s2, $0xC;
	v59 =	vor.u32 s0, v1  }
0x19d: {  	v57 =	vshll.u32 v49, $0x3;
	s17 =	sld [smem:s10+$0x0];
	s31 =	spop (v2sf);
	s9 =	sand.u32 $0x7F, s30;
	v44 =	vld.idx.msk [tilespmem:v4+s14+$0x0], $0xffff;
	v4 =	vor.u32 v2, v9  }
0x19e: {  	v58 =	vand.u32 $0x7D, v49;
	s12 =	spop (v2sf);
	s0 =	sor.u32 s9, s13;
	v60 =	vld.idx.msk [tilespmem:v5+s11+$0x0], $0xffff;
	v5 =	vor.u32 v3, v9;
	v9 =	vand.u32 $0xC00, v57  }
0x19f: {  	s24 =	sor.u32 $0x6, s24;
	v47 =	vld.idx.msk [tilespmem:v62+s14+$0x0], $0xffff;
	s9 =	spop (v2sf);
	v50 =	vor.u32 s0, v0;
	v9 =	vor.u32 v58, v9  }
0x1a0: {  	s4 =	sand.u32 $0x7F, s31;
	s2 =	sshll.u32 s17, $0xC;
	s26 =	sand.u32 $0xFFFFFF80, s9;
	v7 =	vor.u32 v2, v9;
	v53 =	vld.idx.msk [tilespmem:v8+s14+$0x0], $0xffff  }
0x1a1: {  	s25 =	sor.u32 $0x7, s25;
	v55 =	vmov s24;
	s2 =	sor.u32 s4, s2;
	p0 =	seq.s32 s26, s22;
	v8 =	vor.u32 s0, v1;
	v49 =	vld.idx.msk [tilespmem:v59+s14+$0x0], $0xffff  }
0x1a2: {  	(v2sf) =	vpush v63, $0x2;
	s10 =	smulhi.u32 @!p0 $0x66666667, s19;
	s13 =	sshra.s32 @!p0 s19, $0x1F;
	v6 =	vld.idx.msk [tilespmem:v4+s11+$0x0], $0xffff;
	v4 =	vor.u32 v3, v9;
	v59 =	vshll.u32 v55, $0x3;
	s0 =	sld [smem:s25+$0x0]  }
0x1a3: {  	s4 =	smul.u32 @!p0 $0x66666667, s13;
	v55 =	vand.u32 $0x7E, v55;
	v61 =	vld.idx.msk [tilespmem:v5+s11+$0x0], $0xffff;
	v5 =	vor.u32 s2, v0;
	v9 =	vand.u32 $0xC00, v59  }
0x1a4: {  	s29 =	sshllo.u32 s21, $0x3;
	v58 =	vld.idx.msk [tilespmem:v50+s14+$0x0], $0xffff;
	v50 =	vor.u32 s2, v1;
	v56 =	vor.u32 v55, v9  }
0x1a5: {  	s28 =	sand.u32 $0x7F, s12;
	v57 =	vmov s29;
	s4 =	sadd.s32 @!p0 s4, s10;
	s0 =	sshll.u32 s0, $0xC;
	v9 =	vld.idx.msk [tilespmem:v7+s11+$0x0], $0xffff;
	v59 =	vor.u32 v3, v56  }
0x1a6: {  	v62 =	vshll.u32 v57, $0x3;
	s10 =	sshrl.u32 @!p0 s4, $0x1F;
	s4 =	sshrl.u32 @!p0 s4, $0x3;
	s0 =	sor.u32 s28, s0;
	v55 =	vld.idx.msk [tilespmem:v8+s14+$0x0], $0xffff;
	v8 =	vor.u32 v2, v56  }
0x1a7: {  	s2 =	sadd.s32 @!p0 s10, s4;
	v7 =	vld.idx.msk [tilespmem:v4+s11+$0x0], $0xffff;
	v10 =	vor.u32 s0, v0;
	v4 =	vand.u32 $0x7F, v57;
	v56 =	vand.u32 $0xC00, v62  }
0x1a8: {  	p1 =	sne.s32 s26, s22;
	s4 =	simm.s32 $0x1;
	s2 =	smul.u32 @!p0 $0x14, s2;
	v62 =	vld.idx.msk [tilespmem:v5+s14+$0x0], $0xffff;
	v5 =	vor.u32 s0, v1;
	v4 =	vor.u32 v4, v56  }
0x1a9: {  	s4 =	simm.s32 @!p1 $0x0;
	v56 =	vld.idx.msk [tilespmem:v50+s14+$0x0], $0xffff;
	v11 =	vor.u32 v2, v4  }
0x1aa: {  	s0 =	ssub.s32 @!p0 s19, s2;
	v12 =	vor.u32 v3, v4;
	s2 =	sand.u32 @!p0 $0xFFFFF80, s9;
	s9 =	spop (v2sf);
	v4 =	vld.idx.msk [tilespmem:v59+s11+$0x0], $0xffff  }
0x1ab: {  	s17 =	simm.s32 @!p0 $0x7A1400;
	s22 =	sadd.s32 s4, s19;
	s30 =	sand.u32 $0xFFFFFF80, s9;
	v8 =	vld.idx.msk [tilespmem:v8+s11+$0x0], $0xffff  }
0x1ac: {  	s4 =	simm.s32 @!p0 $0x400;
	s0 =	sshll.u32 @!p0 s0, $0xE;
	p1 =	seq.s32 s30, s26;
	v57 =	vld.idx.msk [tilespmem:v10+s14+$0x0], $0xffff  }
0x1ad: {  	(v2sf) =	vpush v63, $0x3;
	s0 =	sshra.s32 @!p0 s0, $0x2;
	s12 =	smulhi.u32 @!p1 $0x66666667, s22;
	s13 =	sshra.s32 @!p1 s22, $0x1F;
	v50 =	vld.idx.msk [tilespmem:v5+s14+$0x0], $0xffff  }
0x1ae: {  	s2 =	sadd.s32 @!p0 s1, s2;
	s0 =	sadd.s32 @!p0 $0x4280, s0;
	s13 =	smul.u32 @!p1 $0x66666667, s13;
	v5 =	vld.idx.msk [tilespmem:v11+s11+$0x0], $0xffff  }
0x1af: {  	v59 =	vld.idx.msk [tilespmem:v12+s11+$0x0], $0xffff;
	[tilespmem:s0], [sflag:$0x1] =	stream.strided.gather @!p0 [hbm4b:s2+s4], $0x1000, s17, s4, $0x38  }
0x1b0: {  	p0 =	sne.s32 s30, s26;
	s4 =	simm.s32 $0x1;
	s0 =	sadd.s32 @!p1 s13, s12  }
0x1b1: {  	s12 =	spop (v2sf);
	s2 =	sshrl.u32 @!p1 s0, $0x1F;
	s0 =	sshrl.u32 @!p1 s0, $0x3  }
0x1b2: {  	s4 =	simm.s32 @!p0 $0x0;
	s31 =	sand.u32 $0xFFFFFF80, s12;
	s0 =	sadd.s32 @!p1 s2, s0  }
0x1b3: {  	s25 =	sadd.s32 s4, s22;
	p0 =	seq.s32 s31, s30;
	s0 =	smul.u32 @!p1 $0x14, s0  }
0x1b4: {  	s4 =	smulhi.u32 @!p0 $0x66666667, s25;
	s13 =	sshra.s32 @!p0 s25, $0x1F  }
0x1b5: {  	(v2sf) =	vpush v63, $0x4;
	s13 =	smul.u32 @!p0 $0x66666667, s13  }
0x1b6: {  	s9 =	sand.u32 @!p1 $0xFFFFF80, s9  }
0x1b7: {  	s9 =	sadd.s32 @!p1 s1, s9;
	s0 =	ssub.s32 @!p1 s22, s0;
	s4 =	sadd.s32 @!p0 s13, s4  }
0x1b8: {  	s0 =	sshll.u32 @!p1 s0, $0xE;
	s13 =	sshrl.u32 @!p0 s4, $0x1F;
	s4 =	sshrl.u32 @!p0 s4, $0x3  }
0x1b9: {  	s17 =	simm.s32 @!p1 $0x7A1400;
	s0 =	sshra.s32 @!p1 s0, $0x2;
	s4 =	sadd.s32 @!p0 s13, s4  }
0x1ba: {  	s0 =	sadd.s32 @!p1 $0x4280, s0;
	s13 =	simm.s32 @!p1 $0x400;
	s4 =	smul.u32 @!p0 $0x14, s4  }
0x1bb: {  	[tilespmem:s0], [sflag:$0x1] =	stream.strided.gather @!p1 [hbm4b:s9+s13], $0x1000, s17, s13, $0x38;
	[tilespmem:$0x18300] =	vst v63  }
0x1bc: {  	p1 =	sne.s32 s31, s30;
	s9 =	simm.s32 $0x1;
	s10 =	spop (v2sf)  }
0x1bd: {  	s24 =	simm.s32 @!p0 $0x7A1400;
	s9 =	simm.s32 @!p1 $0x0;
	s5 =	sand.u32 $0xFFFFFF80, s10  }
0x1be: {  	s0 =	ssub.s32 @!p0 s25, s4;
	s4 =	sand.u32 @!p0 $0xFFFFF80, s12;
	s26 =	sadd.s32 s9, s25  }
0x1bf: {  	p1 =	seq.s32 s5, s31;
	s9 =	simm.s32 @!p0 $0x400;
	s0 =	sshll.u32 @!p0 s0, $0xE  }
0x1c0: {  	(v2sf) =	vpush v63, $0x5;
	s13 =	smulhi.u32 @!p1 $0x66666667, s26;
	s17 =	sshra.s32 @!p1 s26, $0x1F;
	s0 =	sshra.s32 @!p0 s0, $0x2  }
0x1c1: {  	s4 =	sadd.s32 @!p0 s1, s4;
	s17 =	smul.u32 @!p1 $0x66666667, s17;
	s0 =	sadd.s32 @!p0 $0x4280, s0  }
0x1c2: {  	[tilespmem:s0], [sflag:$0x1] =	stream.strided.gather @!p0 [hbm4b:s4+s9], $0x1000, s24, s9, $0x38;
	[tilespmem:$0x18300] =	vst v63  }
0x1c3: {  	s2 =	simm.s32 $0x1;
	s0 =	sadd.s32 @!p1 s17, s13;
	p0 =	sne.s32 s5, s31  }
0x1c4: {  	s9 =	spop (v2sf);
	s4 =	sshrl.u32 @!p1 s0, $0x1F;
	s0 =	sshrl.u32 @!p1 s0, $0x3  }
0x1c5: {  	s2 =	simm.s32 @!p0 $0x0;
	s28 =	sand.u32 $0xFFFFFF80, s9;
	s0 =	sadd.s32 @!p1 s4, s0  }
0x1c6: {  	s29 =	sadd.s32 s2, s26;
	p0 =	seq.s32 s28, s5;
	s0 =	smul.u32 @!p1 $0x14, s0  }
0x1c7: {  	(v2sf) =	vpush v63, $0x6;
	s2 =	smulhi.u32 @!p0 $0x66666667, s29;
	s13 =	sshra.s32 @!p0 s29, $0x1F  }
0x1c8: {  	s10 =	sand.u32 @!p1 $0xFFFFF80, s10;
	s13 =	smul.u32 @!p0 $0x66666667, s13  }
0x1c9: {  	s10 =	sadd.s32 @!p1 s1, s10;
	s17 =	simm.s32 @!p1 $0x7A1400;
	s9 =	sand.u32 @!p0 $0xFFFFF80, s9  }
0x1ca: {  	s24 =	simm.s32 @!p0 $0x7A1400;
	s0 =	ssub.s32 @!p1 s26, s0;
	s2 =	sadd.s32 @!p0 s13, s2  }
0x1cb: {  	s0 =	sshll.u32 @!p1 s0, $0xE;
	s13 =	sshrl.u32 @!p0 s2, $0x1F;
	s2 =	sshrl.u32 @!p0 s2, $0x3  }
0x1cc: {  	s9 =	sadd.s32 @!p0 s1, s9;
	s0 =	sshra.s32 @!p1 s0, $0x2;
	s2 =	sadd.s32 @!p0 s13, s2  }
0x1cd: {  	s0 =	sadd.s32 @!p1 $0x4280, s0;
	s13 =	simm.s32 @!p1 $0x400;
	s2 =	smul.u32 @!p0 $0x14, s2  }
0x1ce: {  	[tilespmem:s0], [sflag:$0x1] =	stream.strided.gather @!p1 [hbm4b:s10+s13], $0x1000, s17, s13, $0x38;
	[tilespmem:$0x18300] =	vst v63  }
0x1cf: {  	s0 =	spop (v2sf);
	p1 =	sne.s32 s28, s5;
	s10 =	simm.s32 $0x1  }
0x1d0: {  	s10 =	simm.s32 @!p1 $0x0;
	s31 =	sand.u32 $0xFFFFFF80, s0;
	s2 =	ssub.s32 @!p0 s29, s2  }
0x1d1: {  	s30 =	sadd.s32 s10, s29;
	p1 =	seq.s32 s31, s28;
	s2 =	sshll.u32 @!p0 s2, $0xE  }
0x1d2: {  	s13 =	smulhi.u32 @!p1 $0x66666667, s30;
	s17 =	sshra.s32 @!p1 s30, $0x1F;
	s2 =	sshra.s32 @!p0 s2, $0x2  }
0x1d3: {  	s10 =	simm.s32 @!p0 $0x400;
	s17 =	smul.u32 @!p1 $0x66666667, s17;
	s2 =	sadd.s32 @!p0 $0x4280, s2  }
0x1d4: {  	[tilespmem:s2], [sflag:$0x1] =	stream.strided.gather @!p0 [hbm4b:s9+s10], $0x1000, s24, s10, $0x38;
	[tilespmem:$0x18300] =	vst v63  }
0x1d5: {  	s4 =	simm.s32 $0x1;
	s2 =	sadd.s32 @!p1 s17, s13;
	p0 =	sne.s32 s31, s28  }
0x1d6: {  	s10 =	spop (v2sf);
	s9 =	sshrl.u32 @!p1 s2, $0x1F;
	s2 =	sshrl.u32 @!p1 s2, $0x3  }
0x1d7: {  	(v2sf) =	vpush v63, $0x7;
	s4 =	simm.s32 @!p0 $0x0;
	s24 =	sand.u32 $0xFFFFFF80, s10;
	s2 =	sadd.s32 @!p1 s9, s2  }
0x1d8: {  	s28 =	sadd.s32 s4, s30;
	p0 =	seq.s32 s24, s31;
	s2 =	smul.u32 @!p1 $0x14, s2  }
0x1d9: {  	s4 =	smulhi.u32 @!p0 $0x66666667, s28;
	s9 =	sshra.s32 @!p0 s28, $0x1F  }
0x1da: {  	s9 =	smul.u32 @!p0 $0x66666667, s9  }
0x1db: {  	s0 =	sand.u32 @!p1 $0xFFFFF80, s0  }
0x1dc: {  	s0 =	sadd.s32 @!p1 s1, s0;
	s2 =	ssub.s32 @!p1 s30, s2;
	s4 =	sadd.s32 @!p0 s9, s4  }
0x1dd: {  	s2 =	sshll.u32 @!p1 s2, $0xE;
	s9 =	sshrl.u32 @!p0 s4, $0x1F;
	s4 =	sshrl.u32 @!p0 s4, $0x3  }
0x1de: {  	s13 =	simm.s32 @!p1 $0x7A1400;
	s2 =	sshra.s32 @!p1 s2, $0x2;
	s4 =	sadd.s32 @!p0 s9, s4  }
0x1df: {  	s2 =	sadd.s32 @!p1 $0x4280, s2;
	s9 =	simm.s32 @!p1 $0x400;
	s4 =	smul.u32 @!p0 $0x14, s4  }
0x1e0: {  	[tilespmem:s2], [sflag:$0x1] =	stream.strided.gather @!p1 [hbm4b:s0+s9], $0x1000, s13, s9, $0x38;
	[tilespmem:$0x18300] =	vst v63  }
0x1e1: {  	s0 =	ssub.s32 @!p0 s28, s4  }
0x1e2: {  	s2 =	sadd.s32 $0xFFFFFFFF, s22;
	s9 =	sand.u32 @!p0 $0xFFFFF80, s10;
	s0 =	sshll.u32 @!p0 s0, $0xE  }
0x1e3: {  	s10 =	simm.s32 @!p0 $0x400;
	s13 =	simm.s32 @!p0 $0x7A1400;
	s0 =	sshra.s32 @!p0 s0, $0x2  }
0x1e4: {  	s5 =	smulhi.u32 $0x66666667, s2;
	s9 =	sadd.s32 @!p0 s1, s9;
	s0 =	sadd.s32 @!p0 $0x4280, s0  }
0x1e5: {  	[tilespmem:s0], [sflag:$0x1] =	stream.strided.gather @!p0 [hbm4b:s9+s10], $0x1000, s13, s10, $0x38;
	[tilespmem:$0x18300] =	vst v63  }
0x1e6: {  	p0 =	sne.s32 s24, s31;
	s0 =	simm.s32 $0x1;
	s9 =	spop (v2sf)  }
0x1e7: {  	s13 =	sshra.s32 s2, $0x1F;
	s0 =	simm.s32 @!p0 $0x0;
	s22 =	sand.u32 $0xFFFFFF80, s9  }
0x1e8: {  	s10 =	smul.u32 $0x66666667, s13;
	s31 =	sadd.s32 s0, s28;
	p0 =	seq.s32 s22, s24  }
0x1e9: {  	s0 =	sadd.s32 $0xFFFFFFFF, s25;
	s12 =	smulhi.u32 @!p0 $0x66666667, s31;
	s13 =	sshra.s32 @!p0 s31, $0x1F  }
0x1ea: {  	s4 =	sadd.s32 s10, s5;
	s5 =	smulhi.u32 $0x66666667, s0;
	s25 =	sshra.s32 s0, $0x1F  }
0x1eb: {  	s26 =	sadd.s32 $0xFFFFFFFF, s26;
	s9 =	sand.u32 @!p0 $0xFFFFF80, s9;
	s10 =	smul.u32 @!p0 $0x66666667, s13  }
0x1ec: {  	s17 =	sshrl.u32 s4, $0x1F;
	s4 =	sshra.s32 s4, $0x3;
	s25 =	smul.u32 $0x66666667, s25  }
0x1ed: {  	v38 =	vsub.f32 v45, v38;
	s9 =	sadd.s32 @!p0 s1, s9;
	s4 =	sadd.s32 s17, s4;
	s10 =	sadd.s32 @!p0 s10, s12  }
0x1ee: {  	s5 =	sadd.s32 s25, s5;
	s12 =	sshrl.u32 @!p0 s10, $0x1F;
	s10 =	sshrl.u32 @!p0 s10, $0x3  }
0x1ef: {  	v45 =	vsub.f32 v43, v37;
	v10 =	vmul.f32 v38, v38;
	s4 =	smul.u32 $0x14, s4;
	s17 =	sshrl.u32 s5, $0x1F;
	s10 =	sadd.s32 @!p0 s12, s10  }
0x1f0: {  	s13 =	sshra.s32 s5, $0x3;
	s5 =	sshra.s32 s26, $0x1F;
	s10 =	smul.u32 @!p0 $0x14, s10  }
0x1f1: {  	v10 =	vadd.f32 v10, v36;
	v12 =	vsub.f32 v48, v41;
	v11 =	vmul.f32 v45, v45;
	s2 =	ssub.s32 s2, s4;
	s25 =	sadd.s32 s17, s13;
	s12 =	smulhi.u32 $0x66666667, s26  }
0x1f2: {  	s17 =	sshll.u32 s23, $0x7;
	s13 =	smul.u32 $0x66666667, s5;
	s10 =	ssub.s32 @!p0 s31, s10  }
0x1f3: {  	v48 =	vsub.f32 v46, v39;
	v10 =	vadd.f32 v11, v10;
	v12 =	vmul.f32 v12, v12;
	s23 =	sadd.s32 $0xFFFFFFFF, s29;
	s4 =	smul.u32 $0x14, s25;
	s10 =	sshll.u32 @!p0 s10, $0xE  }
0x1f4: {  	s29 =	simm.s32 @!p0 $0x7A1400;
	s25 =	simm.s32 @!p0 $0x400;
	s10 =	sshra.s32 @!p0 s10, $0x2  }
0x1f5: {  	v11 =	vmul.f32 v48, v48;
	v10 =	vadd.f32 v12, v10;
	v12 =	vsub.f32 v52, v42;
	s5 =	sshra.s32 s23, $0x1F;
	s0 =	ssub.s32 s0, s4;
	s10 =	sadd.s32 @!p0 $0x4280, s10  }
0x1f6: {  	[tilespmem:s10], [sflag:$0x1] =	stream.strided.gather @!p0 [hbm4b:s9+s25], $0x1000, s29, s25, $0x38;
	[tilespmem:$0x18300] =	vst v63  }
0x1f7: {  	v52 =	vsub.f32 v51, v40;
	v10 =	vadd.f32 v11, v10;
	v12 =	vmul.f32 v12, v12;
	s4 =	sadd.s32 $0xFFFFFFFF, s28;
	s25 =	sadd.s32 s13, s12;
	s10 =	smulhi.u32 $0x66666667, s23  }
0x1f8: {  	s12 =	smul.u32 $0x66666667, s5;
	s29 =	sadd.s32 $0xFFFFFFFF, s30;
	p0 =	sne.s32 s22, s24  }
0x1f9: {  	v11 =	vmul.f32 v52, v52;
	v10 =	vadd.f32 v12, v10;
	v12 =	vsub.f32 v60, v47;
	s13 =	sshrl.u32 s25, $0x1F;
	s9 =	sshra.s32 s25, $0x3;
	s30 =	smulhi.u32 $0x66666667, s29  }
0x1fa: {  	s5 =	sshra.s32 s29, $0x1F;
	s25 =	sand.u32 $0x180, s17;
	s9 =	sadd.s32 s13, s9  }
0x1fb: {  	v54 =	vsub.f32 v54, v44;
	v10 =	vadd.f32 v11, v10;
	v12 =	vmul.f32 v12, v12;
	s5 =	smul.u32 $0x66666667, s5;
	[smem:s25] =	sst s2;
	s12 =	sadd.s32 s12, s10  }
0x1fc: {  	s9 =	smul.u32 $0x14, s9;
	s10 =	sshrl.u32 s12, $0x1F;
	s2 =	sshra.s32 s12, $0x3  }
0x1fd: {  	v6 =	vsub.f32 v6, v53;
	v11 =	vmul.f32 v54, v54;
	v10 =	vadd.f32 v12, v10;
	[smem:s25+$0x1] =	sst s0;
	s5 =	sadd.s32 s5, s30;
	s2 =	sadd.s32 s10, s2  }
0x1fe: {  	s10 =	sadd.s32 $0xFFFFFFFF, s31;
	s13 =	sshrl.u32 s5, $0x1F;
	s2 =	smul.u32 $0x14, s2  }
0x1ff: {  	v6 =	vmul.f32 v6, v6;
	v60 =	vsub.f32 v61, v49;
	v10 =	vadd.f32 v11, v10;
	s5 =	sshra.s32 s5, $0x3;
	s12 =	ssub.s32 s26, s9;
	s24 =	smulhi.u32 $0x66666667, s10  }
0x200: {  	s26 =	sshra.s32 s10, $0x1F;
	s17 =	sadd.s32 s13, s5;
	s13 =	smulhi.u32 $0x66666667, s4  }
0x201: {  	s21 =	sadd.s32 $0x1, s21;
	v9 =	vsub.f32 v9, v58;
	v61 =	vmul.f32 v60, v60;
	v6 =	vadd.f32 v6, v10;
	[smem:s25+$0x2] =	sst s12;
	s28 =	smul.u32 $0x66666667, s26  }
0x202: {  	s12 =	simm.s32 $0x1;
	s30 =	smul.u32 $0x14, s17;
	s17 =	sshra.s32 s4, $0x1F  }
0x203: {  	v7 =	vsub.f32 v7, v55;
	v9 =	vmul.f32 v9, v9;
	v6 =	vadd.f32 v61, v6;
	s2 =	ssub.s32 s23, s2;
	s12 =	simm.s32 @!p0 $0x0;
	p0 =	seq.s32 s21, $0x3E  }
0x204: {  	s23 =	smul.u32 $0x66666667, s17;
	[smem:s25+$0x3] =	sst s2;
	s12 =	sadd.s32 s12, s31  }
0x205: {  	v7 =	vmul.f32 v7, v7;
	v8 =	vsub.f32 v8, v62;
	v6 =	vadd.f32 v9, v6;
	s2 =	sadd.s32 s28, s24;
	s0 =	ssub.s32 s29, s30;
	s9 =	sadd.s32 $0xFFFFFFFF, s12  }
0x206: {  	s24 =	sshrl.u32 s2, $0x1F;
	s29 =	smulhi.u32 $0x66666667, s9;
	s30 =	sshra.s32 s9, $0x1F  }
0x207: {  	v4 =	vsub.f32 v4, v56;
	v62 =	vmul.f32 v8, v8;
	v6 =	vadd.f32 v7, v6;
	s2 =	sshra.s32 s2, $0x3;
	s5 =	sadd.s32 s23, s13;
	s17 =	smul.u32 $0x66666667, s30  }
0x208: {  	s2 =	sadd.s32 s24, s2;
	s31 =	sshrl.u32 s5, $0x1F;
	s5 =	sshra.s32 s5, $0x3  }
0x209: {  	v4 =	vmul.f32 v4, v4;
	v5 =	vsub.f32 v5, v57;
	v6 =	vadd.f32 v62, v6;
	s2 =	smul.u32 $0x14, s2;
	s5 =	sadd.s32 s31, s5;
	s13 =	sadd.s32 s17, s29  }
0x20a: {  	s5 =	smul.u32 $0x14, s5;
	s17 =	sshrl.u32 s13, $0x1F;
	s13 =	sshra.s32 s13, $0x3  }
.Ltmp3:
0x20b: {  	v5 =	vmul.f32 v5, v5;
	v63 =	vsub.f32 v59, v50;
	v4 =	vadd.f32 v4, v6;
	s28 =	sadd.s32 s17, s13;
	(pc) =	sbr.rel @p0 .LBB2_7-.Ltmp3, $4  }
0x20c: {  	[smem:s25+$0x4] =	sst s0;
	s26 =	ssub.s32 s4, s5;
	s30 =	smul.u32 $0x14, s28  }
0x20d: {  	v4 =	vadd.f32 v5, v4;
	v5 =	vmul.f32 v63, v63;
	s29 =	ssub.s32 s10, s2;
	[smem:s25+$0x5] =	sst s26  }
0x20e: {  	s23 =	ssub.s32 s12, s19;
	[smem:s25+$0x6] =	sst s29;
	s31 =	ssub.s32 s9, s30  }
0x20f: {  	v36 =	vadd.f32 v5, v4;
	s24 =	smov.u32 s20;
	s19 =	smov.u32 s12;
	[smem:s25+$0x7] =	sst s31  }
.LBB2_2:
0x210: {  	p0 =	slt.s32 s24, $0x1  }
.Ltmp4:
0x211: {  	_ = 	snop;
	(pc) =	sbr.rel @p0 .LBB2_6-.Ltmp4, $2  }
0x212: {  	_ =	sdelay $0x2  }
0x213: {  	s20 =	smov.u32 s23  }
0x214: {  	p0 =	sne.s32 s24, $0x1  }
.Ltmp5:
0x215: {  	_ = 	snop;
	(pc) =	sbr.rel @!p0 .LBB2_5-.Ltmp5, $3  }
0x216: {  	_ =	sdelay $0x1  }
0x217: {  	_ =	swait.ge [sflag:s15], $0x1000  }
0x218: {  	s0 =	sadd.s32 $0xFFFFFFFF, s24;
	[sflag:s15] =	ssyncset.done $0x0  }
.LBB2_4:
0x219: {  	p0 =	sne.s32 s0, $0x1;
	s0 =	sadd.s32 $0xFFFFFFFF, s0;
	[sflag:s15] =	ssyncadd.s32 $0xFFFFF000  }
.Ltmp6:
0x21a: {  	(pc) =	sbr.rel @p0 .LBB2_4-.Ltmp6, $3  }
0x21b: {  	_ =	sdelay $0x1  }
0x21c: {  	_ =	swait.ge [sflag:s15], $0x1000  }
0x21d: {  	[sflag:s15] =	ssyncset.done $0x0  }
.Ltmp7:
0x21e: {  	_ = 	snop;
	(pc) =	sbr.rel .LBB2_5-.Ltmp7, $1  }
0x21f: {  	_ =	sdelay $0x3  }
.LBB2_7:
0x220: {  	p0 =	sgt.s32 s20, $0x0  }
.Ltmp8:
0x221: {  	_ = 	snop;
	(pc) =	sbr.rel @!p0 .LBB2_11-.Ltmp8, $1  }
0x222: {  	_ =	sdelay $0x3  }
0x223: {  	p0 =	sne.s32 s20, $0x1  }
.Ltmp9:
0x224: {  	_ = 	snop;
	(pc) =	sbr.rel @!p0 .LBB2_10-.Ltmp9, $3  }
0x225: {  	_ =	sdelay $0x1  }
0x226: {  	_ =	swait.ge [sflag:s15], $0x1000  }
0x227: {  	s0 =	sadd.s32 $0xFFFFFFFF, s20;
	[sflag:s15] =	ssyncset.done $0x0  }
.LBB2_9:
0x228: {  	p0 =	sne.s32 s0, $0x1;
	s0 =	sadd.s32 $0xFFFFFFFF, s0;
	[sflag:s15] =	ssyncadd.s32 $0xFFFFF000  }
.Ltmp10:
0x229: {  	(pc) =	sbr.rel @p0 .LBB2_9-.Ltmp10, $3  }
0x22a: {  	_ =	sdelay $0x1  }
0x22b: {  	_ =	swait.ge [sflag:s15], $0x1000  }
0x22c: {  	[sflag:s15] =	ssyncset.done $0x0  }
.LBB2_10:
0x22d: {  	[sflag:s15] =	ssyncadd.s32 $0xFFFFF000  }
.LBB2_11:
0x22e: {  	v4 =	vld [tilespmem:$0x1F0];
	_ =	sdelay $0x4  }
0x22f: {  	(v2sf) =	vpush v4, $0x0;
	_ =	sdelay $0xc  }
0x230: {  	s0 =	sld [smem:$0x100];
	_ =	sdelay $0x1  }
0x231: {  	s2 =	spop (v2sf)  }
0x232: {  	s0 =	sshll.u32 s0, $0xC;
	s2 =	sand.u32 $0x7F, s2  }
0x233: {  	s0 =	sor.u32 s0, s2  }
0x234: {  	(v2sf) =	vpush v4, $0x1;
	v6 =	vor.u32 s0, v1  }
0x235: {  	(v2sf) =	vpush v4, $0x2  }
0x236: {  	(v2sf) =	vpush v4, $0x3;
	_ =	sdelay $0x2  }
0x237: {  	v7 =	vld.idx.msk [tilespmem:v6+s14+$0x0], $0xffff  }
0x238: {  	v6 =	vld [tilespmem:$0x1FF70];
	_ =	sdelay $0x7  }
0x239: {  	(v2sf) =	vpush v4, $0x4;
	v38 =	vld.idx.msk [tilespmem:v6+s11+$0x0], $0xffff  }
0x23a: {  	s13 =	spop (v2sf);
	(v2sf) =	vpush v4, $0x5;
	v6 =	vld [tilespmem:$0x1FF80]  }
0x23b: {  	s12 =	sld [smem:$0x101];
	s19 =	spop (v2sf);
	(v2sf) =	vpush v4, $0x6  }
0x23c: {  	s21 =	spop (v2sf);
	(v2sf) =	vpush v4, $0x7;
	v4 =	vld [tilespmem:$0x1FF90]  }
0x23d: {  	s17 =	sld [smem:$0x102]  }
0x23e: {  	s2 =	sshll.u32 s12, $0xC;
	v5 =	vor.u32 s0, v0;
	s0 =	sand.u32 $0x7F, s13  }
0x23f: {  	s0 =	sor.u32 s0, s2  }
0x240: {  	s2 =	sshll.u32 s17, $0xC;
	v8 =	vor.u32 s0, v0;
	v10 =	vor.u32 s0, v1;
	s0 =	sand.u32 $0x7F, s19  }
0x241: {  	s0 =	sor.u32 s0, s2  }
0x242: {  	v40 =	vld.idx.msk [tilespmem:v6+s11+$0x0], $0xffff;
	v6 =	vor.u32 s0, v0;
	_ =	sdelay $0x1  }
0x243: {  	v43 =	vld.idx.msk [tilespmem:v4+s11+$0x0], $0xffff  }
0x244: {  	v4 =	vld [tilespmem:$0x1FFA0];
	_ =	sdelay $0x1  }
0x245: {  	v44 =	vld.idx.msk [tilespmem:v6+s14+$0x0], $0xffff  }
0x246: {  	s20 =	sld [smem:$0x103];
	v6 =	vld [tilespmem:$0x1FFB0];
	_ =	sdelay $0x2  }
0x247: {  	s2 =	sshll.u32 s20, $0xC;
	v9 =	vld.idx.msk [tilespmem:v8+s14+$0x0], $0xffff;
	v8 =	vor.u32 s0, v1;
	s0 =	sand.u32 $0x7F, s21  }
0x248: {  	s0 =	sor.u32 s0, s2  }
0x249: {  	v45 =	vld.idx.msk [tilespmem:v4+s11+$0x0], $0xffff;
	v4 =	vor.u32 s0, v0;
	_ =	sdelay $0x2  }
0x24a: {  	v49 =	vld.idx.msk [tilespmem:v6+s11+$0x0], $0xffff  }
0x24b: {  	v6 =	vld [tilespmem:$0x1FFC0]  }
0x24c: {  	v50 =	vld.idx.msk [tilespmem:v4+s14+$0x0], $0xffff  }
0x24d: {  	v4 =	vld [tilespmem:$0x1FFD0]  }
0x24e: {  	s22 =	sld [smem:$0x104];
	_ =	sdelay $0x1  }
0x24f: {  	s24 =	spop (v2sf)  }
0x250: {  	v39 =	vld.idx.msk [tilespmem:v10+s14+$0x0], $0xffff;
	s2 =	sshll.u32 s22, $0xC;
	v10 =	vor.u32 s0, v1;
	s0 =	sand.u32 $0x7F, s24  }
0x251: {  	s0 =	sor.u32 s0, s2  }
0x252: {  	v52 =	vld.idx.msk [tilespmem:v6+s11+$0x0], $0xffff;
	v6 =	vor.u32 s0, v0;
	_ =	sdelay $0x1  }
0x253: {  	v56 =	vld.idx.msk [tilespmem:v4+s11+$0x0], $0xffff  }
0x254: {  	v4 =	vld [tilespmem:$0x1FFE0];
	_ =	sdelay $0x1  }
0x255: {  	v57 =	vld.idx.msk [tilespmem:v6+s14+$0x0], $0xffff  }
0x256: {  	s25 =	sld [smem:$0x105];
	v6 =	vld [tilespmem:$0x1FFF0]  }
0x257: {  	v61 =	vld.idx.msk [tilespmem:v13+s11+$0x0], $0xffff  }
0x258: {  	v62 =	vld.idx.msk [tilespmem:v14+s11+$0x0], $0xffff;
	s26 =	spop (v2sf)  }
0x259: {  	s28 =	sld [smem:$0x106];
	v41 =	vld.idx.msk [tilespmem:v8+s14+$0x0], $0xffff;
	s2 =	sshll.u32 s25, $0xC;
	v8 =	vor.u32 s0, v1;
	s0 =	sand.u32 $0x7F, s26  }
0x25a: {  	v59 =	vld.idx.msk [tilespmem:v15+s11+$0x0], $0xffff;
	s0 =	sor.u32 s0, s2  }
0x25b: {  	s29 =	spop (v2sf);
	v58 =	vld.idx.msk [tilespmem:v4+s11+$0x0], $0xffff;
	v4 =	vor.u32 s0, v0  }
0x25c: {  	v48 =	vld.idx.msk [tilespmem:v10+s14+$0x0], $0xffff;
	s2 =	sshll.u32 s28, $0xC;
	v10 =	vor.u32 s0, v1;
	s0 =	sand.u32 $0x7F, s29  }
0x25d: {  	s30 =	sld [smem:$0x107];
	v53 =	vld.idx.msk [tilespmem:v16+s11+$0x0], $0xffff;
	s0 =	sor.u32 s0, s2  }
0x25e: {  	v60 =	vld.idx.msk [tilespmem:v6+s11+$0x0], $0xffff;
	v6 =	vor.u32 s0, v0  }
0x25f: {  	v46 =	vld.idx.msk [tilespmem:v17+s11+$0x0], $0xffff;
	s31 =	spop (v2sf)  }
0x260: {  	s2 =	sshll.u32 s30, $0xC;
	v55 =	vld.idx.msk [tilespmem:v4+s14+$0x0], $0xffff;
	v4 =	vor.u32 s0, v1;
	s0 =	sand.u32 $0x7F, s31  }
0x261: {  	v37 =	vld.idx.msk [tilespmem:v18+s11+$0x0], $0xffff;
	s0 =	sor.u32 s0, s2  }
0x262: {  	v54 =	vld.idx.msk [tilespmem:v8+s14+$0x0], $0xffff;
	v8 =	vor.u32 s0, v0  }
0x263: {  	v47 =	vld.idx.msk [tilespmem:v6+s14+$0x0], $0xffff;
	v6 =	vor.u32 s0, v1  }
0x264: {  	p0 =	slt.s32 s23, $0x1;
	v5 =	vld.idx.msk [tilespmem:v5+s14+$0x0], $0xffff  }
.Ltmp11:
0x265: {  	v51 =	vld.idx.msk [tilespmem:v10+s14+$0x0], $0xffff;
	(pc) =	sbr.rel @p0 .LBB2_15-.Ltmp11, $4  }
0x266: {  	v42 =	vld.idx.msk [tilespmem:v4+s14+$0x0], $0xffff  }
0x267: {  	v8 =	vld.idx.msk [tilespmem:v8+s14+$0x0], $0xffff  }
0x268: {  	v4 =	vld.idx.msk [tilespmem:v6+s14+$0x0], $0xffff  }
0x269: {  	s0 =	simm.s32 $0x0;
	v6 =	vld.idx.msk [tilespmem:v19+s11+$0x0], $0xffff  }
0x26a: {  	s0 =	sadd.s32 $0x1, s0  }
0x26b: {  	p0 =	slt.u32 s0, s23  }
.Ltmp12:
0x26c: {  	_ = 	snop;
	(pc) =	sbr.rel @!p0 .LBB2_14-.Ltmp12, $3  }
0x26d: {  	_ =	sdelay $0x1  }
0x26e: {  	_ =	swait.ge [sflag:s15], $0x1000  }
0x26f: {  	[sflag:s15] =	ssyncset.done $0x0  }
.LBB2_13:
0x270: {  	s0 =	sadd.s32 $0x1, s0  }
0x271: {  	[sflag:s15] =	ssyncadd.s32 $0xFFFFF000;
	p0 =	slt.u32 s0, s23  }
.Ltmp13:
0x272: {  	(pc) =	sbr.rel @p0 .LBB2_13-.Ltmp13, $3  }
0x273: {  	_ =	sdelay $0x1  }
0x274: {  	_ =	swait.ge [sflag:s15], $0x1000  }
0x275: {  	[sflag:s15] =	ssyncset.done $0x0  }
.Ltmp14:
0x276: {  	_ = 	snop;
	(pc) =	sbr.rel .LBB2_14-.Ltmp14, $1  }
0x277: {  	_ =	sdelay $0x3  }
.LBB2_16:
0x278: {  	_ =	sfence.sel $0x180000  }
0x279: {  	[bflag:$0x0] =	sbarrier.arrive $0xFFFF  }
0x27a: {  	_ =	strace $0x9000004D  }
0x27b: {  	s0 =	stileid.u32;
	[bflag:$0x2] =	sbarrier.arrive $0xFFFF  }
0x27c: {  	p0 =	sne.s32 s0, $0x0;
	s0 =	rddreg [dreg:$0x2]  }
0x27d: {  	s0 =	sadd.s32 @!p0 $0x100000, s0  }
0x27e: {  	[sflag:s0] =	ssyncadd.tile.s32 @!p0 $0x1;
	_ =	shalt  }
.Lfunc_end2:
_tile_overlayer_lowered:
.L_overlay_start_2:
0x27f: {  	(tag) =	ssettag $0x2  }
0x280: {  	s0 =	rddreg [dreg:$0x0];
	s2 =	stileid.u32  }
0x281: {  	s1 =	rddreg [dreg:$0x1];
	p0 =	sne.s32 s2, $0x0  }
0x282: {  	s3 =	rddreg [dreg:$0x2];
	[bflag:$0x3] =	sbarrier.arrive $0xFFFF;
	s2 =	simm.s32 @!p0 $0x1C03  }
0x283: {  	[timem:s3], [sflag:s2] =	dma.local @!p0 [hbm:s0], s1  }
0x284: {  	s0 =	simm.s32 @!p0 $0x3  }
0x285: {  	_ =	swait.ge @!p0 [sflag:s0], s1  }
0x286: {  	s1 =	ssub.s32 @!p0 $0x0, s1;
	[sflag:s0] =	ssyncset.done @!p0 $0x0  }
0x287: {  	[sflag:s0] =	ssyncadd.s32 @!p0 s1  }
0x288: {  	[bflag:$0x3] =	sbarrier.arrive $0xFFFF  }
0x289: {  	_ =	shalt  }

</sc_bundles>
